<compile_context>
chip_gen: v7x
topology: tpu7x:2x2x1
jax: 0.10.2.dev20260603
libtpu: 0.0.44.dev20260713+nightly
codegen_flags: <defaults>
</compile_context>

<pallas_src>
import functools

import jax
import jax.numpy as jnp
from jax import lax
from jax.experimental import pallas as pl
from jax.experimental.pallas import tpu as pltpu
from jax.experimental.pallas import tpu_sc as plsc

_B = 16384
_D = 64
_DP = 128
_NT = 7
_NC = 2
_NS = 16
_NW = _NC * _NS
_CHUNK = 128

_GW = 4 * _DP
_DW = 32
_H1 = 192
_H2 = 256
_V1 = 128
_V2 = 256

_NSPLIT = 2
_S = _B // _NSPLIT


def _sc_gather_body(rpw, t0, t1, t2, t3, t4, t5, t6,
                    idx_hbm, out_hbm, idx_all, a0, a1, b0, b1,
                    ga0, ga1, gb0, gb1, ws0, ws1, isem):
    tables = (t0, t1, t2, t3, t4, t5, t6)
    abufs = (a0, a1)
    bbufs = (b0, b1)
    gasems = (ga0, ga1)
    gbsems = (gb0, gb1)
    wsems = (ws0, ws1)
    nchunk = rpw // _CHUNK
    wid = lax.axis_index("s") * _NC + lax.axis_index("c")
    wbase = wid * rpw
    pltpu.async_copy(idx_hbm.at[:, pl.ds(wbase, rpw)], idx_all, isem).wait()

    steps = [(p, c) for p in range(4) for c in range(nchunk)]
    gacp = [None] * len(steps)
    gbcp = [None] * len(steps)
    wcp = [None] * len(steps)

    def fire_gathers(s):
        p, c = steps[s]
        k = s % 2
        gacp[s] = pltpu.async_copy(
            tables[2 * p].at[idx_all.at[2 * p, pl.ds(c * _CHUNK, _CHUNK)]],
            abufs[k], gasems[k])
        if p < 3:
            gbcp[s] = pltpu.async_copy(
                tables[2 * p + 1].at[idx_all.at[2 * p + 1,
                                                pl.ds(c * _CHUNK, _CHUNK)]],
                bbufs[k], gbsems[k])

    def merge_write(s):
        p, c = steps[s]
        k = s % 2
        a, b = abufs[k], bbufs[k]
        gacp[s].wait()
        if p < 3:
            gbcp[s].wait()

            def mrow(r, carry):
                for c4 in range(_D // 16):
                    a[r, pl.ds(_D + 16 * c4, 16)] = b[r, pl.ds(16 * c4, 16)]
                return carry
            lax.fori_loop(0, _CHUNK, mrow, 0)
        wcp[s] = pltpu.async_copy(
            a,
            out_hbm.at[pl.ds(wbase + c * _CHUNK, _CHUNK),
                       pl.ds(p * _DP, _DP)],
            wsems[k])

    for s in range(len(steps)):
        if s >= 2:
            wcp[s - 2].wait()
        fire_gathers(s)
        if s >= 1:
            merge_write(s - 1)
    merge_write(len(steps) - 1)
    for s in range(max(0, len(steps) - 2), len(steps)):
        wcp[s].wait()


@functools.cache
def _get_sc_gather(rows):
    rpw = rows // _NW
    return pl.kernel(
        functools.partial(_sc_gather_body, rpw),
        mesh=plsc.VectorSubcoreMesh(core_axis_name="c", subcore_axis_name="s"),
        out_type=jax.ShapeDtypeStruct((rows, _GW), jnp.float32),
        scratch_types=[
            pltpu.VMEM((10, rpw), jnp.int32),
            pltpu.VMEM((_CHUNK, _DP), jnp.float32),
            pltpu.VMEM((_CHUNK, _DP), jnp.float32),
            pltpu.VMEM((_CHUNK, _DP), jnp.float32),
            pltpu.VMEM((_CHUNK, _DP), jnp.float32),
            pltpu.SemaphoreType.DMA,
            pltpu.SemaphoreType.DMA,
            pltpu.SemaphoreType.DMA,
            pltpu.SemaphoreType.DMA,
            pltpu.SemaphoreType.DMA,
            pltpu.SemaphoreType.DMA,
            pltpu.SemaphoreType.DMA,
        ],
    )


_BLK = 1024


def _mlp_body(g_ref, d_ref, imst_ref, imcc_ref, iz4_ref,
              tmst_ref, tmcc_ref, tz4_ref,
              wmst_ref, wmcc_ref, wz4_ref, wg_ref, wd_ref, bd_ref, whd_ref,
              we_ref, bh_ref, wo_ref, bo_ref, o_ref):
    d = d_ref[...]
    a = jnp.maximum(
        jnp.dot(d, wd_ref[...], preferred_element_type=jnp.float32)
        + bd_ref[...], 0.0)
    h = jnp.dot(g_ref[...], wg_ref[...], preferred_element_type=jnp.float32)

    oh_mst = (imst_ref[...]
              == lax.broadcasted_iota(jnp.int32, (_BLK, _V2), 1)
              ).astype(jnp.float32)
    oh_mcc = (imcc_ref[...]
              == lax.broadcasted_iota(jnp.int32, (_BLK, _V1), 1)
              ).astype(jnp.float32)
    oh_z4 = (iz4_ref[...]
             == lax.broadcasted_iota(jnp.int32, (_BLK, _V1), 1)
             ).astype(jnp.float32)
    gmst = jnp.dot(oh_mst, tmst_ref[...], preferred_element_type=jnp.float32)
    gmcc = jnp.dot(oh_mcc, tmcc_ref[...], preferred_element_type=jnp.float32)
    gz4 = jnp.dot(oh_z4, tz4_ref[...], preferred_element_type=jnp.float32)
    h = h + jnp.dot(gmst, wmst_ref[...], preferred_element_type=jnp.float32)
    h = h + jnp.dot(gmcc, wmcc_ref[...], preferred_element_type=jnp.float32)
    h = h + jnp.dot(gz4, wz4_ref[...], preferred_element_type=jnp.float32)

    h = h + jnp.dot(a, whd_ref[...], preferred_element_type=jnp.float32)
    h = h + jnp.dot(d, we_ref[...], preferred_element_type=jnp.float32)
    h = jnp.maximum(h + bh_ref[...], 0.0)
    o = jnp.dot(h, wo_ref[...], preferred_element_type=jnp.float32) + bo_ref[...]
    o_ref[...] = jax.nn.sigmoid(o)


@functools.cache
def _get_mlp(rows):
    return pl.pallas_call(
        _mlp_body,
        grid=(rows // _BLK,),
        in_specs=[
            pl.BlockSpec((_BLK, _GW), lambda i: (i, 0)),
            pl.BlockSpec((_BLK, _DW), lambda i: (i, 0)),
            pl.BlockSpec((_BLK, 1), lambda i: (i, 0)),
            pl.BlockSpec((_BLK, 1), lambda i: (i, 0)),
            pl.BlockSpec((_BLK, 1), lambda i: (i, 0)),
            pl.BlockSpec((_V2, _D), lambda i: (0, 0)),
            pl.BlockSpec((_V1, _D), lambda i: (0, 0)),
            pl.BlockSpec((_V1, _D), lambda i: (0, 0)),
            pl.BlockSpec((_D, _H2), lambda i: (0, 0)),
            pl.BlockSpec((_D, _H2), lambda i: (0, 0)),
            pl.BlockSpec((_D, _H2), lambda i: (0, 0)),
            pl.BlockSpec((_GW, _H2), lambda i: (0, 0)),
            pl.BlockSpec((_DW, _H1), lambda i: (0, 0)),
            pl.BlockSpec((1, _H1), lambda i: (0, 0)),
            pl.BlockSpec((_H1, _H2), lambda i: (0, 0)),
            pl.BlockSpec((_DW, _H2), lambda i: (0, 0)),
            pl.BlockSpec((1, _H2), lambda i: (0, 0)),
            pl.BlockSpec((_H2, 1), lambda i: (0, 0)),
            pl.BlockSpec((1, 1), lambda i: (0, 0)),
        ],
        out_specs=pl.BlockSpec((_BLK, 1), lambda i: (i, 0)),
        out_shape=jax.ShapeDtypeStruct((rows, 1), jnp.float32),
    )


def kernel(user_id, amount, merchant_id, merchant_city, merchant_state, mcc,
           zip_2, zip_4, user_avg_amount, merchant_avg_amount, card_id,
           use_chip, zip_1, errors, E_user_id, E_amount, E_mer_id, E_mer_ct,
           E_mer_st, E_mcc, E_zip2, E_zip4, E_user_avg, E_mer_avg, W_card,
           b_card, W_chip, b_chip, W_zip1, b_zip1, W_hidden, b_hidden, W_out,
           b_out):
    idx = jnp.pad(jnp.concatenate(
        [user_id, amount, merchant_id, merchant_city, zip_2,
         user_avg_amount, merchant_avg_amount],
        axis=1).astype(jnp.int32), ((0, 0), (0, 3))).T
    imst = merchant_state.astype(jnp.int32)
    imcc = mcc.astype(jnp.int32)
    iz4 = zip_4.astype(jnp.int32)

    tables = [E_user_id, E_amount, E_mer_id, E_mer_ct, E_zip2,
              E_user_avg, E_mer_avg]
    tables = [jnp.pad(t, ((0, 0), (0, _DP - _D))) for t in tables]
    tmst = jnp.pad(E_mer_st, ((0, _V2 - E_mer_st.shape[0]), (0, 0)))
    tmcc = jnp.pad(E_mcc, ((0, _V1 - E_mcc.shape[0]), (0, 0)))
    tz4 = jnp.pad(E_zip4, ((0, _V1 - E_zip4.shape[0]), (0, 0)))

    dpack = jnp.concatenate(
        [card_id, use_chip, zip_1, errors,
         jnp.zeros((_B, _DW - 17), jnp.float32)], axis=1)

    Wh = W_hidden
    segs = [
        Wh[0:64],
        Wh[128:192],
        Wh[200:264],
        Wh[264:328],
        Wh[648:712],
        Wh[776:840],
        Wh[840:904],
        jnp.zeros((_D, _H2), jnp.float32),
    ]
    wg = jnp.concatenate(segs, axis=0)
    wmst = Wh[328:392]
    wmcc = Wh[392:456] + Wh[456:520]
    wz4 = Wh[712:776]
    whd = jnp.concatenate([Wh[64:128], Wh[520:584], Wh[584:648]],
                          axis=0)
    we = jnp.zeros((_DW, _H2), jnp.float32).at[9:17].set(Wh[192:200])
    wd = (jnp.zeros((_DW, _H1), jnp.float32)
          .at[0:4, 0:64].set(W_card)
          .at[4:7, 64:128].set(W_chip)
          .at[7:9, 128:192].set(W_zip1))
    bd = jnp.concatenate([b_card, b_chip, b_zip1])[None, :]
    bh = b_hidden[None, :]
    bo = b_out[None, :]

    sc = _get_sc_gather(_S)
    mlp = _get_mlp(_S)
    outs = []
    for i in range(_NSPLIT):
        g = sc(*tables, lax.slice(idx, (0, i * _S), (10, (i + 1) * _S)))
        outs.append(mlp(g, lax.slice(dpack, (i * _S, 0), ((i + 1) * _S, _DW)),
                        lax.slice(imst, (i * _S, 0), ((i + 1) * _S, 1)),
                        lax.slice(imcc, (i * _S, 0), ((i + 1) * _S, 1)),
                        lax.slice(iz4, (i * _S, 0), ((i + 1) * _S, 1)),
                        tmst, tmcc, tz4, wmst, wmcc, wz4,
                        wg, wd, bd, whd, we, bh, W_out, bo))
    return jnp.concatenate(outs, axis=0)

# --- scband reference (transcript-rebuilt; emitter-appended) ---
"""Pipeline reference for scband-logistic-model-69578470195920 (READ-ONLY COPY).

The authoritative reference and input builder live on the scoring server;
editing this copy changes nothing except your own understanding.
"""

import jax, jax.numpy as jnp
import numpy as np

B = 16384
D = 64
UNITS = 256


def setup_inputs(seed: int = 0) -> dict:
    key = jax.random.key(seed)
    ks = jax.random.split(key, 40)
    inp = {}
    # integer index inputs [B, 1]
    inp['user_id'] = jax.random.randint(ks[0], (B, 1), 0, 2000)
    inp['amount'] = jax.random.randint(ks[1], (B, 1), 0, 20000)
    inp['merchant_id'] = jax.random.randint(ks[2], (B, 1), 0, 25076)
    inp['merchant_city'] = jax.random.randint(ks[3], (B, 1), 0, 4400)
    inp['merchant_state'] = jax.random.randint(ks[4], (B, 1), 0, 130)
    inp['mcc'] = jax.random.randint(ks[5], (B, 1), 0, 110)
    inp['zip_2'] = jax.random.randint(ks[6], (B, 1), 0, 1000)
    inp['zip_4'] = jax.random.randint(ks[7], (B, 1), 0, 100)
    inp['user_avg_amount'] = jax.random.randint(ks[8], (B, 1), 0, 2000)
    inp['merchant_avg_amount'] = jax.random.randint(ks[9], (B, 1), 0, 2000)
    # float dense-branch inputs
    inp['card_id'] = jax.random.normal(ks[10], (B, 4), dtype=jnp.float32)
    inp['use_chip'] = jax.random.normal(ks[11], (B, 3), dtype=jnp.float32)
    inp['zip_1'] = jax.random.normal(ks[12], (B, 2), dtype=jnp.float32)
    inp['errors'] = jax.random.normal(ks[13], (B, 8), dtype=jnp.float32)
    # embedding tables
    inp['E_user_id'] = jax.random.normal(ks[14], (2000, D), dtype=jnp.float32) * 0.05
    inp['E_amount'] = jax.random.normal(ks[15], (20000, D), dtype=jnp.float32) * 0.05
    inp['E_mer_id'] = jax.random.normal(ks[16], (25076, D), dtype=jnp.float32) * 0.05
    inp['E_mer_ct'] = jax.random.normal(ks[17], (4400, D), dtype=jnp.float32) * 0.05
    inp['E_mer_st'] = jax.random.normal(ks[18], (130, D), dtype=jnp.float32) * 0.05
    inp['E_mcc'] = jax.random.normal(ks[19], (110, D), dtype=jnp.float32) * 0.05
    inp['E_zip2'] = jax.random.normal(ks[20], (1000, D), dtype=jnp.float32) * 0.05
    inp['E_zip4'] = jax.random.normal(ks[21], (100, D), dtype=jnp.float32) * 0.05
    inp['E_user_avg'] = jax.random.normal(ks[22], (2000, D), dtype=jnp.float32) * 0.05
    inp['E_mer_avg'] = jax.random.normal(ks[23], (2000, D), dtype=jnp.float32) * 0.05
    # dense weights
    inp['W_card'] = jax.random.normal(ks[24], (4, D), dtype=jnp.float32) * 0.05
    inp['b_card'] = jnp.zeros((D,), dtype=jnp.float32)
    inp['W_chip'] = jax.random.normal(ks[25], (3, D), dtype=jnp.float32) * 0.05
    inp['b_chip'] = jnp.zeros((D,), dtype=jnp.float32)
    inp['W_zip1'] = jax.random.normal(ks[26], (2, D), dtype=jnp.float32) * 0.05
    inp['b_zip1'] = jnp.zeros((D,), dtype=jnp.float32)
    # concat width: 11 embeddings (mcc used twice) * 64 + 3 dense * 64 + 8 errors = 904
    inp['W_hidden'] = jax.random.normal(ks[27], (904, UNITS), dtype=jnp.float32) * 0.05
    inp['b_hidden'] = jnp.zeros((UNITS,), dtype=jnp.float32)
    inp['W_out'] = jax.random.normal(ks[28], (UNITS, 1), dtype=jnp.float32) * 0.05
    inp['b_out'] = jnp.zeros((1,), dtype=jnp.float32)
    return inp


def _emb(T, idx):
    return jnp.squeeze(jnp.take(T, idx, axis=0), axis=1)


def reference(user_id, amount, merchant_id, merchant_city, merchant_state, mcc, zip_2, zip_4,
              user_avg_amount, merchant_avg_amount, card_id, use_chip, zip_1, errors,
              E_user_id, E_amount, E_mer_id, E_mer_ct, E_mer_st, E_mcc, E_zip2, E_zip4,
              E_user_avg, E_mer_avg, W_card, b_card, W_chip, b_chip, W_zip1, b_zip1,
              W_hidden, b_hidden, W_out, b_out):
    user_id_out = _emb(E_user_id, user_id)
    amount_out = _emb(E_amount, amount)
    mer_id_out = _emb(E_mer_id, merchant_id)
    mer_ct_out = _emb(E_mer_ct, merchant_city)
    mer_st_out = _emb(E_mer_st, merchant_state)
    mcc_out = _emb(E_mcc, mcc)
    zip2_out = _emb(E_zip2, zip_2)
    zip4_out = _emb(E_zip4, zip_4)
    user_avg_out = _emb(E_user_avg, user_avg_amount)
    mer_avg_out = _emb(E_mer_avg, merchant_avg_amount)
    card_id_out = jax.nn.relu(card_id @ W_card + b_card)
    use_chip_out = jax.nn.relu(use_chip @ W_chip + b_chip)
    zip1_out = jax.nn.relu(zip_1 @ W_zip1 + b_zip1)
    x = jnp.concatenate([user_id_out, card_id_out, amount_out, errors, mer_id_out,
                         mer_ct_out, mer_st_out, mcc_out, mcc_out, use_chip_out,
                         zip1_out, zip2_out, zip4_out, user_avg_out, mer_avg_out], axis=1)
    x = jax.nn.relu(x @ W_hidden + b_hidden)
    # dropout is identity at inference
    out = jax.nn.sigmoid(x @ W_out + b_out)
    return out

if __name__ == "__main__":
    import jax
    _d = setup_inputs()
    print(jax.jit(kernel)(*tuple(_d.values())))

</pallas_src>

<mosaic_0001>
#map = affine_map<(d0, d1) -> (0, 0)>
module attributes {stable_mosaic.version = 14 : i64} {
  func.func @_sc_gather_body(%arg0: i32, %arg1: i32, %arg2: memref<2000x128xf32, #tpu.memory_space<hbm>>, %arg3: memref<20000x128xf32, #tpu.memory_space<hbm>>, %arg4: memref<25076x128xf32, #tpu.memory_space<hbm>>, %arg5: memref<4400x128xf32, #tpu.memory_space<hbm>>, %arg6: memref<1000x128xf32, #tpu.memory_space<hbm>>, %arg7: memref<2000x128xf32, #tpu.memory_space<hbm>>, %arg8: memref<2000x128xf32, #tpu.memory_space<hbm>>, %arg9: memref<10x8192xi32, #tpu.memory_space<hbm>>, %arg10: memref<8192x512xf32, #tpu.memory_space<hbm>>, %arg11: memref<10x256xi32, #tpu.memory_space<vmem>>, %arg12: memref<128x128xf32, #tpu.memory_space<vmem>>, %arg13: memref<128x128xf32, #tpu.memory_space<vmem>>, %arg14: memref<128x128xf32, #tpu.memory_space<vmem>>, %arg15: memref<128x128xf32, #tpu.memory_space<vmem>>, %arg16: memref<!tpu.dma_semaphore, #tpu.memory_space<semaphore_mem>>, %arg17: memref<!tpu.dma_semaphore, #tpu.memory_space<semaphore_mem>>, %arg18: memref<!tpu.dma_semaphore, #tpu.memory_space<semaphore_mem>>, %arg19: memref<!tpu.dma_semaphore, #tpu.memory_space<semaphore_mem>>, %arg20: memref<!tpu.dma_semaphore, #tpu.memory_space<semaphore_mem>>, %arg21: memref<!tpu.dma_semaphore, #tpu.memory_space<semaphore_mem>>, %arg22: memref<!tpu.dma_semaphore, #tpu.memory_space<semaphore_mem>>) attributes {dimension_semantics = [#tpu.dimension_semantics<core_parallel>, #tpu.dimension_semantics<subcore_parallel>], iteration_bounds = array<i64: 2, 16>, scalar_prefetch = 0 : i64, scratch_operands = 12 : i64, tpu.core_type = #tpu.core_type<sc_vector_subcore>, window_params = [{transform_indices = #map}, {transform_indices = #map}, {transform_indices = #map}, {transform_indices = #map}, {transform_indices = #map}, {transform_indices = #map}, {transform_indices = #map}, {transform_indices = #map}, {transform_indices = #map}]} {
    %mul3A = arith.constant 2 : i32
    %mul3A_0 = arith.muli %arg1, %mul3A : i32
    %add3A = arith.addi %mul3A_0, %arg0 : i32
    %mul3A_1 = arith.constant 256 : i32
    %mul3A_2 = arith.muli %add3A, %mul3A_1 : i32
    %dma_start3A = arith.constant 0 : i32
    %dma_start3A_3 = tpu.memref_slice %arg9[%dma_start3A, %mul3A_2] : memref<10x8192xi32, #tpu.memory_space<hbm>> -> memref<10x256xi32, #tpu.memory_space<hbm>>
    %dma_start3A_4 = arith.constant 0 : i32
    %dma_start3A_5 = tpu.memref_slice %arg9[%dma_start3A_4, %mul3A_2] : memref<10x8192xi32, #tpu.memory_space<hbm>> -> memref<10x256xi32, #tpu.memory_space<hbm>>
    tpu.enqueue_dma source(%dma_start3A_5 : memref<10x256xi32, #tpu.memory_space<hbm>>) target(%arg11 : memref<10x256xi32, #tpu.memory_space<vmem>>) target_semaphore(%arg22 : memref<!tpu.dma_semaphore, #tpu.memory_space<semaphore_mem>>)
    %dma_wait3A = arith.constant 0 : i32
    %dma_wait3A_6 = tpu.memref_slice %arg9[%dma_wait3A, %mul3A_2] : memref<10x8192xi32, #tpu.memory_space<hbm>> -> memref<10x256xi32, #tpu.memory_space<hbm>>
    %dma_wait3A_7 = arith.constant 0 : i32
    %dma_wait3A_8 = tpu.memref_slice %arg9[%dma_wait3A_7, %mul3A_2] : memref<10x8192xi32, #tpu.memory_space<hbm>> -> memref<10x256xi32, #tpu.memory_space<hbm>>
    tpu.wait_dma2 semaphore(%arg22 : memref<!tpu.dma_semaphore, #tpu.memory_space<semaphore_mem>>) src(%dma_wait3A_8 : memref<10x256xi32, #tpu.memory_space<hbm>>) dst(%arg11 : memref<10x256xi32, #tpu.memory_space<vmem>>)
    %dma_start3A_9 = arith.constant 0 : i32
    %dma_start3A_10 = arith.constant 0 : i32
    %dma_start3A_11 = tpu.memref_slice %arg11[%dma_start3A_9, %dma_start3A_10] : memref<10x256xi32, #tpu.memory_space<vmem>> -> memref<1x128xi32, #tpu.memory_space<vmem>>
    %dma_start3A_12 = tpu.memref_squeeze %dma_start3A_11 : memref<1x128xi32, #tpu.memory_space<vmem>> -> memref<128xi32, #tpu.memory_space<vmem>>
    %dma_start3A_13 = arith.constant 0 : i32
    %dma_start3A_14 = arith.constant 0 : i32
    %dma_start3A_15 = tpu.memref_slice %arg2[%dma_start3A_13, %dma_start3A_14] : memref<2000x128xf32, #tpu.memory_space<hbm>> -> memref<2000x128xf32, #tpu.memory_space<hbm>>
    tpu.enqueue_indirect_dma source(%dma_start3A_15 : memref<2000x128xf32, #tpu.memory_space<hbm>>) target(%arg12 : memref<128x128xf32, #tpu.memory_space<vmem>>) offsets(%dma_start3A_12 : memref<128xi32, #tpu.memory_space<vmem>>) semaphore(%arg16 : memref<!tpu.dma_semaphore, #tpu.memory_space<semaphore_mem>>)
    %dma_start3A_16 = arith.constant 1 : i32
    %dma_start3A_17 = arith.constant 0 : i32
    %dma_start3A_18 = tpu.memref_slice %arg11[%dma_start3A_16, %dma_start3A_17] : memref<10x256xi32, #tpu.memory_space<vmem>> -> memref<1x128xi32, #tpu.memory_space<vmem>>
    %dma_start3A_19 = tpu.memref_squeeze %dma_start3A_18 : memref<1x128xi32, #tpu.memory_space<vmem>> -> memref<128xi32, #tpu.memory_space<vmem>>
    %dma_start3A_20 = arith.constant 0 : i32
    %dma_start3A_21 = arith.constant 0 : i32
    %dma_start3A_22 = tpu.memref_slice %arg3[%dma_start3A_20, %dma_start3A_21] : memref<20000x128xf32, #tpu.memory_space<hbm>> -> memref<20000x128xf32, #tpu.memory_space<hbm>>
    tpu.enqueue_indirect_dma source(%dma_start3A_22 : memref<20000x128xf32, #tpu.memory_space<hbm>>) target(%arg14 : memref<128x128xf32, #tpu.memory_space<vmem>>) offsets(%dma_start3A_19 : memref<128xi32, #tpu.memory_space<vmem>>) semaphore(%arg18 : memref<!tpu.dma_semaphore, #tpu.memory_space<semaphore_mem>>)
    %dma_start3A_23 = arith.constant 0 : i32
    %dma_start3A_24 = arith.constant 128 : i32
    %dma_start3A_25 = tpu.memref_slice %arg11[%dma_start3A_23, %dma_start3A_24] : memref<10x256xi32, #tpu.memory_space<vmem>> -> memref<1x128xi32, #tpu.memory_space<vmem>>
    %dma_start3A_26 = tpu.memref_squeeze %dma_start3A_25 : memref<1x128xi32, #tpu.memory_space<vmem>> -> memref<128xi32, #tpu.memory_space<vmem>>
    %dma_start3A_27 = arith.constant 0 : i32
    %dma_start3A_28 = arith.constant 0 : i32
    %dma_start3A_29 = tpu.memref_slice %arg2[%dma_start3A_27, %dma_start3A_28] : memref<2000x128xf32, #tpu.memory_space<hbm>> -> memref<2000x128xf32, #tpu.memory_space<hbm>>
    tpu.enqueue_indirect_dma source(%dma_start3A_29 : memref<2000x128xf32, #tpu.memory_space<hbm>>) target(%arg13 : memref<128x128xf32, #tpu.memory_space<vmem>>) offsets(%dma_start3A_26 : memref<128xi32, #tpu.memory_space<vmem>>) semaphore(%arg17 : memref<!tpu.dma_semaphore, #tpu.memory_space<semaphore_mem>>)
    %dma_start3A_30 = arith.constant 1 : i32
    %dma_start3A_31 = arith.constant 128 : i32
    %dma_start3A_32 = tpu.memref_slice %arg11[%dma_start3A_30, %dma_start3A_31] : memref<10x256xi32, #tpu.memory_space<vmem>> -> memref<1x128xi32, #tpu.memory_space<vmem>>
    %dma_start3A_33 = tpu.memref_squeeze %dma_start3A_32 : memref<1x128xi32, #tpu.memory_space<vmem>> -> memref<128xi32, #tpu.memory_space<vmem>>
    %dma_start3A_34 = arith.constant 0 : i32
    %dma_start3A_35 = arith.constant 0 : i32
    %dma_start3A_36 = tpu.memref_slice %arg3[%dma_start3A_34, %dma_start3A_35] : memref<20000x128xf32, #tpu.memory_space<hbm>> -> memref<20000x128xf32, #tpu.memory_space<hbm>>
    tpu.enqueue_indirect_dma source(%dma_start3A_36 : memref<20000x128xf32, #tpu.memory_space<hbm>>) target(%arg15 : memref<128x128xf32, #tpu.memory_space<vmem>>) offsets(%dma_start3A_33 : memref<128xi32, #tpu.memory_space<vmem>>) semaphore(%arg19 : memref<!tpu.dma_semaphore, #tpu.memory_space<semaphore_mem>>)
    %dma_wait3A_37 = arith.constant 0 : i32
    %dma_wait3A_38 = arith.constant 0 : i32
    %dma_wait3A_39 = tpu.memref_slice %arg11[%dma_wait3A_37, %dma_wait3A_38] : memref<10x256xi32, #tpu.memory_space<vmem>> -> memref<1x128xi32, #tpu.memory_space<vmem>>
    %dma_wait3A_40 = tpu.memref_squeeze %dma_wait3A_39 : memref<1x128xi32, #tpu.memory_space<vmem>> -> memref<128xi32, #tpu.memory_space<vmem>>
    %dma_wait3A_41 = arith.constant 0 : i32
    %dma_wait3A_42 = arith.constant 0 : i32
    %dma_wait3A_43 = tpu.memref_slice %arg2[%dma_wait3A_41, %dma_wait3A_42] : memref<2000x128xf32, #tpu.memory_space<hbm>> -> memref<2000x128xf32, #tpu.memory_space<hbm>>
    tpu.wait_indirect_dma semaphore(%arg16 : memref<!tpu.dma_semaphore, #tpu.memory_space<semaphore_mem>>) src(%dma_wait3A_43 : memref<2000x128xf32, #tpu.memory_space<hbm>>) dst(%arg12 : memref<128x128xf32, #tpu.memory_space<vmem>>)
    %dma_wait3A_44 = arith.constant 1 : i32
    %dma_wait3A_45 = arith.constant 0 : i32
    %dma_wait3A_46 = tpu.memref_slice %arg11[%dma_wait3A_44, %dma_wait3A_45] : memref<10x256xi32, #tpu.memory_space<vmem>> -> memref<1x128xi32, #tpu.memory_space<vmem>>
    %dma_wait3A_47 = tpu.memref_squeeze %dma_wait3A_46 : memref<1x128xi32, #tpu.memory_space<vmem>> -> memref<128xi32, #tpu.memory_space<vmem>>
    %dma_wait3A_48 = arith.constant 0 : i32
    %dma_wait3A_49 = arith.constant 0 : i32
    %dma_wait3A_50 = tpu.memref_slice %arg3[%dma_wait3A_48, %dma_wait3A_49] : memref<20000x128xf32, #tpu.memory_space<hbm>> -> memref<20000x128xf32, #tpu.memory_space<hbm>>
    tpu.wait_indirect_dma semaphore(%arg18 : memref<!tpu.dma_semaphore, #tpu.memory_space<semaphore_mem>>) src(%dma_wait3A_50 : memref<20000x128xf32, #tpu.memory_space<hbm>>) dst(%arg14 : memref<128x128xf32, #tpu.memory_space<vmem>>)
    %scan3A = arith.constant 0 : i32
    %scan3A_51 = arith.constant 0 : i32
    %scan3A_52 = arith.constant 128 : i32
    %scan3A_53 = arith.addi %scan3A_51, %scan3A_52 : i32
    %scan3A_54 = arith.constant 1 : i32
    scf.for %scan3A_320 = %scan3A_51 to %scan3A_53 step %scan3A_54  : i32 {
      %get3A = arith.index_cast %scan3A_320 : i32 to index
      %get3A_321 = arith.constant 0 : index
      %get3A_322 = tpu.vector_load %arg14[%get3A, %get3A_321] {strides = array<i32>} : memref<128x128xf32, #tpu.memory_space<vmem>>, vector<1x16xf32>,
      %get3A_323 = vector.shape_cast %get3A_322 : vector<1x16xf32> to vector<16xf32>
      %swap3A = arith.index_cast %scan3A_320 : i32 to index
      %swap3A_324 = arith.constant 64 : index
      %swap3A_325 = tpu.vector_load %arg12[%swap3A, %swap3A_324] {strides = array<i32>} : memref<128x128xf32, #tpu.memory_space<vmem>>, vector<1x16xf32>,
      %swap3A_326 = vector.shape_cast %swap3A_325 : vector<1x16xf32> to vector<16xf32>
      %swap3A_327 = vector.shape_cast %get3A_323 : vector<16xf32> to vector<1x16xf32>
      tpu.vector_store %arg12[%swap3A, %swap3A_324], %swap3A_327 {strides = array<i32>} : memref<128x128xf32, #tpu.memory_space<vmem>>, vector<1x16xf32>,
      %get3A_328 = arith.index_cast %scan3A_320 : i32 to index
      %get3A_329 = arith.constant 16 : index
      %get3A_330 = tpu.vector_load %arg14[%get3A_328, %get3A_329] {strides = array<i32>} : memref<128x128xf32, #tpu.memory_space<vmem>>, vector<1x16xf32>,
      %get3A_331 = vector.shape_cast %get3A_330 : vector<1x16xf32> to vector<16xf32>
      %swap3A_332 = arith.index_cast %scan3A_320 : i32 to index
      %swap3A_333 = arith.constant 80 : index
      %swap3A_334 = tpu.vector_load %arg12[%swap3A_332, %swap3A_333] {strides = array<i32>} : memref<128x128xf32, #tpu.memory_space<vmem>>, vector<1x16xf32>,
      %swap3A_335 = vector.shape_cast %swap3A_334 : vector<1x16xf32> to vector<16xf32>
      %swap3A_336 = vector.shape_cast %get3A_331 : vector<16xf32> to vector<1x16xf32>
      tpu.vector_store %arg12[%swap3A_332, %swap3A_333], %swap3A_336 {strides = array<i32>} : memref<128x128xf32, #tpu.memory_space<vmem>>, vector<1x16xf32>,
      %get3A_337 = arith.index_cast %scan3A_320 : i32 to index
      %get3A_338 = arith.constant 32 : index
      %get3A_339 = tpu.vector_load %arg14[%get3A_337, %get3A_338] {strides = array<i32>} : memref<128x128xf32, #tpu.memory_space<vmem>>, vector<1x16xf32>,
      %get3A_340 = vector.shape_cast %get3A_339 : vector<1x16xf32> to vector<16xf32>
      %swap3A_341 = arith.index_cast %scan3A_320 : i32 to index
      %swap3A_342 = arith.constant 96 : index
      %swap3A_343 = tpu.vector_load %arg12[%swap3A_341, %swap3A_342] {strides = array<i32>} : memref<128x128xf32, #tpu.memory_space<vmem>>, vector<1x16xf32>,
      %swap3A_344 = vector.shape_cast %swap3A_343 : vector<1x16xf32> to vector<16xf32>
      %swap3A_345 = vector.shape_cast %get3A_340 : vector<16xf32> to vector<1x16xf32>
      tpu.vector_store %arg12[%swap3A_341, %swap3A_342], %swap3A_345 {strides = array<i32>} : memref<128x128xf32, #tpu.memory_space<vmem>>, vector<1x16xf32>,
      %get3A_346 = arith.index_cast %scan3A_320 : i32 to index
      %get3A_347 = arith.constant 48 : index
      %get3A_348 = tpu.vector_load %arg14[%get3A_346, %get3A_347] {strides = array<i32>} : memref<128x128xf32, #tpu.memory_space<vmem>>, vector<1x16xf32>,
      %get3A_349 = vector.shape_cast %get3A_348 : vector<1x16xf32> to vector<16xf32>
      %swap3A_350 = arith.index_cast %scan3A_320 : i32 to index
      %swap3A_351 = arith.constant 112 : index
      %swap3A_352 = tpu.vector_load %arg12[%swap3A_350, %swap3A_351] {strides = array<i32>} : memref<128x128xf32, #tpu.memory_space<vmem>>, vector<1x16xf32>,
      %swap3A_353 = vector.shape_cast %swap3A_352 : vector<1x16xf32> to vector<16xf32>
      %swap3A_354 = vector.shape_cast %get3A_349 : vector<16xf32> to vector<1x16xf32>
      tpu.vector_store %arg12[%swap3A_350, %swap3A_351], %swap3A_354 {strides = array<i32>} : memref<128x128xf32, #tpu.memory_space<vmem>>, vector<1x16xf32>,
    }
    %scan3A_55 = arith.constant 128 : i32
    %add3A_56 = arith.constant 0 : i32
    %add3A_57 = arith.addi %mul3A_2, %add3A_56 : i32
    %dma_start3A_58 = arith.constant 0 : i32
    %dma_start3A_59 = tpu.memref_slice %arg10[%add3A_57, %dma_start3A_58] : memref<8192x512xf32, #tpu.memory_space<hbm>> -> memref<128x128xf32, #tpu.memory_space<hbm>>
    %dma_start3A_60 = arith.constant 0 : i32
    %dma_start3A_61 = tpu.memref_slice %arg10[%add3A_57, %dma_start3A_60] : memref<8192x512xf32, #tpu.memory_space<hbm>> -> memref<128x128xf32, #tpu.memory_space<hbm>>
    tpu.enqueue_dma source(%arg12 : memref<128x128xf32, #tpu.memory_space<vmem>>) target(%dma_start3A_61 : memref<128x128xf32, #tpu.memory_space<hbm>>) target_semaphore(%arg20 : memref<!tpu.dma_semaphore, #tpu.memory_space<semaphore_mem>>)
    %dma_wait3A_62 = arith.constant 0 : i32
    %dma_wait3A_63 = tpu.memref_slice %arg10[%add3A_57, %dma_wait3A_62] : memref<8192x512xf32, #tpu.memory_space<hbm>> -> memref<128x128xf32, #tpu.memory_space<hbm>>
    %dma_wait3A_64 = arith.constant 0 : i32
    %dma_wait3A_65 = tpu.memref_slice %arg10[%add3A_57, %dma_wait3A_64] : memref<8192x512xf32, #tpu.memory_space<hbm>> -> memref<128x128xf32, #tpu.memory_space<hbm>>
    tpu.wait_dma2 semaphore(%arg20 : memref<!tpu.dma_semaphore, #tpu.memory_space<semaphore_mem>>) src(%arg12 : memref<128x128xf32, #tpu.memory_space<vmem>>) dst(%dma_wait3A_65 : memref<128x128xf32, #tpu.memory_space<hbm>>)
    %dma_start3A_66 = arith.constant 2 : i32
    %dma_start3A_67 = arith.constant 0 : i32
    %dma_start3A_68 = tpu.memref_slice %arg11[%dma_start3A_66, %dma_start3A_67] : memref<10x256xi32, #tpu.memory_space<vmem>> -> memref<1x128xi32, #tpu.memory_space<vmem>>
    %dma_start3A_69 = tpu.memref_squeeze %dma_start3A_68 : memref<1x128xi32, #tpu.memory_space<vmem>> -> memref<128xi32, #tpu.memory_space<vmem>>
    %dma_start3A_70 = arith.constant 0 : i32
    %dma_start3A_71 = arith.constant 0 : i32
    %dma_start3A_72 = tpu.memref_slice %arg4[%dma_start3A_70, %dma_start3A_71] : memref<25076x128xf32, #tpu.memory_space<hbm>> -> memref<25076x128xf32, #tpu.memory_space<hbm>>
    tpu.enqueue_indirect_dma source(%dma_start3A_72 : memref<25076x128xf32, #tpu.memory_space<hbm>>) target(%arg12 : memref<128x128xf32, #tpu.memory_space<vmem>>) offsets(%dma_start3A_69 : memref<128xi32, #tpu.memory_space<vmem>>) semaphore(%arg16 : memref<!tpu.dma_semaphore, #tpu.memory_space<semaphore_mem>>)
    %dma_start3A_73 = arith.constant 3 : i32
    %dma_start3A_74 = arith.constant 0 : i32
    %dma_start3A_75 = tpu.memref_slice %arg11[%dma_start3A_73, %dma_start3A_74] : memref<10x256xi32, #tpu.memory_space<vmem>> -> memref<1x128xi32, #tpu.memory_space<vmem>>
    %dma_start3A_76 = tpu.memref_squeeze %dma_start3A_75 : memref<1x128xi32, #tpu.memory_space<vmem>> -> memref<128xi32, #tpu.memory_space<vmem>>
    %dma_start3A_77 = arith.constant 0 : i32
    %dma_start3A_78 = arith.constant 0 : i32
    %dma_start3A_79 = tpu.memref_slice %arg5[%dma_start3A_77, %dma_start3A_78] : memref<4400x128xf32, #tpu.memory_space<hbm>> -> memref<4400x128xf32, #tpu.memory_space<hbm>>
    tpu.enqueue_indirect_dma source(%dma_start3A_79 : memref<4400x128xf32, #tpu.memory_space<hbm>>) target(%arg14 : memref<128x128xf32, #tpu.memory_space<vmem>>) offsets(%dma_start3A_76 : memref<128xi32, #tpu.memory_space<vmem>>) semaphore(%arg18 : memref<!tpu.dma_semaphore, #tpu.memory_space<semaphore_mem>>)
    %dma_wait3A_80 = arith.constant 0 : i32
    %dma_wait3A_81 = arith.constant 128 : i32
    %dma_wait3A_82 = tpu.memref_slice %arg11[%dma_wait3A_80, %dma_wait3A_81] : memref<10x256xi32, #tpu.memory_space<vmem>> -> memref<1x128xi32, #tpu.memory_space<vmem>>
    %dma_wait3A_83 = tpu.memref_squeeze %dma_wait3A_82 : memref<1x128xi32, #tpu.memory_space<vmem>> -> memref<128xi32, #tpu.memory_space<vmem>>
    %dma_wait3A_84 = arith.constant 0 : i32
    %dma_wait3A_85 = arith.constant 0 : i32
    %dma_wait3A_86 = tpu.memref_slice %arg2[%dma_wait3A_84, %dma_wait3A_85] : memref<2000x128xf32, #tpu.memory_space<hbm>> -> memref<2000x128xf32, #tpu.memory_space<hbm>>
    tpu.wait_indirect_dma semaphore(%arg17 : memref<!tpu.dma_semaphore, #tpu.memory_space<semaphore_mem>>) src(%dma_wait3A_86 : memref<2000x128xf32, #tpu.memory_space<hbm>>) dst(%arg13 : memref<128x128xf32, #tpu.memory_space<vmem>>)
    %dma_wait3A_87 = arith.constant 1 : i32
    %dma_wait3A_88 = arith.constant 128 : i32
    %dma_wait3A_89 = tpu.memref_slice %arg11[%dma_wait3A_87, %dma_wait3A_88] : memref<10x256xi32, #tpu.memory_space<vmem>> -> memref<1x128xi32, #tpu.memory_space<vmem>>
    %dma_wait3A_90 = tpu.memref_squeeze %dma_wait3A_89 : memref<1x128xi32, #tpu.memory_space<vmem>> -> memref<128xi32, #tpu.memory_space<vmem>>
    %dma_wait3A_91 = arith.constant 0 : i32
    %dma_wait3A_92 = arith.constant 0 : i32
    %dma_wait3A_93 = tpu.memref_slice %arg3[%dma_wait3A_91, %dma_wait3A_92] : memref<20000x128xf32, #tpu.memory_space<hbm>> -> memref<20000x128xf32, #tpu.memory_space<hbm>>
    tpu.wait_indirect_dma semaphore(%arg19 : memref<!tpu.dma_semaphore, #tpu.memory_space<semaphore_mem>>) src(%dma_wait3A_93 : memref<20000x128xf32, #tpu.memory_space<hbm>>) dst(%arg15 : memref<128x128xf32, #tpu.memory_space<vmem>>)
    %scan3A_94 = arith.constant 0 : i32
    %scan3A_95 = arith.constant 0 : i32
    %scan3A_96 = arith.constant 128 : i32
    %scan3A_97 = arith.addi %scan3A_95, %scan3A_96 : i32
    %scan3A_98 = arith.constant 1 : i32
    scf.for %scan3A_320 = %scan3A_95 to %scan3A_97 step %scan3A_98  : i32 {
      %get3A = arith.index_cast %scan3A_320 : i32 to index
      %get3A_321 = arith.constant 0 : index
      %get3A_322 = tpu.vector_load %arg15[%get3A, %get3A_321] {strides = array<i32>} : memref<128x128xf32, #tpu.memory_space<vmem>>, vector<1x16xf32>,
      %get3A_323 = vector.shape_cast %get3A_322 : vector<1x16xf32> to vector<16xf32>
      %swap3A = arith.index_cast %scan3A_320 : i32 to index
      %swap3A_324 = arith.constant 64 : index
      %swap3A_325 = tpu.vector_load %arg13[%swap3A, %swap3A_324] {strides = array<i32>} : memref<128x128xf32, #tpu.memory_space<vmem>>, vector<1x16xf32>,
      %swap3A_326 = vector.shape_cast %swap3A_325 : vector<1x16xf32> to vector<16xf32>
      %swap3A_327 = vector.shape_cast %get3A_323 : vector<16xf32> to vector<1x16xf32>
      tpu.vector_store %arg13[%swap3A, %swap3A_324], %swap3A_327 {strides = array<i32>} : memref<128x128xf32, #tpu.memory_space<vmem>>, vector<1x16xf32>,
      %get3A_328 = arith.index_cast %scan3A_320 : i32 to index
      %get3A_329 = arith.constant 16 : index
      %get3A_330 = tpu.vector_load %arg15[%get3A_328, %get3A_329] {strides = array<i32>} : memref<128x128xf32, #tpu.memory_space<vmem>>, vector<1x16xf32>,
      %get3A_331 = vector.shape_cast %get3A_330 : vector<1x16xf32> to vector<16xf32>
      %swap3A_332 = arith.index_cast %scan3A_320 : i32 to index
      %swap3A_333 = arith.constant 80 : index
      %swap3A_334 = tpu.vector_load %arg13[%swap3A_332, %swap3A_333] {strides = array<i32>} : memref<128x128xf32, #tpu.memory_space<vmem>>, vector<1x16xf32>,
      %swap3A_335 = vector.shape_cast %swap3A_334 : vector<1x16xf32> to vector<16xf32>
      %swap3A_336 = vector.shape_cast %get3A_331 : vector<16xf32> to vector<1x16xf32>
      tpu.vector_store %arg13[%swap3A_332, %swap3A_333], %swap3A_336 {strides = array<i32>} : memref<128x128xf32, #tpu.memory_space<vmem>>, vector<1x16xf32>,
      %get3A_337 = arith.index_cast %scan3A_320 : i32 to index
      %get3A_338 = arith.constant 32 : index
      %get3A_339 = tpu.vector_load %arg15[%get3A_337, %get3A_338] {strides = array<i32>} : memref<128x128xf32, #tpu.memory_space<vmem>>, vector<1x16xf32>,
      %get3A_340 = vector.shape_cast %get3A_339 : vector<1x16xf32> to vector<16xf32>
      %swap3A_341 = arith.index_cast %scan3A_320 : i32 to index
      %swap3A_342 = arith.constant 96 : index
      %swap3A_343 = tpu.vector_load %arg13[%swap3A_341, %swap3A_342] {strides = array<i32>} : memref<128x128xf32, #tpu.memory_space<vmem>>, vector<1x16xf32>,
      %swap3A_344 = vector.shape_cast %swap3A_343 : vector<1x16xf32> to vector<16xf32>
      %swap3A_345 = vector.shape_cast %get3A_340 : vector<16xf32> to vector<1x16xf32>
      tpu.vector_store %arg13[%swap3A_341, %swap3A_342], %swap3A_345 {strides = array<i32>} : memref<128x128xf32, #tpu.memory_space<vmem>>, vector<1x16xf32>,
      %get3A_346 = arith.index_cast %scan3A_320 : i32 to index
      %get3A_347 = arith.constant 48 : index
      %get3A_348 = tpu.vector_load %arg15[%get3A_346, %get3A_347] {strides = array<i32>} : memref<128x128xf32, #tpu.memory_space<vmem>>, vector<1x16xf32>,
      %get3A_349 = vector.shape_cast %get3A_348 : vector<1x16xf32> to vector<16xf32>
      %swap3A_350 = arith.index_cast %scan3A_320 : i32 to index
      %swap3A_351 = arith.constant 112 : index
      %swap3A_352 = tpu.vector_load %arg13[%swap3A_350, %swap3A_351] {strides = array<i32>} : memref<128x128xf32, #tpu.memory_space<vmem>>, vector<1x16xf32>,
      %swap3A_353 = vector.shape_cast %swap3A_352 : vector<1x16xf32> to vector<16xf32>
      %swap3A_354 = vector.shape_cast %get3A_349 : vector<16xf32> to vector<1x16xf32>
      tpu.vector_store %arg13[%swap3A_350, %swap3A_351], %swap3A_354 {strides = array<i32>} : memref<128x128xf32, #tpu.memory_space<vmem>>, vector<1x16xf32>,
    }
    %scan3A_99 = arith.constant 128 : i32
    %add3A_100 = arith.constant 128 : i32
    %add3A_101 = arith.addi %mul3A_2, %add3A_100 : i32
    %dma_start3A_102 = arith.constant 0 : i32
    %dma_start3A_103 = tpu.memref_slice %arg10[%add3A_101, %dma_start3A_102] : memref<8192x512xf32, #tpu.memory_space<hbm>> -> memref<128x128xf32, #tpu.memory_space<hbm>>
    %dma_start3A_104 = arith.constant 0 : i32
    %dma_start3A_105 = tpu.memref_slice %arg10[%add3A_101, %dma_start3A_104] : memref<8192x512xf32, #tpu.memory_space<hbm>> -> memref<128x128xf32, #tpu.memory_space<hbm>>
    tpu.enqueue_dma source(%arg13 : memref<128x128xf32, #tpu.memory_space<vmem>>) target(%dma_start3A_105 : memref<128x128xf32, #tpu.memory_space<hbm>>) target_semaphore(%arg21 : memref<!tpu.dma_semaphore, #tpu.memory_space<semaphore_mem>>)
    %dma_wait3A_106 = arith.constant 0 : i32
    %dma_wait3A_107 = tpu.memref_slice %arg10[%add3A_101, %dma_wait3A_106] : memref<8192x512xf32, #tpu.memory_space<hbm>> -> memref<128x128xf32, #tpu.memory_space<hbm>>
    %dma_wait3A_108 = arith.constant 0 : i32
    %dma_wait3A_109 = tpu.memref_slice %arg10[%add3A_101, %dma_wait3A_108] : memref<8192x512xf32, #tpu.memory_space<hbm>> -> memref<128x128xf32, #tpu.memory_space<hbm>>
    tpu.wait_dma2 semaphore(%arg21 : memref<!tpu.dma_semaphore, #tpu.memory_space<semaphore_mem>>) src(%arg13 : memref<128x128xf32, #tpu.memory_space<vmem>>) dst(%dma_wait3A_109 : memref<128x128xf32, #tpu.memory_space<hbm>>)
    %dma_start3A_110 = arith.constant 2 : i32
    %dma_start3A_111 = arith.constant 128 : i32
    %dma_start3A_112 = tpu.memref_slice %arg11[%dma_start3A_110, %dma_start3A_111] : memref<10x256xi32, #tpu.memory_space<vmem>> -> memref<1x128xi32, #tpu.memory_space<vmem>>
    %dma_start3A_113 = tpu.memref_squeeze %dma_start3A_112 : memref<1x128xi32, #tpu.memory_space<vmem>> -> memref<128xi32, #tpu.memory_space<vmem>>
    %dma_start3A_114 = arith.constant 0 : i32
    %dma_start3A_115 = arith.constant 0 : i32
    %dma_start3A_116 = tpu.memref_slice %arg4[%dma_start3A_114, %dma_start3A_115] : memref<25076x128xf32, #tpu.memory_space<hbm>> -> memref<25076x128xf32, #tpu.memory_space<hbm>>
    tpu.enqueue_indirect_dma source(%dma_start3A_116 : memref<25076x128xf32, #tpu.memory_space<hbm>>) target(%arg13 : memref<128x128xf32, #tpu.memory_space<vmem>>) offsets(%dma_start3A_113 : memref<128xi32, #tpu.memory_space<vmem>>) semaphore(%arg17 : memref<!tpu.dma_semaphore, #tpu.memory_space<semaphore_mem>>)
    %dma_start3A_117 = arith.constant 3 : i32
    %dma_start3A_118 = arith.constant 128 : i32
    %dma_start3A_119 = tpu.memref_slice %arg11[%dma_start3A_117, %dma_start3A_118] : memref<10x256xi32, #tpu.memory_space<vmem>> -> memref<1x128xi32, #tpu.memory_space<vmem>>
    %dma_start3A_120 = tpu.memref_squeeze %dma_start3A_119 : memref<1x128xi32, #tpu.memory_space<vmem>> -> memref<128xi32, #tpu.memory_space<vmem>>
    %dma_start3A_121 = arith.constant 0 : i32
    %dma_start3A_122 = arith.constant 0 : i32
    %dma_start3A_123 = tpu.memref_slice %arg5[%dma_start3A_121, %dma_start3A_122] : memref<4400x128xf32, #tpu.memory_space<hbm>> -> memref<4400x128xf32, #tpu.memory_space<hbm>>
    tpu.enqueue_indirect_dma source(%dma_start3A_123 : memref<4400x128xf32, #tpu.memory_space<hbm>>) target(%arg15 : memref<128x128xf32, #tpu.memory_space<vmem>>) offsets(%dma_start3A_120 : memref<128xi32, #tpu.memory_space<vmem>>) semaphore(%arg19 : memref<!tpu.dma_semaphore, #tpu.memory_space<semaphore_mem>>)
    %dma_wait3A_124 = arith.constant 2 : i32
    %dma_wait3A_125 = arith.constant 0 : i32
    %dma_wait3A_126 = tpu.memref_slice %arg11[%dma_wait3A_124, %dma_wait3A_125] : memref<10x256xi32, #tpu.memory_space<vmem>> -> memref<1x128xi32, #tpu.memory_space<vmem>>
    %dma_wait3A_127 = tpu.memref_squeeze %dma_wait3A_126 : memref<1x128xi32, #tpu.memory_space<vmem>> -> memref<128xi32, #tpu.memory_space<vmem>>
    %dma_wait3A_128 = arith.constant 0 : i32
    %dma_wait3A_129 = arith.constant 0 : i32
    %dma_wait3A_130 = tpu.memref_slice %arg4[%dma_wait3A_128, %dma_wait3A_129] : memref<25076x128xf32, #tpu.memory_space<hbm>> -> memref<25076x128xf32, #tpu.memory_space<hbm>>
    tpu.wait_indirect_dma semaphore(%arg16 : memref<!tpu.dma_semaphore, #tpu.memory_space<semaphore_mem>>) src(%dma_wait3A_130 : memref<25076x128xf32, #tpu.memory_space<hbm>>) dst(%arg12 : memref<128x128xf32, #tpu.memory_space<vmem>>)
    %dma_wait3A_131 = arith.constant 3 : i32
    %dma_wait3A_132 = arith.constant 0 : i32
    %dma_wait3A_133 = tpu.memref_slice %arg11[%dma_wait3A_131, %dma_wait3A_132] : memref<10x256xi32, #tpu.memory_space<vmem>> -> memref<1x128xi32, #tpu.memory_space<vmem>>
    %dma_wait3A_134 = tpu.memref_squeeze %dma_wait3A_133 : memref<1x128xi32, #tpu.memory_space<vmem>> -> memref<128xi32, #tpu.memory_space<vmem>>
    %dma_wait3A_135 = arith.constant 0 : i32
    %dma_wait3A_136 = arith.constant 0 : i32
    %dma_wait3A_137 = tpu.memref_slice %arg5[%dma_wait3A_135, %dma_wait3A_136] : memref<4400x128xf32, #tpu.memory_space<hbm>> -> memref<4400x128xf32, #tpu.memory_space<hbm>>
    tpu.wait_indirect_dma semaphore(%arg18 : memref<!tpu.dma_semaphore, #tpu.memory_space<semaphore_mem>>) src(%dma_wait3A_137 : memref<4400x128xf32, #tpu.memory_space<hbm>>) dst(%arg14 : memref<128x128xf32, #tpu.memory_space<vmem>>)
    %scan3A_138 = arith.constant 0 : i32
    %scan3A_139 = arith.constant 0 : i32
    %scan3A_140 = arith.constant 128 : i32
    %scan3A_141 = arith.addi %scan3A_139, %scan3A_140 : i32
    %scan3A_142 = arith.constant 1 : i32
    scf.for %scan3A_320 = %scan3A_139 to %scan3A_141 step %scan3A_142  : i32 {
      %get3A = arith.index_cast %scan3A_320 : i32 to index
      %get3A_321 = arith.constant 0 : index
      %get3A_322 = tpu.vector_load %arg14[%get3A, %get3A_321] {strides = array<i32>} : memref<128x128xf32, #tpu.memory_space<vmem>>, vector<1x16xf32>,
      %get3A_323 = vector.shape_cast %get3A_322 : vector<1x16xf32> to vector<16xf32>
      %swap3A = arith.index_cast %scan3A_320 : i32 to index
      %swap3A_324 = arith.constant 64 : index
      %swap3A_325 = tpu.vector_load %arg12[%swap3A, %swap3A_324] {strides = array<i32>} : memref<128x128xf32, #tpu.memory_space<vmem>>, vector<1x16xf32>,
      %swap3A_326 = vector.shape_cast %swap3A_325 : vector<1x16xf32> to vector<16xf32>
      %swap3A_327 = vector.shape_cast %get3A_323 : vector<16xf32> to vector<1x16xf32>
      tpu.vector_store %arg12[%swap3A, %swap3A_324], %swap3A_327 {strides = array<i32>} : memref<128x128xf32, #tpu.memory_space<vmem>>, vector<1x16xf32>,
      %get3A_328 = arith.index_cast %scan3A_320 : i32 to index
      %get3A_329 = arith.constant 16 : index
      %get3A_330 = tpu.vector_load %arg14[%get3A_328, %get3A_329] {strides = array<i32>} : memref<128x128xf32, #tpu.memory_space<vmem>>, vector<1x16xf32>,
      %get3A_331 = vector.shape_cast %get3A_330 : vector<1x16xf32> to vector<16xf32>
      %swap3A_332 = arith.index_cast %scan3A_320 : i32 to index
      %swap3A_333 = arith.constant 80 : index
      %swap3A_334 = tpu.vector_load %arg12[%swap3A_332, %swap3A_333] {strides = array<i32>} : memref<128x128xf32, #tpu.memory_space<vmem>>, vector<1x16xf32>,
      %swap3A_335 = vector.shape_cast %swap3A_334 : vector<1x16xf32> to vector<16xf32>
      %swap3A_336 = vector.shape_cast %get3A_331 : vector<16xf32> to vector<1x16xf32>
      tpu.vector_store %arg12[%swap3A_332, %swap3A_333], %swap3A_336 {strides = array<i32>} : memref<128x128xf32, #tpu.memory_space<vmem>>, vector<1x16xf32>,
      %get3A_337 = arith.index_cast %scan3A_320 : i32 to index
      %get3A_338 = arith.constant 32 : index
      %get3A_339 = tpu.vector_load %arg14[%get3A_337, %get3A_338] {strides = array<i32>} : memref<128x128xf32, #tpu.memory_space<vmem>>, vector<1x16xf32>,
      %get3A_340 = vector.shape_cast %get3A_339 : vector<1x16xf32> to vector<16xf32>
      %swap3A_341 = arith.index_cast %scan3A_320 : i32 to index
      %swap3A_342 = arith.constant 96 : index
      %swap3A_343 = tpu.vector_load %arg12[%swap3A_341, %swap3A_342] {strides = array<i32>} : memref<128x128xf32, #tpu.memory_space<vmem>>, vector<1x16xf32>,
      %swap3A_344 = vector.shape_cast %swap3A_343 : vector<1x16xf32> to vector<16xf32>
      %swap3A_345 = vector.shape_cast %get3A_340 : vector<16xf32> to vector<1x16xf32>
      tpu.vector_store %arg12[%swap3A_341, %swap3A_342], %swap3A_345 {strides = array<i32>} : memref<128x128xf32, #tpu.memory_space<vmem>>, vector<1x16xf32>,
      %get3A_346 = arith.index_cast %scan3A_320 : i32 to index
      %get3A_347 = arith.constant 48 : index
      %get3A_348 = tpu.vector_load %arg14[%get3A_346, %get3A_347] {strides = array<i32>} : memref<128x128xf32, #tpu.memory_space<vmem>>, vector<1x16xf32>,
      %get3A_349 = vector.shape_cast %get3A_348 : vector<1x16xf32> to vector<16xf32>
      %swap3A_350 = arith.index_cast %scan3A_320 : i32 to index
      %swap3A_351 = arith.constant 112 : index
      %swap3A_352 = tpu.vector_load %arg12[%swap3A_350, %swap3A_351] {strides = array<i32>} : memref<128x128xf32, #tpu.memory_space<vmem>>, vector<1x16xf32>,
      %swap3A_353 = vector.shape_cast %swap3A_352 : vector<1x16xf32> to vector<16xf32>
      %swap3A_354 = vector.shape_cast %get3A_349 : vector<16xf32> to vector<1x16xf32>
      tpu.vector_store %arg12[%swap3A_350, %swap3A_351], %swap3A_354 {strides = array<i32>} : memref<128x128xf32, #tpu.memory_space<vmem>>, vector<1x16xf32>,
    }
    %scan3A_143 = arith.constant 128 : i32
    %add3A_144 = arith.constant 0 : i32
    %add3A_145 = arith.addi %mul3A_2, %add3A_144 : i32
    %dma_start3A_146 = arith.constant 128 : i32
    %dma_start3A_147 = tpu.memref_slice %arg10[%add3A_145, %dma_start3A_146] : memref<8192x512xf32, #tpu.memory_space<hbm>> -> memref<128x128xf32, #tpu.memory_space<hbm>>
    %dma_start3A_148 = arith.constant 128 : i32
    %dma_start3A_149 = tpu.memref_slice %arg10[%add3A_145, %dma_start3A_148] : memref<8192x512xf32, #tpu.memory_space<hbm>> -> memref<128x128xf32, #tpu.memory_space<hbm>>
    tpu.enqueue_dma source(%arg12 : memref<128x128xf32, #tpu.memory_space<vmem>>) target(%dma_start3A_149 : memref<128x128xf32, #tpu.memory_space<hbm>>) target_semaphore(%arg20 : memref<!tpu.dma_semaphore, #tpu.memory_space<semaphore_mem>>)
    %dma_wait3A_150 = arith.constant 128 : i32
    %dma_wait3A_151 = tpu.memref_slice %arg10[%add3A_145, %dma_wait3A_150] : memref<8192x512xf32, #tpu.memory_space<hbm>> -> memref<128x128xf32, #tpu.memory_space<hbm>>
    %dma_wait3A_152 = arith.constant 128 : i32
    %dma_wait3A_153 = tpu.memref_slice %arg10[%add3A_145, %dma_wait3A_152] : memref<8192x512xf32, #tpu.memory_space<hbm>> -> memref<128x128xf32, #tpu.memory_space<hbm>>
    tpu.wait_dma2 semaphore(%arg20 : memref<!tpu.dma_semaphore, #tpu.memory_space<semaphore_mem>>) src(%arg12 : memref<128x128xf32, #tpu.memory_space<vmem>>) dst(%dma_wait3A_153 : memref<128x128xf32, #tpu.memory_space<hbm>>)
    %dma_start3A_154 = arith.constant 4 : i32
    %dma_start3A_155 = arith.constant 0 : i32
    %dma_start3A_156 = tpu.memref_slice %arg11[%dma_start3A_154, %dma_start3A_155] : memref<10x256xi32, #tpu.memory_space<vmem>> -> memref<1x128xi32, #tpu.memory_space<vmem>>
    %dma_start3A_157 = tpu.memref_squeeze %dma_start3A_156 : memref<1x128xi32, #tpu.memory_space<vmem>> -> memref<128xi32, #tpu.memory_space<vmem>>
    %dma_start3A_158 = arith.constant 0 : i32
    %dma_start3A_159 = arith.constant 0 : i32
    %dma_start3A_160 = tpu.memref_slice %arg6[%dma_start3A_158, %dma_start3A_159] : memref<1000x128xf32, #tpu.memory_space<hbm>> -> memref<1000x128xf32, #tpu.memory_space<hbm>>
    tpu.enqueue_indirect_dma source(%dma_start3A_160 : memref<1000x128xf32, #tpu.memory_space<hbm>>) target(%arg12 : memref<128x128xf32, #tpu.memory_space<vmem>>) offsets(%dma_start3A_157 : memref<128xi32, #tpu.memory_space<vmem>>) semaphore(%arg16 : memref<!tpu.dma_semaphore, #tpu.memory_space<semaphore_mem>>)
    %dma_start3A_161 = arith.constant 5 : i32
    %dma_start3A_162 = arith.constant 0 : i32
    %dma_start3A_163 = tpu.memref_slice %arg11[%dma_start3A_161, %dma_start3A_162] : memref<10x256xi32, #tpu.memory_space<vmem>> -> memref<1x128xi32, #tpu.memory_space<vmem>>
    %dma_start3A_164 = tpu.memref_squeeze %dma_start3A_163 : memref<1x128xi32, #tpu.memory_space<vmem>> -> memref<128xi32, #tpu.memory_space<vmem>>
    %dma_start3A_165 = arith.constant 0 : i32
    %dma_start3A_166 = arith.constant 0 : i32
    %dma_start3A_167 = tpu.memref_slice %arg7[%dma_start3A_165, %dma_start3A_166] : memref<2000x128xf32, #tpu.memory_space<hbm>> -> memref<2000x128xf32, #tpu.memory_space<hbm>>
    tpu.enqueue_indirect_dma source(%dma_start3A_167 : memref<2000x128xf32, #tpu.memory_space<hbm>>) target(%arg14 : memref<128x128xf32, #tpu.memory_space<vmem>>) offsets(%dma_start3A_164 : memref<128xi32, #tpu.memory_space<vmem>>) semaphore(%arg18 : memref<!tpu.dma_semaphore, #tpu.memory_space<semaphore_mem>>)
    %dma_wait3A_168 = arith.constant 2 : i32
    %dma_wait3A_169 = arith.constant 128 : i32
    %dma_wait3A_170 = tpu.memref_slice %arg11[%dma_wait3A_168, %dma_wait3A_169] : memref<10x256xi32, #tpu.memory_space<vmem>> -> memref<1x128xi32, #tpu.memory_space<vmem>>
    %dma_wait3A_171 = tpu.memref_squeeze %dma_wait3A_170 : memref<1x128xi32, #tpu.memory_space<vmem>> -> memref<128xi32, #tpu.memory_space<vmem>>
    %dma_wait3A_172 = arith.constant 0 : i32
    %dma_wait3A_173 = arith.constant 0 : i32
    %dma_wait3A_174 = tpu.memref_slice %arg4[%dma_wait3A_172, %dma_wait3A_173] : memref<25076x128xf32, #tpu.memory_space<hbm>> -> memref<25076x128xf32, #tpu.memory_space<hbm>>
    tpu.wait_indirect_dma semaphore(%arg17 : memref<!tpu.dma_semaphore, #tpu.memory_space<semaphore_mem>>) src(%dma_wait3A_174 : memref<25076x128xf32, #tpu.memory_space<hbm>>) dst(%arg13 : memref<128x128xf32, #tpu.memory_space<vmem>>)
    %dma_wait3A_175 = arith.constant 3 : i32
    %dma_wait3A_176 = arith.constant 128 : i32
    %dma_wait3A_177 = tpu.memref_slice %arg11[%dma_wait3A_175, %dma_wait3A_176] : memref<10x256xi32, #tpu.memory_space<vmem>> -> memref<1x128xi32, #tpu.memory_space<vmem>>
    %dma_wait3A_178 = tpu.memref_squeeze %dma_wait3A_177 : memref<1x128xi32, #tpu.memory_space<vmem>> -> memref<128xi32, #tpu.memory_space<vmem>>
    %dma_wait3A_179 = arith.constant 0 : i32
    %dma_wait3A_180 = arith.constant 0 : i32
    %dma_wait3A_181 = tpu.memref_slice %arg5[%dma_wait3A_179, %dma_wait3A_180] : memref<4400x128xf32, #tpu.memory_space<hbm>> -> memref<4400x128xf32, #tpu.memory_space<hbm>>
    tpu.wait_indirect_dma semaphore(%arg19 : memref<!tpu.dma_semaphore, #tpu.memory_space<semaphore_mem>>) src(%dma_wait3A_181 : memref<4400x128xf32, #tpu.memory_space<hbm>>) dst(%arg15 : memref<128x128xf32, #tpu.memory_space<vmem>>)
    %scan3A_182 = arith.constant 0 : i32
    %scan3A_183 = arith.constant 0 : i32
    %scan3A_184 = arith.constant 128 : i32
    %scan3A_185 = arith.addi %scan3A_183, %scan3A_184 : i32
    %scan3A_186 = arith.constant 1 : i32
    scf.for %scan3A_320 = %scan3A_183 to %scan3A_185 step %scan3A_186  : i32 {
      %get3A = arith.index_cast %scan3A_320 : i32 to index
      %get3A_321 = arith.constant 0 : index
      %get3A_322 = tpu.vector_load %arg15[%get3A, %get3A_321] {strides = array<i32>} : memref<128x128xf32, #tpu.memory_space<vmem>>, vector<1x16xf32>,
      %get3A_323 = vector.shape_cast %get3A_322 : vector<1x16xf32> to vector<16xf32>
      %swap3A = arith.index_cast %scan3A_320 : i32 to index
      %swap3A_324 = arith.constant 64 : index
      %swap3A_325 = tpu.vector_load %arg13[%swap3A, %swap3A_324] {strides = array<i32>} : memref<128x128xf32, #tpu.memory_space<vmem>>, vector<1x16xf32>,
      %swap3A_326 = vector.shape_cast %swap3A_325 : vector<1x16xf32> to vector<16xf32>
      %swap3A_327 = vector.shape_cast %get3A_323 : vector<16xf32> to vector<1x16xf32>
      tpu.vector_store %arg13[%swap3A, %swap3A_324], %swap3A_327 {strides = array<i32>} : memref<128x128xf32, #tpu.memory_space<vmem>>, vector<1x16xf32>,
      %get3A_328 = arith.index_cast %scan3A_320 : i32 to index
      %get3A_329 = arith.constant 16 : index
      %get3A_330 = tpu.vector_load %arg15[%get3A_328, %get3A_329] {strides = array<i32>} : memref<128x128xf32, #tpu.memory_space<vmem>>, vector<1x16xf32>,
      %get3A_331 = vector.shape_cast %get3A_330 : vector<1x16xf32> to vector<16xf32>
      %swap3A_332 = arith.index_cast %scan3A_320 : i32 to index
      %swap3A_333 = arith.constant 80 : index
      %swap3A_334 = tpu.vector_load %arg13[%swap3A_332, %swap3A_333] {strides = array<i32>} : memref<128x128xf32, #tpu.memory_space<vmem>>, vector<1x16xf32>,
      %swap3A_335 = vector.shape_cast %swap3A_334 : vector<1x16xf32> to vector<16xf32>
      %swap3A_336 = vector.shape_cast %get3A_331 : vector<16xf32> to vector<1x16xf32>
      tpu.vector_store %arg13[%swap3A_332, %swap3A_333], %swap3A_336 {strides = array<i32>} : memref<128x128xf32, #tpu.memory_space<vmem>>, vector<1x16xf32>,
      %get3A_337 = arith.index_cast %scan3A_320 : i32 to index
      %get3A_338 = arith.constant 32 : index
      %get3A_339 = tpu.vector_load %arg15[%get3A_337, %get3A_338] {strides = array<i32>} : memref<128x128xf32, #tpu.memory_space<vmem>>, vector<1x16xf32>,
      %get3A_340 = vector.shape_cast %get3A_339 : vector<1x16xf32> to vector<16xf32>
      %swap3A_341 = arith.index_cast %scan3A_320 : i32 to index
      %swap3A_342 = arith.constant 96 : index
      %swap3A_343 = tpu.vector_load %arg13[%swap3A_341, %swap3A_342] {strides = array<i32>} : memref<128x128xf32, #tpu.memory_space<vmem>>, vector<1x16xf32>,
      %swap3A_344 = vector.shape_cast %swap3A_343 : vector<1x16xf32> to vector<16xf32>
      %swap3A_345 = vector.shape_cast %get3A_340 : vector<16xf32> to vector<1x16xf32>
      tpu.vector_store %arg13[%swap3A_341, %swap3A_342], %swap3A_345 {strides = array<i32>} : memref<128x128xf32, #tpu.memory_space<vmem>>, vector<1x16xf32>,
      %get3A_346 = arith.index_cast %scan3A_320 : i32 to index
      %get3A_347 = arith.constant 48 : index
      %get3A_348 = tpu.vector_load %arg15[%get3A_346, %get3A_347] {strides = array<i32>} : memref<128x128xf32, #tpu.memory_space<vmem>>, vector<1x16xf32>,
      %get3A_349 = vector.shape_cast %get3A_348 : vector<1x16xf32> to vector<16xf32>
      %swap3A_350 = arith.index_cast %scan3A_320 : i32 to index
      %swap3A_351 = arith.constant 112 : index
      %swap3A_352 = tpu.vector_load %arg13[%swap3A_350, %swap3A_351] {strides = array<i32>} : memref<128x128xf32, #tpu.memory_space<vmem>>, vector<1x16xf32>,
      %swap3A_353 = vector.shape_cast %swap3A_352 : vector<1x16xf32> to vector<16xf32>
      %swap3A_354 = vector.shape_cast %get3A_349 : vector<16xf32> to vector<1x16xf32>
      tpu.vector_store %arg13[%swap3A_350, %swap3A_351], %swap3A_354 {strides = array<i32>} : memref<128x128xf32, #tpu.memory_space<vmem>>, vector<1x16xf32>,
    }
    %scan3A_187 = arith.constant 128 : i32
    %add3A_188 = arith.constant 128 : i32
    %add3A_189 = arith.addi %mul3A_2, %add3A_188 : i32
    %dma_start3A_190 = arith.constant 128 : i32
    %dma_start3A_191 = tpu.memref_slice %arg10[%add3A_189, %dma_start3A_190] : memref<8192x512xf32, #tpu.memory_space<hbm>> -> memref<128x128xf32, #tpu.memory_space<hbm>>
    %dma_start3A_192 = arith.constant 128 : i32
    %dma_start3A_193 = tpu.memref_slice %arg10[%add3A_189, %dma_start3A_192] : memref<8192x512xf32, #tpu.memory_space<hbm>> -> memref<128x128xf32, #tpu.memory_space<hbm>>
    tpu.enqueue_dma source(%arg13 : memref<128x128xf32, #tpu.memory_space<vmem>>) target(%dma_start3A_193 : memref<128x128xf32, #tpu.memory_space<hbm>>) target_semaphore(%arg21 : memref<!tpu.dma_semaphore, #tpu.memory_space<semaphore_mem>>)
    %dma_wait3A_194 = arith.constant 128 : i32
    %dma_wait3A_195 = tpu.memref_slice %arg10[%add3A_189, %dma_wait3A_194] : memref<8192x512xf32, #tpu.memory_space<hbm>> -> memref<128x128xf32, #tpu.memory_space<hbm>>
    %dma_wait3A_196 = arith.constant 128 : i32
    %dma_wait3A_197 = tpu.memref_slice %arg10[%add3A_189, %dma_wait3A_196] : memref<8192x512xf32, #tpu.memory_space<hbm>> -> memref<128x128xf32, #tpu.memory_space<hbm>>
    tpu.wait_dma2 semaphore(%arg21 : memref<!tpu.dma_semaphore, #tpu.memory_space<semaphore_mem>>) src(%arg13 : memref<128x128xf32, #tpu.memory_space<vmem>>) dst(%dma_wait3A_197 : memref<128x128xf32, #tpu.memory_space<hbm>>)
    %dma_start3A_198 = arith.constant 4 : i32
    %dma_start3A_199 = arith.constant 128 : i32
    %dma_start3A_200 = tpu.memref_slice %arg11[%dma_start3A_198, %dma_start3A_199] : memref<10x256xi32, #tpu.memory_space<vmem>> -> memref<1x128xi32, #tpu.memory_space<vmem>>
    %dma_start3A_201 = tpu.memref_squeeze %dma_start3A_200 : memref<1x128xi32, #tpu.memory_space<vmem>> -> memref<128xi32, #tpu.memory_space<vmem>>
    %dma_start3A_202 = arith.constant 0 : i32
    %dma_start3A_203 = arith.constant 0 : i32
    %dma_start3A_204 = tpu.memref_slice %arg6[%dma_start3A_202, %dma_start3A_203] : memref<1000x128xf32, #tpu.memory_space<hbm>> -> memref<1000x128xf32, #tpu.memory_space<hbm>>
    tpu.enqueue_indirect_dma source(%dma_start3A_204 : memref<1000x128xf32, #tpu.memory_space<hbm>>) target(%arg13 : memref<128x128xf32, #tpu.memory_space<vmem>>) offsets(%dma_start3A_201 : memref<128xi32, #tpu.memory_space<vmem>>) semaphore(%arg17 : memref<!tpu.dma_semaphore, #tpu.memory_space<semaphore_mem>>)
    %dma_start3A_205 = arith.constant 5 : i32
    %dma_start3A_206 = arith.constant 128 : i32
    %dma_start3A_207 = tpu.memref_slice %arg11[%dma_start3A_205, %dma_start3A_206] : memref<10x256xi32, #tpu.memory_space<vmem>> -> memref<1x128xi32, #tpu.memory_space<vmem>>
    %dma_start3A_208 = tpu.memref_squeeze %dma_start3A_207 : memref<1x128xi32, #tpu.memory_space<vmem>> -> memref<128xi32, #tpu.memory_space<vmem>>
    %dma_start3A_209 = arith.constant 0 : i32
    %dma_start3A_210 = arith.constant 0 : i32
    %dma_start3A_211 = tpu.memref_slice %arg7[%dma_start3A_209, %dma_start3A_210] : memref<2000x128xf32, #tpu.memory_space<hbm>> -> memref<2000x128xf32, #tpu.memory_space<hbm>>
    tpu.enqueue_indirect_dma source(%dma_start3A_211 : memref<2000x128xf32, #tpu.memory_space<hbm>>) target(%arg15 : memref<128x128xf32, #tpu.memory_space<vmem>>) offsets(%dma_start3A_208 : memref<128xi32, #tpu.memory_space<vmem>>) semaphore(%arg19 : memref<!tpu.dma_semaphore, #tpu.memory_space<semaphore_mem>>)
    %dma_wait3A_212 = arith.constant 4 : i32
    %dma_wait3A_213 = arith.constant 0 : i32
    %dma_wait3A_214 = tpu.memref_slice %arg11[%dma_wait3A_212, %dma_wait3A_213] : memref<10x256xi32, #tpu.memory_space<vmem>> -> memref<1x128xi32, #tpu.memory_space<vmem>>
    %dma_wait3A_215 = tpu.memref_squeeze %dma_wait3A_214 : memref<1x128xi32, #tpu.memory_space<vmem>> -> memref<128xi32, #tpu.memory_space<vmem>>
    %dma_wait3A_216 = arith.constant 0 : i32
    %dma_wait3A_217 = arith.constant 0 : i32
    %dma_wait3A_218 = tpu.memref_slice %arg6[%dma_wait3A_216, %dma_wait3A_217] : memref<1000x128xf32, #tpu.memory_space<hbm>> -> memref<1000x128xf32, #tpu.memory_space<hbm>>
    tpu.wait_indirect_dma semaphore(%arg16 : memref<!tpu.dma_semaphore, #tpu.memory_space<semaphore_mem>>) src(%dma_wait3A_218 : memref<1000x128xf32, #tpu.memory_space<hbm>>) dst(%arg12 : memref<128x128xf32, #tpu.memory_space<vmem>>)
    %dma_wait3A_219 = arith.constant 5 : i32
    %dma_wait3A_220 = arith.constant 0 : i32
    %dma_wait3A_221 = tpu.memref_slice %arg11[%dma_wait3A_219, %dma_wait3A_220] : memref<10x256xi32, #tpu.memory_space<vmem>> -> memref<1x128xi32, #tpu.memory_space<vmem>>
    %dma_wait3A_222 = tpu.memref_squeeze %dma_wait3A_221 : memref<1x128xi32, #tpu.memory_space<vmem>> -> memref<128xi32, #tpu.memory_space<vmem>>
    %dma_wait3A_223 = arith.constant 0 : i32
    %dma_wait3A_224 = arith.constant 0 : i32
    %dma_wait3A_225 = tpu.memref_slice %arg7[%dma_wait3A_223, %dma_wait3A_224] : memref<2000x128xf32, #tpu.memory_space<hbm>> -> memref<2000x128xf32, #tpu.memory_space<hbm>>
    tpu.wait_indirect_dma semaphore(%arg18 : memref<!tpu.dma_semaphore, #tpu.memory_space<semaphore_mem>>) src(%dma_wait3A_225 : memref<2000x128xf32, #tpu.memory_space<hbm>>) dst(%arg14 : memref<128x128xf32, #tpu.memory_space<vmem>>)
    %scan3A_226 = arith.constant 0 : i32
    %scan3A_227 = arith.constant 0 : i32
    %scan3A_228 = arith.constant 128 : i32
    %scan3A_229 = arith.addi %scan3A_227, %scan3A_228 : i32
    %scan3A_230 = arith.constant 1 : i32
    scf.for %scan3A_320 = %scan3A_227 to %scan3A_229 step %scan3A_230  : i32 {
      %get3A = arith.index_cast %scan3A_320 : i32 to index
      %get3A_321 = arith.constant 0 : index
      %get3A_322 = tpu.vector_load %arg14[%get3A, %get3A_321] {strides = array<i32>} : memref<128x128xf32, #tpu.memory_space<vmem>>, vector<1x16xf32>,
      %get3A_323 = vector.shape_cast %get3A_322 : vector<1x16xf32> to vector<16xf32>
      %swap3A = arith.index_cast %scan3A_320 : i32 to index
      %swap3A_324 = arith.constant 64 : index
      %swap3A_325 = tpu.vector_load %arg12[%swap3A, %swap3A_324] {strides = array<i32>} : memref<128x128xf32, #tpu.memory_space<vmem>>, vector<1x16xf32>,
      %swap3A_326 = vector.shape_cast %swap3A_325 : vector<1x16xf32> to vector<16xf32>
      %swap3A_327 = vector.shape_cast %get3A_323 : vector<16xf32> to vector<1x16xf32>
      tpu.vector_store %arg12[%swap3A, %swap3A_324], %swap3A_327 {strides = array<i32>} : memref<128x128xf32, #tpu.memory_space<vmem>>, vector<1x16xf32>,
      %get3A_328 = arith.index_cast %scan3A_320 : i32 to index
      %get3A_329 = arith.constant 16 : index
      %get3A_330 = tpu.vector_load %arg14[%get3A_328, %get3A_329] {strides = array<i32>} : memref<128x128xf32, #tpu.memory_space<vmem>>, vector<1x16xf32>,
      %get3A_331 = vector.shape_cast %get3A_330 : vector<1x16xf32> to vector<16xf32>
      %swap3A_332 = arith.index_cast %scan3A_320 : i32 to index
      %swap3A_333 = arith.constant 80 : index
      %swap3A_334 = tpu.vector_load %arg12[%swap3A_332, %swap3A_333] {strides = array<i32>} : memref<128x128xf32, #tpu.memory_space<vmem>>, vector<1x16xf32>,
      %swap3A_335 = vector.shape_cast %swap3A_334 : vector<1x16xf32> to vector<16xf32>
      %swap3A_336 = vector.shape_cast %get3A_331 : vector<16xf32> to vector<1x16xf32>
      tpu.vector_store %arg12[%swap3A_332, %swap3A_333], %swap3A_336 {strides = array<i32>} : memref<128x128xf32, #tpu.memory_space<vmem>>, vector<1x16xf32>,
      %get3A_337 = arith.index_cast %scan3A_320 : i32 to index
      %get3A_338 = arith.constant 32 : index
      %get3A_339 = tpu.vector_load %arg14[%get3A_337, %get3A_338] {strides = array<i32>} : memref<128x128xf32, #tpu.memory_space<vmem>>, vector<1x16xf32>,
      %get3A_340 = vector.shape_cast %get3A_339 : vector<1x16xf32> to vector<16xf32>
      %swap3A_341 = arith.index_cast %scan3A_320 : i32 to index
      %swap3A_342 = arith.constant 96 : index
      %swap3A_343 = tpu.vector_load %arg12[%swap3A_341, %swap3A_342] {strides = array<i32>} : memref<128x128xf32, #tpu.memory_space<vmem>>, vector<1x16xf32>,
      %swap3A_344 = vector.shape_cast %swap3A_343 : vector<1x16xf32> to vector<16xf32>
      %swap3A_345 = vector.shape_cast %get3A_340 : vector<16xf32> to vector<1x16xf32>
      tpu.vector_store %arg12[%swap3A_341, %swap3A_342], %swap3A_345 {strides = array<i32>} : memref<128x128xf32, #tpu.memory_space<vmem>>, vector<1x16xf32>,
      %get3A_346 = arith.index_cast %scan3A_320 : i32 to index
      %get3A_347 = arith.constant 48 : index
      %get3A_348 = tpu.vector_load %arg14[%get3A_346, %get3A_347] {strides = array<i32>} : memref<128x128xf32, #tpu.memory_space<vmem>>, vector<1x16xf32>,
      %get3A_349 = vector.shape_cast %get3A_348 : vector<1x16xf32> to vector<16xf32>
      %swap3A_350 = arith.index_cast %scan3A_320 : i32 to index
      %swap3A_351 = arith.constant 112 : index
      %swap3A_352 = tpu.vector_load %arg12[%swap3A_350, %swap3A_351] {strides = array<i32>} : memref<128x128xf32, #tpu.memory_space<vmem>>, vector<1x16xf32>,
      %swap3A_353 = vector.shape_cast %swap3A_352 : vector<1x16xf32> to vector<16xf32>
      %swap3A_354 = vector.shape_cast %get3A_349 : vector<16xf32> to vector<1x16xf32>
      tpu.vector_store %arg12[%swap3A_350, %swap3A_351], %swap3A_354 {strides = array<i32>} : memref<128x128xf32, #tpu.memory_space<vmem>>, vector<1x16xf32>,
    }
    %scan3A_231 = arith.constant 128 : i32
    %add3A_232 = arith.constant 0 : i32
    %add3A_233 = arith.addi %mul3A_2, %add3A_232 : i32
    %dma_start3A_234 = arith.constant 256 : i32
    %dma_start3A_235 = tpu.memref_slice %arg10[%add3A_233, %dma_start3A_234] : memref<8192x512xf32, #tpu.memory_space<hbm>> -> memref<128x128xf32, #tpu.memory_space<hbm>>
    %dma_start3A_236 = arith.constant 256 : i32
    %dma_start3A_237 = tpu.memref_slice %arg10[%add3A_233, %dma_start3A_236] : memref<8192x512xf32, #tpu.memory_space<hbm>> -> memref<128x128xf32, #tpu.memory_space<hbm>>
    tpu.enqueue_dma source(%arg12 : memref<128x128xf32, #tpu.memory_space<vmem>>) target(%dma_start3A_237 : memref<128x128xf32, #tpu.memory_space<hbm>>) target_semaphore(%arg20 : memref<!tpu.dma_semaphore, #tpu.memory_space<semaphore_mem>>)
    %dma_wait3A_238 = arith.constant 256 : i32
    %dma_wait3A_239 = tpu.memref_slice %arg10[%add3A_233, %dma_wait3A_238] : memref<8192x512xf32, #tpu.memory_space<hbm>> -> memref<128x128xf32, #tpu.memory_space<hbm>>
    %dma_wait3A_240 = arith.constant 256 : i32
    %dma_wait3A_241 = tpu.memref_slice %arg10[%add3A_233, %dma_wait3A_240] : memref<8192x512xf32, #tpu.memory_space<hbm>> -> memref<128x128xf32, #tpu.memory_space<hbm>>
    tpu.wait_dma2 semaphore(%arg20 : memref<!tpu.dma_semaphore, #tpu.memory_space<semaphore_mem>>) src(%arg12 : memref<128x128xf32, #tpu.memory_space<vmem>>) dst(%dma_wait3A_241 : memref<128x128xf32, #tpu.memory_space<hbm>>)
    %dma_start3A_242 = arith.constant 6 : i32
    %dma_start3A_243 = arith.constant 0 : i32
    %dma_start3A_244 = tpu.memref_slice %arg11[%dma_start3A_242, %dma_start3A_243] : memref<10x256xi32, #tpu.memory_space<vmem>> -> memref<1x128xi32, #tpu.memory_space<vmem>>
    %dma_start3A_245 = tpu.memref_squeeze %dma_start3A_244 : memref<1x128xi32, #tpu.memory_space<vmem>> -> memref<128xi32, #tpu.memory_space<vmem>>
    %dma_start3A_246 = arith.constant 0 : i32
    %dma_start3A_247 = arith.constant 0 : i32
    %dma_start3A_248 = tpu.memref_slice %arg8[%dma_start3A_246, %dma_start3A_247] : memref<2000x128xf32, #tpu.memory_space<hbm>> -> memref<2000x128xf32, #tpu.memory_space<hbm>>
    tpu.enqueue_indirect_dma source(%dma_start3A_248 : memref<2000x128xf32, #tpu.memory_space<hbm>>) target(%arg12 : memref<128x128xf32, #tpu.memory_space<vmem>>) offsets(%dma_start3A_245 : memref<128xi32, #tpu.memory_space<vmem>>) semaphore(%arg16 : memref<!tpu.dma_semaphore, #tpu.memory_space<semaphore_mem>>)
    %dma_wait3A_249 = arith.constant 4 : i32
    %dma_wait3A_250 = arith.constant 128 : i32
    %dma_wait3A_251 = tpu.memref_slice %arg11[%dma_wait3A_249, %dma_wait3A_250] : memref<10x256xi32, #tpu.memory_space<vmem>> -> memref<1x128xi32, #tpu.memory_space<vmem>>
    %dma_wait3A_252 = tpu.memref_squeeze %dma_wait3A_251 : memref<1x128xi32, #tpu.memory_space<vmem>> -> memref<128xi32, #tpu.memory_space<vmem>>
    %dma_wait3A_253 = arith.constant 0 : i32
    %dma_wait3A_254 = arith.constant 0 : i32
    %dma_wait3A_255 = tpu.memref_slice %arg6[%dma_wait3A_253, %dma_wait3A_254] : memref<1000x128xf32, #tpu.memory_space<hbm>> -> memref<1000x128xf32, #tpu.memory_space<hbm>>
    tpu.wait_indirect_dma semaphore(%arg17 : memref<!tpu.dma_semaphore, #tpu.memory_space<semaphore_mem>>) src(%dma_wait3A_255 : memref<1000x128xf32, #tpu.memory_space<hbm>>) dst(%arg13 : memref<128x128xf32, #tpu.memory_space<vmem>>)
    %dma_wait3A_256 = arith.constant 5 : i32
    %dma_wait3A_257 = arith.constant 128 : i32
    %dma_wait3A_258 = tpu.memref_slice %arg11[%dma_wait3A_256, %dma_wait3A_257] : memref<10x256xi32, #tpu.memory_space<vmem>> -> memref<1x128xi32, #tpu.memory_space<vmem>>
    %dma_wait3A_259 = tpu.memref_squeeze %dma_wait3A_258 : memref<1x128xi32, #tpu.memory_space<vmem>> -> memref<128xi32, #tpu.memory_space<vmem>>
    %dma_wait3A_260 = arith.constant 0 : i32
    %dma_wait3A_261 = arith.constant 0 : i32
    %dma_wait3A_262 = tpu.memref_slice %arg7[%dma_wait3A_260, %dma_wait3A_261] : memref<2000x128xf32, #tpu.memory_space<hbm>> -> memref<2000x128xf32, #tpu.memory_space<hbm>>
    tpu.wait_indirect_dma semaphore(%arg19 : memref<!tpu.dma_semaphore, #tpu.memory_space<semaphore_mem>>) src(%dma_wait3A_262 : memref<2000x128xf32, #tpu.memory_space<hbm>>) dst(%arg15 : memref<128x128xf32, #tpu.memory_space<vmem>>)
    %scan3A_263 = arith.constant 0 : i32
    %scan3A_264 = arith.constant 0 : i32
    %scan3A_265 = arith.constant 128 : i32
    %scan3A_266 = arith.addi %scan3A_264, %scan3A_265 : i32
    %scan3A_267 = arith.constant 1 : i32
    scf.for %scan3A_320 = %scan3A_264 to %scan3A_266 step %scan3A_267  : i32 {
      %get3A = arith.index_cast %scan3A_320 : i32 to index
      %get3A_321 = arith.constant 0 : index
      %get3A_322 = tpu.vector_load %arg15[%get3A, %get3A_321] {strides = array<i32>} : memref<128x128xf32, #tpu.memory_space<vmem>>, vector<1x16xf32>,
      %get3A_323 = vector.shape_cast %get3A_322 : vector<1x16xf32> to vector<16xf32>
      %swap3A = arith.index_cast %scan3A_320 : i32 to index
      %swap3A_324 = arith.constant 64 : index
      %swap3A_325 = tpu.vector_load %arg13[%swap3A, %swap3A_324] {strides = array<i32>} : memref<128x128xf32, #tpu.memory_space<vmem>>, vector<1x16xf32>,
      %swap3A_326 = vector.shape_cast %swap3A_325 : vector<1x16xf32> to vector<16xf32>
      %swap3A_327 = vector.shape_cast %get3A_323 : vector<16xf32> to vector<1x16xf32>
      tpu.vector_store %arg13[%swap3A, %swap3A_324], %swap3A_327 {strides = array<i32>} : memref<128x128xf32, #tpu.memory_space<vmem>>, vector<1x16xf32>,
      %get3A_328 = arith.index_cast %scan3A_320 : i32 to index
      %get3A_329 = arith.constant 16 : index
      %get3A_330 = tpu.vector_load %arg15[%get3A_328, %get3A_329] {strides = array<i32>} : memref<128x128xf32, #tpu.memory_space<vmem>>, vector<1x16xf32>,
      %get3A_331 = vector.shape_cast %get3A_330 : vector<1x16xf32> to vector<16xf32>
      %swap3A_332 = arith.index_cast %scan3A_320 : i32 to index
      %swap3A_333 = arith.constant 80 : index
      %swap3A_334 = tpu.vector_load %arg13[%swap3A_332, %swap3A_333] {strides = array<i32>} : memref<128x128xf32, #tpu.memory_space<vmem>>, vector<1x16xf32>,
      %swap3A_335 = vector.shape_cast %swap3A_334 : vector<1x16xf32> to vector<16xf32>
      %swap3A_336 = vector.shape_cast %get3A_331 : vector<16xf32> to vector<1x16xf32>
      tpu.vector_store %arg13[%swap3A_332, %swap3A_333], %swap3A_336 {strides = array<i32>} : memref<128x128xf32, #tpu.memory_space<vmem>>, vector<1x16xf32>,
      %get3A_337 = arith.index_cast %scan3A_320 : i32 to index
      %get3A_338 = arith.constant 32 : index
      %get3A_339 = tpu.vector_load %arg15[%get3A_337, %get3A_338] {strides = array<i32>} : memref<128x128xf32, #tpu.memory_space<vmem>>, vector<1x16xf32>,
      %get3A_340 = vector.shape_cast %get3A_339 : vector<1x16xf32> to vector<16xf32>
      %swap3A_341 = arith.index_cast %scan3A_320 : i32 to index
      %swap3A_342 = arith.constant 96 : index
      %swap3A_343 = tpu.vector_load %arg13[%swap3A_341, %swap3A_342] {strides = array<i32>} : memref<128x128xf32, #tpu.memory_space<vmem>>, vector<1x16xf32>,
      %swap3A_344 = vector.shape_cast %swap3A_343 : vector<1x16xf32> to vector<16xf32>
      %swap3A_345 = vector.shape_cast %get3A_340 : vector<16xf32> to vector<1x16xf32>
      tpu.vector_store %arg13[%swap3A_341, %swap3A_342], %swap3A_345 {strides = array<i32>} : memref<128x128xf32, #tpu.memory_space<vmem>>, vector<1x16xf32>,
      %get3A_346 = arith.index_cast %scan3A_320 : i32 to index
      %get3A_347 = arith.constant 48 : index
      %get3A_348 = tpu.vector_load %arg15[%get3A_346, %get3A_347] {strides = array<i32>} : memref<128x128xf32, #tpu.memory_space<vmem>>, vector<1x16xf32>,
      %get3A_349 = vector.shape_cast %get3A_348 : vector<1x16xf32> to vector<16xf32>
      %swap3A_350 = arith.index_cast %scan3A_320 : i32 to index
      %swap3A_351 = arith.constant 112 : index
      %swap3A_352 = tpu.vector_load %arg13[%swap3A_350, %swap3A_351] {strides = array<i32>} : memref<128x128xf32, #tpu.memory_space<vmem>>, vector<1x16xf32>,
      %swap3A_353 = vector.shape_cast %swap3A_352 : vector<1x16xf32> to vector<16xf32>
      %swap3A_354 = vector.shape_cast %get3A_349 : vector<16xf32> to vector<1x16xf32>
      tpu.vector_store %arg13[%swap3A_350, %swap3A_351], %swap3A_354 {strides = array<i32>} : memref<128x128xf32, #tpu.memory_space<vmem>>, vector<1x16xf32>,
    }
    %scan3A_268 = arith.constant 128 : i32
    %add3A_269 = arith.constant 128 : i32
    %add3A_270 = arith.addi %mul3A_2, %add3A_269 : i32
    %dma_start3A_271 = arith.constant 256 : i32
    %dma_start3A_272 = tpu.memref_slice %arg10[%add3A_270, %dma_start3A_271] : memref<8192x512xf32, #tpu.memory_space<hbm>> -> memref<128x128xf32, #tpu.memory_space<hbm>>
    %dma_start3A_273 = arith.constant 256 : i32
    %dma_start3A_274 = tpu.memref_slice %arg10[%add3A_270, %dma_start3A_273] : memref<8192x512xf32, #tpu.memory_space<hbm>> -> memref<128x128xf32, #tpu.memory_space<hbm>>
    tpu.enqueue_dma source(%arg13 : memref<128x128xf32, #tpu.memory_space<vmem>>) target(%dma_start3A_274 : memref<128x128xf32, #tpu.memory_space<hbm>>) target_semaphore(%arg21 : memref<!tpu.dma_semaphore, #tpu.memory_space<semaphore_mem>>)
    %dma_wait3A_275 = arith.constant 256 : i32
    %dma_wait3A_276 = tpu.memref_slice %arg10[%add3A_270, %dma_wait3A_275] : memref<8192x512xf32, #tpu.memory_space<hbm>> -> memref<128x128xf32, #tpu.memory_space<hbm>>
    %dma_wait3A_277 = arith.constant 256 : i32
    %dma_wait3A_278 = tpu.memref_slice %arg10[%add3A_270, %dma_wait3A_277] : memref<8192x512xf32, #tpu.memory_space<hbm>> -> memref<128x128xf32, #tpu.memory_space<hbm>>
    tpu.wait_dma2 semaphore(%arg21 : memref<!tpu.dma_semaphore, #tpu.memory_space<semaphore_mem>>) src(%arg13 : memref<128x128xf32, #tpu.memory_space<vmem>>) dst(%dma_wait3A_278 : memref<128x128xf32, #tpu.memory_space<hbm>>)
    %dma_start3A_279 = arith.constant 6 : i32
    %dma_start3A_280 = arith.constant 128 : i32
    %dma_start3A_281 = tpu.memref_slice %arg11[%dma_start3A_279, %dma_start3A_280] : memref<10x256xi32, #tpu.memory_space<vmem>> -> memref<1x128xi32, #tpu.memory_space<vmem>>
    %dma_start3A_282 = tpu.memref_squeeze %dma_start3A_281 : memref<1x128xi32, #tpu.memory_space<vmem>> -> memref<128xi32, #tpu.memory_space<vmem>>
    %dma_start3A_283 = arith.constant 0 : i32
    %dma_start3A_284 = arith.constant 0 : i32
    %dma_start3A_285 = tpu.memref_slice %arg8[%dma_start3A_283, %dma_start3A_284] : memref<2000x128xf32, #tpu.memory_space<hbm>> -> memref<2000x128xf32, #tpu.memory_space<hbm>>
    tpu.enqueue_indirect_dma source(%dma_start3A_285 : memref<2000x128xf32, #tpu.memory_space<hbm>>) target(%arg13 : memref<128x128xf32, #tpu.memory_space<vmem>>) offsets(%dma_start3A_282 : memref<128xi32, #tpu.memory_space<vmem>>) semaphore(%arg17 : memref<!tpu.dma_semaphore, #tpu.memory_space<semaphore_mem>>)
    %dma_wait3A_286 = arith.constant 6 : i32
    %dma_wait3A_287 = arith.constant 0 : i32
    %dma_wait3A_288 = tpu.memref_slice %arg11[%dma_wait3A_286, %dma_wait3A_287] : memref<10x256xi32, #tpu.memory_space<vmem>> -> memref<1x128xi32, #tpu.memory_space<vmem>>
    %dma_wait3A_289 = tpu.memref_squeeze %dma_wait3A_288 : memref<1x128xi32, #tpu.memory_space<vmem>> -> memref<128xi32, #tpu.memory_space<vmem>>
    %dma_wait3A_290 = arith.constant 0 : i32
    %dma_wait3A_291 = arith.constant 0 : i32
    %dma_wait3A_292 = tpu.memref_slice %arg8[%dma_wait3A_290, %dma_wait3A_291] : memref<2000x128xf32, #tpu.memory_space<hbm>> -> memref<2000x128xf32, #tpu.memory_space<hbm>>
    tpu.wait_indirect_dma semaphore(%arg16 : memref<!tpu.dma_semaphore, #tpu.memory_space<semaphore_mem>>) src(%dma_wait3A_292 : memref<2000x128xf32, #tpu.memory_space<hbm>>) dst(%arg12 : memref<128x128xf32, #tpu.memory_space<vmem>>)
    %add3A_293 = arith.constant 0 : i32
    %add3A_294 = arith.addi %mul3A_2, %add3A_293 : i32
    %dma_start3A_295 = arith.constant 384 : i32
    %dma_start3A_296 = tpu.memref_slice %arg10[%add3A_294, %dma_start3A_295] : memref<8192x512xf32, #tpu.memory_space<hbm>> -> memref<128x128xf32, #tpu.memory_space<hbm>>
    %dma_start3A_297 = arith.constant 384 : i32
    %dma_start3A_298 = tpu.memref_slice %arg10[%add3A_294, %dma_start3A_297] : memref<8192x512xf32, #tpu.memory_space<hbm>> -> memref<128x128xf32, #tpu.memory_space<hbm>>
    tpu.enqueue_dma source(%arg12 : memref<128x128xf32, #tpu.memory_space<vmem>>) target(%dma_start3A_298 : memref<128x128xf32, #tpu.memory_space<hbm>>) target_semaphore(%arg20 : memref<!tpu.dma_semaphore, #tpu.memory_space<semaphore_mem>>)
    %dma_wait3A_299 = arith.constant 6 : i32
    %dma_wait3A_300 = arith.constant 128 : i32
    %dma_wait3A_301 = tpu.memref_slice %arg11[%dma_wait3A_299, %dma_wait3A_300] : memref<10x256xi32, #tpu.memory_space<vmem>> -> memref<1x128xi32, #tpu.memory_space<vmem>>
    %dma_wait3A_302 = tpu.memref_squeeze %dma_wait3A_301 : memref<1x128xi32, #tpu.memory_space<vmem>> -> memref<128xi32, #tpu.memory_space<vmem>>
    %dma_wait3A_303 = arith.constant 0 : i32
    %dma_wait3A_304 = arith.constant 0 : i32
    %dma_wait3A_305 = tpu.memref_slice %arg8[%dma_wait3A_303, %dma_wait3A_304] : memref<2000x128xf32, #tpu.memory_space<hbm>> -> memref<2000x128xf32, #tpu.memory_space<hbm>>
    tpu.wait_indirect_dma semaphore(%arg17 : memref<!tpu.dma_semaphore, #tpu.memory_space<semaphore_mem>>) src(%dma_wait3A_305 : memref<2000x128xf32, #tpu.memory_space<hbm>>) dst(%arg13 : memref<128x128xf32, #tpu.memory_space<vmem>>)
    %add3A_306 = arith.constant 128 : i32
    %add3A_307 = arith.addi %mul3A_2, %add3A_306 : i32
    %dma_start3A_308 = arith.constant 384 : i32
    %dma_start3A_309 = tpu.memref_slice %arg10[%add3A_307, %dma_start3A_308] : memref<8192x512xf32, #tpu.memory_space<hbm>> -> memref<128x128xf32, #tpu.memory_space<hbm>>
    %dma_start3A_310 = arith.constant 384 : i32
    %dma_start3A_311 = tpu.memref_slice %arg10[%add3A_307, %dma_start3A_310] : memref<8192x512xf32, #tpu.memory_space<hbm>> -> memref<128x128xf32, #tpu.memory_space<hbm>>
    tpu.enqueue_dma source(%arg13 : memref<128x128xf32, #tpu.memory_space<vmem>>) target(%dma_start3A_311 : memref<128x128xf32, #tpu.memory_space<hbm>>) target_semaphore(%arg21 : memref<!tpu.dma_semaphore, #tpu.memory_space<semaphore_mem>>)
    %dma_wait3A_312 = arith.constant 384 : i32
    %dma_wait3A_313 = tpu.memref_slice %arg10[%add3A_294, %dma_wait3A_312] : memref<8192x512xf32, #tpu.memory_space<hbm>> -> memref<128x128xf32, #tpu.memory_space<hbm>>
    %dma_wait3A_314 = arith.constant 384 : i32
    %dma_wait3A_315 = tpu.memref_slice %arg10[%add3A_294, %dma_wait3A_314] : memref<8192x512xf32, #tpu.memory_space<hbm>> -> memref<128x128xf32, #tpu.memory_space<hbm>>
    tpu.wait_dma2 semaphore(%arg20 : memref<!tpu.dma_semaphore, #tpu.memory_space<semaphore_mem>>) src(%arg12 : memref<128x128xf32, #tpu.memory_space<vmem>>) dst(%dma_wait3A_315 : memref<128x128xf32, #tpu.memory_space<hbm>>)
    %dma_wait3A_316 = arith.constant 384 : i32
    %dma_wait3A_317 = tpu.memref_slice %arg10[%add3A_307, %dma_wait3A_316] : memref<8192x512xf32, #tpu.memory_space<hbm>> -> memref<128x128xf32, #tpu.memory_space<hbm>>
    %dma_wait3A_318 = arith.constant 384 : i32
    %dma_wait3A_319 = tpu.memref_slice %arg10[%add3A_307, %dma_wait3A_318] : memref<8192x512xf32, #tpu.memory_space<hbm>> -> memref<128x128xf32, #tpu.memory_space<hbm>>
    tpu.wait_dma2 semaphore(%arg21 : memref<!tpu.dma_semaphore, #tpu.memory_space<semaphore_mem>>) src(%arg13 : memref<128x128xf32, #tpu.memory_space<vmem>>) dst(%dma_wait3A_319 : memref<128x128xf32, #tpu.memory_space<hbm>>)
    return
  }
}

#map = affine_map<(d0, d1) -> (0, 0)>
module attributes {stable_mosaic.version = 14 : i64} {
  func.func @_sc_gather_body(%arg0: i32, %arg1: i32, %arg2: memref<2000x128xf32, #tpu.memory_space<hbm>>, %arg3: memref<20000x128xf32, #tpu.memory_space<hbm>>, %arg4: memref<25076x128xf32, #tpu.memory_space<hbm>>, %arg5: memref<4400x128xf32, #tpu.memory_space<hbm>>, %arg6: memref<1000x128xf32, #tpu.memory_space<hbm>>, %arg7: memref<2000x128xf32, #tpu.memory_space<hbm>>, %arg8: memref<2000x128xf32, #tpu.memory_space<hbm>>, %arg9: memref<10x8192xi32, #tpu.memory_space<hbm>>, %arg10: memref<8192x512xf32, #tpu.memory_space<hbm>>, %arg11: memref<10x256xi32, #tpu.memory_space<vmem>>, %arg12: memref<128x128xf32, #tpu.memory_space<vmem>>, %arg13: memref<128x128xf32, #tpu.memory_space<vmem>>, %arg14: memref<128x128xf32, #tpu.memory_space<vmem>>, %arg15: memref<128x128xf32, #tpu.memory_space<vmem>>, %arg16: memref<!tpu.dma_semaphore, #tpu.memory_space<semaphore_mem>>, %arg17: memref<!tpu.dma_semaphore, #tpu.memory_space<semaphore_mem>>, %arg18: memref<!tpu.dma_semaphore, #tpu.memory_space<semaphore_mem>>, %arg19: memref<!tpu.dma_semaphore, #tpu.memory_space<semaphore_mem>>, %arg20: memref<!tpu.dma_semaphore, #tpu.memory_space<semaphore_mem>>, %arg21: memref<!tpu.dma_semaphore, #tpu.memory_space<semaphore_mem>>, %arg22: memref<!tpu.dma_semaphore, #tpu.memory_space<semaphore_mem>>) attributes {dimension_semantics = [#tpu.dimension_semantics<core_parallel>, #tpu.dimension_semantics<subcore_parallel>], iteration_bounds = array<i64: 2, 16>, scalar_prefetch = 0 : i64, scratch_operands = 12 : i64, tpu.core_type = #tpu.core_type<sc_vector_subcore>, window_params = [{transform_indices = #map}, {transform_indices = #map}, {transform_indices = #map}, {transform_indices = #map}, {transform_indices = #map}, {transform_indices = #map}, {transform_indices = #map}, {transform_indices = #map}, {transform_indices = #map}]} {
    %mul3A = arith.constant 2 : i32
    %mul3A_0 = arith.muli %arg1, %mul3A : i32
    %add3A = arith.addi %mul3A_0, %arg0 : i32
    %mul3A_1 = arith.constant 256 : i32
    %mul3A_2 = arith.muli %add3A, %mul3A_1 : i32
    %dma_start3A = arith.constant 0 : i32
    %dma_start3A_3 = tpu.memref_slice %arg9[%dma_start3A, %mul3A_2] : memref<10x8192xi32, #tpu.memory_space<hbm>> -> memref<10x256xi32, #tpu.memory_space<hbm>>
    %dma_start3A_4 = arith.constant 0 : i32
    %dma_start3A_5 = tpu.memref_slice %arg9[%dma_start3A_4, %mul3A_2] : memref<10x8192xi32, #tpu.memory_space<hbm>> -> memref<10x256xi32, #tpu.memory_space<hbm>>
    tpu.enqueue_dma source(%dma_start3A_5 : memref<10x256xi32, #tpu.memory_space<hbm>>) target(%arg11 : memref<10x256xi32, #tpu.memory_space<vmem>>) target_semaphore(%arg22 : memref<!tpu.dma_semaphore, #tpu.memory_space<semaphore_mem>>)
    %dma_wait3A = arith.constant 0 : i32
    %dma_wait3A_6 = tpu.memref_slice %arg9[%dma_wait3A, %mul3A_2] : memref<10x8192xi32, #tpu.memory_space<hbm>> -> memref<10x256xi32, #tpu.memory_space<hbm>>
    %dma_wait3A_7 = arith.constant 0 : i32
    %dma_wait3A_8 = tpu.memref_slice %arg9[%dma_wait3A_7, %mul3A_2] : memref<10x8192xi32, #tpu.memory_space<hbm>> -> memref<10x256xi32, #tpu.memory_space<hbm>>
    tpu.wait_dma2 semaphore(%arg22 : memref<!tpu.dma_semaphore, #tpu.memory_space<semaphore_mem>>) src(%dma_wait3A_8 : memref<10x256xi32, #tpu.memory_space<hbm>>) dst(%arg11 : memref<10x256xi32, #tpu.memory_space<vmem>>)
    %dma_start3A_9 = arith.constant 0 : i32
    %dma_start3A_10 = arith.constant 0 : i32
    %dma_start3A_11 = tpu.memref_slice %arg11[%dma_start3A_9, %dma_start3A_10] : memref<10x256xi32, #tpu.memory_space<vmem>> -> memref<1x128xi32, #tpu.memory_space<vmem>>
    %dma_start3A_12 = tpu.memref_squeeze %dma_start3A_11 : memref<1x128xi32, #tpu.memory_space<vmem>> -> memref<128xi32, #tpu.memory_space<vmem>>
    %dma_start3A_13 = arith.constant 0 : i32
    %dma_start3A_14 = arith.constant 0 : i32
    %dma_start3A_15 = tpu.memref_slice %arg2[%dma_start3A_13, %dma_start3A_14] : memref<2000x128xf32, #tpu.memory_space<hbm>> -> memref<2000x128xf32, #tpu.memory_space<hbm>>
    tpu.enqueue_indirect_dma source(%dma_start3A_15 : memref<2000x128xf32, #tpu.memory_space<hbm>>) target(%arg12 : memref<128x128xf32, #tpu.memory_space<vmem>>) offsets(%dma_start3A_12 : memref<128xi32, #tpu.memory_space<vmem>>) semaphore(%arg16 : memref<!tpu.dma_semaphore, #tpu.memory_space<semaphore_mem>>)
    %dma_start3A_16 = arith.constant 1 : i32
    %dma_start3A_17 = arith.constant 0 : i32
    %dma_start3A_18 = tpu.memref_slice %arg11[%dma_start3A_16, %dma_start3A_17] : memref<10x256xi32, #tpu.memory_space<vmem>> -> memref<1x128xi32, #tpu.memory_space<vmem>>
    %dma_start3A_19 = tpu.memref_squeeze %dma_start3A_18 : memref<1x128xi32, #tpu.memory_space<vmem>> -> memref<128xi32, #tpu.memory_space<vmem>>
    %dma_start3A_20 = arith.constant 0 : i32
    %dma_start3A_21 = arith.constant 0 : i32
    %dma_start3A_22 = tpu.memref_slice %arg3[%dma_start3A_20, %dma_start3A_21] : memref<20000x128xf32, #tpu.memory_space<hbm>> -> memref<20000x128xf32, #tpu.memory_space<hbm>>
    tpu.enqueue_indirect_dma source(%dma_start3A_22 : memref<20000x128xf32, #tpu.memory_space<hbm>>) target(%arg14 : memref<128x128xf32, #tpu.memory_space<vmem>>) offsets(%dma_start3A_19 : memref<128xi32, #tpu.memory_space<vmem>>) semaphore(%arg18 : memref<!tpu.dma_semaphore, #tpu.memory_space<semaphore_mem>>)
    %dma_start3A_23 = arith.constant 0 : i32
    %dma_start3A_24 = arith.constant 128 : i32
    %dma_start3A_25 = tpu.memref_slice %arg11[%dma_start3A_23, %dma_start3A_24] : memref<10x256xi32, #tpu.memory_space<vmem>> -> memref<1x128xi32, #tpu.memory_space<vmem>>
    %dma_start3A_26 = tpu.memref_squeeze %dma_start3A_25 : memref<1x128xi32, #tpu.memory_space<vmem>> -> memref<128xi32, #tpu.memory_space<vmem>>
    %dma_start3A_27 = arith.constant 0 : i32
    %dma_start3A_28 = arith.constant 0 : i32
    %dma_start3A_29 = tpu.memref_slice %arg2[%dma_start3A_27, %dma_start3A_28] : memref<2000x128xf32, #tpu.memory_space<hbm>> -> memref<2000x128xf32, #tpu.memory_space<hbm>>
    tpu.enqueue_indirect_dma source(%dma_start3A_29 : memref<2000x128xf32, #tpu.memory_space<hbm>>) target(%arg13 : memref<128x128xf32, #tpu.memory_space<vmem>>) offsets(%dma_start3A_26 : memref<128xi32, #tpu.memory_space<vmem>>) semaphore(%arg17 : memref<!tpu.dma_semaphore, #tpu.memory_space<semaphore_mem>>)
    %dma_start3A_30 = arith.constant 1 : i32
    %dma_start3A_31 = arith.constant 128 : i32
    %dma_start3A_32 = tpu.memref_slice %arg11[%dma_start3A_30, %dma_start3A_31] : memref<10x256xi32, #tpu.memory_space<vmem>> -> memref<1x128xi32, #tpu.memory_space<vmem>>
    %dma_start3A_33 = tpu.memref_squeeze %dma_start3A_32 : memref<1x128xi32, #tpu.memory_space<vmem>> -> memref<128xi32, #tpu.memory_space<vmem>>
    %dma_start3A_34 = arith.constant 0 : i32
    %dma_start3A_35 = arith.constant 0 : i32
    %dma_start3A_36 = tpu.memref_slice %arg3[%dma_start3A_34, %dma_start3A_35] : memref<20000x128xf32, #tpu.memory_space<hbm>> -> memref<20000x128xf32, #tpu.memory_space<hbm>>
    tpu.enqueue_indirect_dma source(%dma_start3A_36 : memref<20000x128xf32, #tpu.memory_space<hbm>>) target(%arg15 : memref<128x128xf32, #tpu.memory_space<vmem>>) offsets(%dma_start3A_33 : memref<128xi32, #tpu.memory_space<vmem>>) semaphore(%arg19 : memref<!tpu.dma_semaphore, #tpu.memory_space<semaphore_mem>>)
    %dma_wait3A_37 = arith.constant 0 : i32
    %dma_wait3A_38 = arith.constant 0 : i32
    %dma_wait3A_39 = tpu.memref_slice %arg11[%dma_wait3A_37, %dma_wait3A_38] : memref<10x256xi32, #tpu.memory_space<vmem>> -> memref<1x128xi32, #tpu.memory_space<vmem>>
    %dma_wait3A_40 = tpu.memref_squeeze %dma_wait3A_39 : memref<1x128xi32, #tpu.memory_space<vmem>> -> memref<128xi32, #tpu.memory_space<vmem>>
    %dma_wait3A_41 = arith.constant 0 : i32
    %dma_wait3A_42 = arith.constant 0 : i32
    %dma_wait3A_43 = tpu.memref_slice %arg2[%dma_wait3A_41, %dma_wait3A_42] : memref<2000x128xf32, #tpu.memory_space<hbm>> -> memref<2000x128xf32, #tpu.memory_space<hbm>>
    tpu.wait_indirect_dma semaphore(%arg16 : memref<!tpu.dma_semaphore, #tpu.memory_space<semaphore_mem>>) src(%dma_wait3A_43 : memref<2000x128xf32, #tpu.memory_space<hbm>>) dst(%arg12 : memref<128x128xf32, #tpu.memory_space<vmem>>)
    %dma_wait3A_44 = arith.constant 1 : i32
    %dma_wait3A_45 = arith.constant 0 : i32
    %dma_wait3A_46 = tpu.memref_slice %arg11[%dma_wait3A_44, %dma_wait3A_45] : memref<10x256xi32, #tpu.memory_space<vmem>> -> memref<1x128xi32, #tpu.memory_space<vmem>>
    %dma_wait3A_47 = tpu.memref_squeeze %dma_wait3A_46 : memref<1x128xi32, #tpu.memory_space<vmem>> -> memref<128xi32, #tpu.memory_space<vmem>>
    %dma_wait3A_48 = arith.constant 0 : i32
    %dma_wait3A_49 = arith.constant 0 : i32
    %dma_wait3A_50 = tpu.memref_slice %arg3[%dma_wait3A_48, %dma_wait3A_49] : memref<20000x128xf32, #tpu.memory_space<hbm>> -> memref<20000x128xf32, #tpu.memory_space<hbm>>
    tpu.wait_indirect_dma semaphore(%arg18 : memref<!tpu.dma_semaphore, #tpu.memory_space<semaphore_mem>>) src(%dma_wait3A_50 : memref<20000x128xf32, #tpu.memory_space<hbm>>) dst(%arg14 : memref<128x128xf32, #tpu.memory_space<vmem>>)
    %scan3A = arith.constant 0 : i32
    %scan3A_51 = arith.constant 0 : i32
    %scan3A_52 = arith.constant 128 : i32
    %scan3A_53 = arith.addi %scan3A_51, %scan3A_52 : i32
    %scan3A_54 = arith.constant 1 : i32
    scf.for %scan3A_320 = %scan3A_51 to %scan3A_53 step %scan3A_54  : i32 {
      %get3A = arith.index_cast %scan3A_320 : i32 to index
      %get3A_321 = arith.constant 0 : index
      %get3A_322 = tpu.vector_load %arg14[%get3A, %get3A_321] {strides = array<i32>} : memref<128x128xf32, #tpu.memory_space<vmem>>, vector<1x16xf32>,
      %get3A_323 = vector.shape_cast %get3A_322 : vector<1x16xf32> to vector<16xf32>
      %swap3A = arith.index_cast %scan3A_320 : i32 to index
      %swap3A_324 = arith.constant 64 : index
      %swap3A_325 = tpu.vector_load %arg12[%swap3A, %swap3A_324] {strides = array<i32>} : memref<128x128xf32, #tpu.memory_space<vmem>>, vector<1x16xf32>,
      %swap3A_326 = vector.shape_cast %swap3A_325 : vector<1x16xf32> to vector<16xf32>
      %swap3A_327 = vector.shape_cast %get3A_323 : vector<16xf32> to vector<1x16xf32>
      tpu.vector_store %arg12[%swap3A, %swap3A_324], %swap3A_327 {strides = array<i32>} : memref<128x128xf32, #tpu.memory_space<vmem>>, vector<1x16xf32>,
      %get3A_328 = arith.index_cast %scan3A_320 : i32 to index
      %get3A_329 = arith.constant 16 : index
      %get3A_330 = tpu.vector_load %arg14[%get3A_328, %get3A_329] {strides = array<i32>} : memref<128x128xf32, #tpu.memory_space<vmem>>, vector<1x16xf32>,
      %get3A_331 = vector.shape_cast %get3A_330 : vector<1x16xf32> to vector<16xf32>
      %swap3A_332 = arith.index_cast %scan3A_320 : i32 to index
      %swap3A_333 = arith.constant 80 : index
      %swap3A_334 = tpu.vector_load %arg12[%swap3A_332, %swap3A_333] {strides = array<i32>} : memref<128x128xf32, #tpu.memory_space<vmem>>, vector<1x16xf32>,
      %swap3A_335 = vector.shape_cast %swap3A_334 : vector<1x16xf32> to vector<16xf32>
      %swap3A_336 = vector.shape_cast %get3A_331 : vector<16xf32> to vector<1x16xf32>
      tpu.vector_store %arg12[%swap3A_332, %swap3A_333], %swap3A_336 {strides = array<i32>} : memref<128x128xf32, #tpu.memory_space<vmem>>, vector<1x16xf32>,
      %get3A_337 = arith.index_cast %scan3A_320 : i32 to index
      %get3A_338 = arith.constant 32 : index
      %get3A_339 = tpu.vector_load %arg14[%get3A_337, %get3A_338] {strides = array<i32>} : memref<128x128xf32, #tpu.memory_space<vmem>>, vector<1x16xf32>,
      %get3A_340 = vector.shape_cast %get3A_339 : vector<1x16xf32> to vector<16xf32>
      %swap3A_341 = arith.index_cast %scan3A_320 : i32 to index
      %swap3A_342 = arith.constant 96 : index
      %swap3A_343 = tpu.vector_load %arg12[%swap3A_341, %swap3A_342] {strides = array<i32>} : memref<128x128xf32, #tpu.memory_space<vmem>>, vector<1x16xf32>,
      %swap3A_344 = vector.shape_cast %swap3A_343 : vector<1x16xf32> to vector<16xf32>
      %swap3A_345 = vector.shape_cast %get3A_340 : vector<16xf32> to vector<1x16xf32>
      tpu.vector_store %arg12[%swap3A_341, %swap3A_342], %swap3A_345 {strides = array<i32>} : memref<128x128xf32, #tpu.memory_space<vmem>>, vector<1x16xf32>,
      %get3A_346 = arith.index_cast %scan3A_320 : i32 to index
      %get3A_347 = arith.constant 48 : index
      %get3A_348 = tpu.vector_load %arg14[%get3A_346, %get3A_347] {strides = array<i32>} : memref<128x128xf32, #tpu.memory_space<vmem>>, vector<1x16xf32>,
      %get3A_349 = vector.shape_cast %get3A_348 : vector<1x16xf32> to vector<16xf32>
      %swap3A_350 = arith.index_cast %scan3A_320 : i32 to index
      %swap3A_351 = arith.constant 112 : index
      %swap3A_352 = tpu.vector_load %arg12[%swap3A_350, %swap3A_351] {strides = array<i32>} : memref<128x128xf32, #tpu.memory_space<vmem>>, vector<1x16xf32>,
      %swap3A_353 = vector.shape_cast %swap3A_352 : vector<1x16xf32> to vector<16xf32>
      %swap3A_354 = vector.shape_cast %get3A_349 : vector<16xf32> to vector<1x16xf32>
      tpu.vector_store %arg12[%swap3A_350, %swap3A_351], %swap3A_354 {strides = array<i32>} : memref<128x128xf32, #tpu.memory_space<vmem>>, vector<1x16xf32>,
    }
    %scan3A_55 = arith.constant 128 : i32
    %add3A_56 = arith.constant 0 : i32
    %add3A_57 = arith.addi %mul3A_2, %add3A_56 : i32
    %dma_start3A_58 = arith.constant 0 : i32
    %dma_start3A_59 = tpu.memref_slice %arg10[%add3A_57, %dma_start3A_58] : memref<8192x512xf32, #tpu.memory_space<hbm>> -> memref<128x128xf32, #tpu.memory_space<hbm>>
    %dma_start3A_60 = arith.constant 0 : i32
    %dma_start3A_61 = tpu.memref_slice %arg10[%add3A_57, %dma_start3A_60] : memref<8192x512xf32, #tpu.memory_space<hbm>> -> memref<128x128xf32, #tpu.memory_space<hbm>>
    tpu.enqueue_dma source(%arg12 : memref<128x128xf32, #tpu.memory_space<vmem>>) target(%dma_start3A_61 : memref<128x128xf32, #tpu.memory_space<hbm>>) target_semaphore(%arg20 : memref<!tpu.dma_semaphore, #tpu.memory_space<semaphore_mem>>)
    %dma_wait3A_62 = arith.constant 0 : i32
    %dma_wait3A_63 = tpu.memref_slice %arg10[%add3A_57, %dma_wait3A_62] : memref<8192x512xf32, #tpu.memory_space<hbm>> -> memref<128x128xf32, #tpu.memory_space<hbm>>
    %dma_wait3A_64 = arith.constant 0 : i32
    %dma_wait3A_65 = tpu.memref_slice %arg10[%add3A_57, %dma_wait3A_64] : memref<8192x512xf32, #tpu.memory_space<hbm>> -> memref<128x128xf32, #tpu.memory_space<hbm>>
    tpu.wait_dma2 semaphore(%arg20 : memref<!tpu.dma_semaphore, #tpu.memory_space<semaphore_mem>>) src(%arg12 : memref<128x128xf32, #tpu.memory_space<vmem>>) dst(%dma_wait3A_65 : memref<128x128xf32, #tpu.memory_space<hbm>>)
    %dma_start3A_66 = arith.constant 2 : i32
    %dma_start3A_67 = arith.constant 0 : i32
    %dma_start3A_68 = tpu.memref_slice %arg11[%dma_start3A_66, %dma_start3A_67] : memref<10x256xi32, #tpu.memory_space<vmem>> -> memref<1x128xi32, #tpu.memory_space<vmem>>
    %dma_start3A_69 = tpu.memref_squeeze %dma_start3A_68 : memref<1x128xi32, #tpu.memory_space<vmem>> -> memref<128xi32, #tpu.memory_space<vmem>>
    %dma_start3A_70 = arith.constant 0 : i32
    %dma_start3A_71 = arith.constant 0 : i32
    %dma_start3A_72 = tpu.memref_slice %arg4[%dma_start3A_70, %dma_start3A_71] : memref<25076x128xf32, #tpu.memory_space<hbm>> -> memref<25076x128xf32, #tpu.memory_space<hbm>>
    tpu.enqueue_indirect_dma source(%dma_start3A_72 : memref<25076x128xf32, #tpu.memory_space<hbm>>) target(%arg12 : memref<128x128xf32, #tpu.memory_space<vmem>>) offsets(%dma_start3A_69 : memref<128xi32, #tpu.memory_space<vmem>>) semaphore(%arg16 : memref<!tpu.dma_semaphore, #tpu.memory_space<semaphore_mem>>)
    %dma_start3A_73 = arith.constant 3 : i32
    %dma_start3A_74 = arith.constant 0 : i32
    %dma_start3A_75 = tpu.memref_slice %arg11[%dma_start3A_73, %dma_start3A_74] : memref<10x256xi32, #tpu.memory_space<vmem>> -> memref<1x128xi32, #tpu.memory_space<vmem>>
    %dma_start3A_76 = tpu.memref_squeeze %dma_start3A_75 : memref<1x128xi32, #tpu.memory_space<vmem>> -> memref<128xi32, #tpu.memory_space<vmem>>
    %dma_start3A_77 = arith.constant 0 : i32
    %dma_start3A_78 = arith.constant 0 : i32
    %dma_start3A_79 = tpu.memref_slice %arg5[%dma_start3A_77, %dma_start3A_78] : memref<4400x128xf32, #tpu.memory_space<hbm>> -> memref<4400x128xf32, #tpu.memory_space<hbm>>
    tpu.enqueue_indirect_dma source(%dma_start3A_79 : memref<4400x128xf32, #tpu.memory_space<hbm>>) target(%arg14 : memref<128x128xf32, #tpu.memory_space<vmem>>) offsets(%dma_start3A_76 : memref<128xi32, #tpu.memory_space<vmem>>) semaphore(%arg18 : memref<!tpu.dma_semaphore, #tpu.memory_space<semaphore_mem>>)
    %dma_wait3A_80 = arith.constant 0 : i32
    %dma_wait3A_81 = arith.constant 128 : i32
    %dma_wait3A_82 = tpu.memref_slice %arg11[%dma_wait3A_80, %dma_wait3A_81] : memref<10x256xi32, #tpu.memory_space<vmem>> -> memref<1x128xi32, #tpu.memory_space<vmem>>
    %dma_wait3A_83 = tpu.memref_squeeze %dma_wait3A_82 : memref<1x128xi32, #tpu.memory_space<vmem>> -> memref<128xi32, #tpu.memory_space<vmem>>
    %dma_wait3A_84 = arith.constant 0 : i32
    %dma_wait3A_85 = arith.constant 0 : i32
    %dma_wait3A_86 = tpu.memref_slice %arg2[%dma_wait3A_84, %dma_wait3A_85] : memref<2000x128xf32, #tpu.memory_space<hbm>> -> memref<2000x128xf32, #tpu.memory_space<hbm>>
    tpu.wait_indirect_dma semaphore(%arg17 : memref<!tpu.dma_semaphore, #tpu.memory_space<semaphore_mem>>) src(%dma_wait3A_86 : memref<2000x128xf32, #tpu.memory_space<hbm>>) dst(%arg13 : memref<128x128xf32, #tpu.memory_space<vmem>>)
    %dma_wait3A_87 = arith.constant 1 : i32
    %dma_wait3A_88 = arith.constant 128 : i32
    %dma_wait3A_89 = tpu.memref_slice %arg11[%dma_wait3A_87, %dma_wait3A_88] : memref<10x256xi32, #tpu.memory_space<vmem>> -> memref<1x128xi32, #tpu.memory_space<vmem>>
    %dma_wait3A_90 = tpu.memref_squeeze %dma_wait3A_89 : memref<1x128xi32, #tpu.memory_space<vmem>> -> memref<128xi32, #tpu.memory_space<vmem>>
    %dma_wait3A_91 = arith.constant 0 : i32
    %dma_wait3A_92 = arith.constant 0 : i32
    %dma_wait3A_93 = tpu.memref_slice %arg3[%dma_wait3A_91, %dma_wait3A_92] : memref<20000x128xf32, #tpu.memory_space<hbm>> -> memref<20000x128xf32, #tpu.memory_space<hbm>>
    tpu.wait_indirect_dma semaphore(%arg19 : memref<!tpu.dma_semaphore, #tpu.memory_space<semaphore_mem>>) src(%dma_wait3A_93 : memref<20000x128xf32, #tpu.memory_space<hbm>>) dst(%arg15 : memref<128x128xf32, #tpu.memory_space<vmem>>)
    %scan3A_94 = arith.constant 0 : i32
    %scan3A_95 = arith.constant 0 : i32
    %scan3A_96 = arith.constant 128 : i32
    %scan3A_97 = arith.addi %scan3A_95, %scan3A_96 : i32
    %scan3A_98 = arith.constant 1 : i32
    scf.for %scan3A_320 = %scan3A_95 to %scan3A_97 step %scan3A_98  : i32 {
      %get3A = arith.index_cast %scan3A_320 : i32 to index
      %get3A_321 = arith.constant 0 : index
      %get3A_322 = tpu.vector_load %arg15[%get3A, %get3A_321] {strides = array<i32>} : memref<128x128xf32, #tpu.memory_space<vmem>>, vector<1x16xf32>,
      %get3A_323 = vector.shape_cast %get3A_322 : vector<1x16xf32> to vector<16xf32>
      %swap3A = arith.index_cast %scan3A_320 : i32 to index
      %swap3A_324 = arith.constant 64 : index
      %swap3A_325 = tpu.vector_load %arg13[%swap3A, %swap3A_324] {strides = array<i32>} : memref<128x128xf32, #tpu.memory_space<vmem>>, vector<1x16xf32>,
      %swap3A_326 = vector.shape_cast %swap3A_325 : vector<1x16xf32> to vector<16xf32>
      %swap3A_327 = vector.shape_cast %get3A_323 : vector<16xf32> to vector<1x16xf32>
      tpu.vector_store %arg13[%swap3A, %swap3A_324], %swap3A_327 {strides = array<i32>} : memref<128x128xf32, #tpu.memory_space<vmem>>, vector<1x16xf32>,
      %get3A_328 = arith.index_cast %scan3A_320 : i32 to index
      %get3A_329 = arith.constant 16 : index
      %get3A_330 = tpu.vector_load %arg15[%get3A_328, %get3A_329] {strides = array<i32>} : memref<128x128xf32, #tpu.memory_space<vmem>>, vector<1x16xf32>,
      %get3A_331 = vector.shape_cast %get3A_330 : vector<1x16xf32> to vector<16xf32>
      %swap3A_332 = arith.index_cast %scan3A_320 : i32 to index
      %swap3A_333 = arith.constant 80 : index
      %swap3A_334 = tpu.vector_load %arg13[%swap3A_332, %swap3A_333] {strides = array<i32>} : memref<128x128xf32, #tpu.memory_space<vmem>>, vector<1x16xf32>,
      %swap3A_335 = vector.shape_cast %swap3A_334 : vector<1x16xf32> to vector<16xf32>
      %swap3A_336 = vector.shape_cast %get3A_331 : vector<16xf32> to vector<1x16xf32>
      tpu.vector_store %arg13[%swap3A_332, %swap3A_333], %swap3A_336 {strides = array<i32>} : memref<128x128xf32, #tpu.memory_space<vmem>>, vector<1x16xf32>,
      %get3A_337 = arith.index_cast %scan3A_320 : i32 to index
      %get3A_338 = arith.constant 32 : index
      %get3A_339 = tpu.vector_load %arg15[%get3A_337, %get3A_338] {strides = array<i32>} : memref<128x128xf32, #tpu.memory_space<vmem>>, vector<1x16xf32>,
      %get3A_340 = vector.shape_cast %get3A_339 : vector<1x16xf32> to vector<16xf32>
      %swap3A_341 = arith.index_cast %scan3A_320 : i32 to index
      %swap3A_342 = arith.constant 96 : index
      %swap3A_343 = tpu.vector_load %arg13[%swap3A_341, %swap3A_342] {strides = array<i32>} : memref<128x128xf32, #tpu.memory_space<vmem>>, vector<1x16xf32>,
      %swap3A_344 = vector.shape_cast %swap3A_343 : vector<1x16xf32> to vector<16xf32>
      %swap3A_345 = vector.shape_cast %get3A_340 : vector<16xf32> to vector<1x16xf32>
      tpu.vector_store %arg13[%swap3A_341, %swap3A_342], %swap3A_345 {strides = array<i32>} : memref<128x128xf32, #tpu.memory_space<vmem>>, vector<1x16xf32>,
      %get3A_346 = arith.index_cast %scan3A_320 : i32 to index
      %get3A_347 = arith.constant 48 : index
      %get3A_348 = tpu.vector_load %arg15[%get3A_346, %get3A_347] {strides = array<i32>} : memref<128x128xf32, #tpu.memory_space<vmem>>, vector<1x16xf32>,
      %get3A_349 = vector.shape_cast %get3A_348 : vector<1x16xf32> to vector<16xf32>
      %swap3A_350 = arith.index_cast %scan3A_320 : i32 to index
      %swap3A_351 = arith.constant 112 : index
      %swap3A_352 = tpu.vector_load %arg13[%swap3A_350, %swap3A_351] {strides = array<i32>} : memref<128x128xf32, #tpu.memory_space<vmem>>, vector<1x16xf32>,
      %swap3A_353 = vector.shape_cast %swap3A_352 : vector<1x16xf32> to vector<16xf32>
      %swap3A_354 = vector.shape_cast %get3A_349 : vector<16xf32> to vector<1x16xf32>
      tpu.vector_store %arg13[%swap3A_350, %swap3A_351], %swap3A_354 {strides = array<i32>} : memref<128x128xf32, #tpu.memory_space<vmem>>, vector<1x16xf32>,
    }
    %scan3A_99 = arith.constant 128 : i32
    %add3A_100 = arith.constant 128 : i32
    %add3A_101 = arith.addi %mul3A_2, %add3A_100 : i32
    %dma_start3A_102 = arith.constant 0 : i32
    %dma_start3A_103 = tpu.memref_slice %arg10[%add3A_101, %dma_start3A_102] : memref<8192x512xf32, #tpu.memory_space<hbm>> -> memref<128x128xf32, #tpu.memory_space<hbm>>
    %dma_start3A_104 = arith.constant 0 : i32
    %dma_start3A_105 = tpu.memref_slice %arg10[%add3A_101, %dma_start3A_104] : memref<8192x512xf32, #tpu.memory_space<hbm>> -> memref<128x128xf32, #tpu.memory_space<hbm>>
    tpu.enqueue_dma source(%arg13 : memref<128x128xf32, #tpu.memory_space<vmem>>) target(%dma_start3A_105 : memref<128x128xf32, #tpu.memory_space<hbm>>) target_semaphore(%arg21 : memref<!tpu.dma_semaphore, #tpu.memory_space<semaphore_mem>>)
    %dma_wait3A_106 = arith.constant 0 : i32
    %dma_wait3A_107 = tpu.memref_slice %arg10[%add3A_101, %dma_wait3A_106] : memref<8192x512xf32, #tpu.memory_space<hbm>> -> memref<128x128xf32, #tpu.memory_space<hbm>>
    %dma_wait3A_108 = arith.constant 0 : i32
    %dma_wait3A_109 = tpu.memref_slice %arg10[%add3A_101, %dma_wait3A_108] : memref<8192x512xf32, #tpu.memory_space<hbm>> -> memref<128x128xf32, #tpu.memory_space<hbm>>
    tpu.wait_dma2 semaphore(%arg21 : memref<!tpu.dma_semaphore, #tpu.memory_space<semaphore_mem>>) src(%arg13 : memref<128x128xf32, #tpu.memory_space<vmem>>) dst(%dma_wait3A_109 : memref<128x128xf32, #tpu.memory_space<hbm>>)
    %dma_start3A_110 = arith.constant 2 : i32
    %dma_start3A_111 = arith.constant 128 : i32
    %dma_start3A_112 = tpu.memref_slice %arg11[%dma_start3A_110, %dma_start3A_111] : memref<10x256xi32, #tpu.memory_space<vmem>> -> memref<1x128xi32, #tpu.memory_space<vmem>>
    %dma_start3A_113 = tpu.memref_squeeze %dma_start3A_112 : memref<1x128xi32, #tpu.memory_space<vmem>> -> memref<128xi32, #tpu.memory_space<vmem>>
    %dma_start3A_114 = arith.constant 0 : i32
    %dma_start3A_115 = arith.constant 0 : i32
    %dma_start3A_116 = tpu.memref_slice %arg4[%dma_start3A_114, %dma_start3A_115] : memref<25076x128xf32, #tpu.memory_space<hbm>> -> memref<25076x128xf32, #tpu.memory_space<hbm>>
    tpu.enqueue_indirect_dma source(%dma_start3A_116 : memref<25076x128xf32, #tpu.memory_space<hbm>>) target(%arg13 : memref<128x128xf32, #tpu.memory_space<vmem>>) offsets(%dma_start3A_113 : memref<128xi32, #tpu.memory_space<vmem>>) semaphore(%arg17 : memref<!tpu.dma_semaphore, #tpu.memory_space<semaphore_mem>>)
    %dma_start3A_117 = arith.constant 3 : i32
    %dma_start3A_118 = arith.constant 128 : i32
    %dma_start3A_119 = tpu.memref_slice %arg11[%dma_start3A_117, %dma_start3A_118] : memref<10x256xi32, #tpu.memory_space<vmem>> -> memref<1x128xi32, #tpu.memory_space<vmem>>
    %dma_start3A_120 = tpu.memref_squeeze %dma_start3A_119 : memref<1x128xi32, #tpu.memory_space<vmem>> -> memref<128xi32, #tpu.memory_space<vmem>>
    %dma_start3A_121 = arith.constant 0 : i32
    %dma_start3A_122 = arith.constant 0 : i32
    %dma_start3A_123 = tpu.memref_slice %arg5[%dma_start3A_121, %dma_start3A_122] : memref<4400x128xf32, #tpu.memory_space<hbm>> -> memref<4400x128xf32, #tpu.memory_space<hbm>>
    tpu.enqueue_indirect_dma source(%dma_start3A_123 : memref<4400x128xf32, #tpu.memory_space<hbm>>) target(%arg15 : memref<128x128xf32, #tpu.memory_space<vmem>>) offsets(%dma_start3A_120 : memref<128xi32, #tpu.memory_space<vmem>>) semaphore(%arg19 : memref<!tpu.dma_semaphore, #tpu.memory_space<semaphore_mem>>)
    %dma_wait3A_124 = arith.constant 2 : i32
    %dma_wait3A_125 = arith.constant 0 : i32
    %dma_wait3A_126 = tpu.memref_slice %arg11[%dma_wait3A_124, %dma_wait3A_125] : memref<10x256xi32, #tpu.memory_space<vmem>> -> memref<1x128xi32, #tpu.memory_space<vmem>>
    %dma_wait3A_127 = tpu.memref_squeeze %dma_wait3A_126 : memref<1x128xi32, #tpu.memory_space<vmem>> -> memref<128xi32, #tpu.memory_space<vmem>>
    %dma_wait3A_128 = arith.constant 0 : i32
    %dma_wait3A_129 = arith.constant 0 : i32
    %dma_wait3A_130 = tpu.memref_slice %arg4[%dma_wait3A_128, %dma_wait3A_129] : memref<25076x128xf32, #tpu.memory_space<hbm>> -> memref<25076x128xf32, #tpu.memory_space<hbm>>
    tpu.wait_indirect_dma semaphore(%arg16 : memref<!tpu.dma_semaphore, #tpu.memory_space<semaphore_mem>>) src(%dma_wait3A_130 : memref<25076x128xf32, #tpu.memory_space<hbm>>) dst(%arg12 : memref<128x128xf32, #tpu.memory_space<vmem>>)
    %dma_wait3A_131 = arith.constant 3 : i32
    %dma_wait3A_132 = arith.constant 0 : i32
    %dma_wait3A_133 = tpu.memref_slice %arg11[%dma_wait3A_131, %dma_wait3A_132] : memref<10x256xi32, #tpu.memory_space<vmem>> -> memref<1x128xi32, #tpu.memory_space<vmem>>
    %dma_wait3A_134 = tpu.memref_squeeze %dma_wait3A_133 : memref<1x128xi32, #tpu.memory_space<vmem>> -> memref<128xi32, #tpu.memory_space<vmem>>
    %dma_wait3A_135 = arith.constant 0 : i32
    %dma_wait3A_136 = arith.constant 0 : i32
    %dma_wait3A_137 = tpu.memref_slice %arg5[%dma_wait3A_135, %dma_wait3A_136] : memref<4400x128xf32, #tpu.memory_space<hbm>> -> memref<4400x128xf32, #tpu.memory_space<hbm>>
    tpu.wait_indirect_dma semaphore(%arg18 : memref<!tpu.dma_semaphore, #tpu.memory_space<semaphore_mem>>) src(%dma_wait3A_137 : memref<4400x128xf32, #tpu.memory_space<hbm>>) dst(%arg14 : memref<128x128xf32, #tpu.memory_space<vmem>>)
    %scan3A_138 = arith.constant 0 : i32
    %scan3A_139 = arith.constant 0 : i32
    %scan3A_140 = arith.constant 128 : i32
    %scan3A_141 = arith.addi %scan3A_139, %scan3A_140 : i32
    %scan3A_142 = arith.constant 1 : i32
    scf.for %scan3A_320 = %scan3A_139 to %scan3A_141 step %scan3A_142  : i32 {
      %get3A = arith.index_cast %scan3A_320 : i32 to index
      %get3A_321 = arith.constant 0 : index
      %get3A_322 = tpu.vector_load %arg14[%get3A, %get3A_321] {strides = array<i32>} : memref<128x128xf32, #tpu.memory_space<vmem>>, vector<1x16xf32>,
      %get3A_323 = vector.shape_cast %get3A_322 : vector<1x16xf32> to vector<16xf32>
      %swap3A = arith.index_cast %scan3A_320 : i32 to index
      %swap3A_324 = arith.constant 64 : index
      %swap3A_325 = tpu.vector_load %arg12[%swap3A, %swap3A_324] {strides = array<i32>} : memref<128x128xf32, #tpu.memory_space<vmem>>, vector<1x16xf32>,
      %swap3A_326 = vector.shape_cast %swap3A_325 : vector<1x16xf32> to vector<16xf32>
      %swap3A_327 = vector.shape_cast %get3A_323 : vector<16xf32> to vector<1x16xf32>
      tpu.vector_store %arg12[%swap3A, %swap3A_324], %swap3A_327 {strides = array<i32>} : memref<128x128xf32, #tpu.memory_space<vmem>>, vector<1x16xf32>,
      %get3A_328 = arith.index_cast %scan3A_320 : i32 to index
      %get3A_329 = arith.constant 16 : index
      %get3A_330 = tpu.vector_load %arg14[%get3A_328, %get3A_329] {strides = array<i32>} : memref<128x128xf32, #tpu.memory_space<vmem>>, vector<1x16xf32>,
      %get3A_331 = vector.shape_cast %get3A_330 : vector<1x16xf32> to vector<16xf32>
      %swap3A_332 = arith.index_cast %scan3A_320 : i32 to index
      %swap3A_333 = arith.constant 80 : index
      %swap3A_334 = tpu.vector_load %arg12[%swap3A_332, %swap3A_333] {strides = array<i32>} : memref<128x128xf32, #tpu.memory_space<vmem>>, vector<1x16xf32>,
      %swap3A_335 = vector.shape_cast %swap3A_334 : vector<1x16xf32> to vector<16xf32>
      %swap3A_336 = vector.shape_cast %get3A_331 : vector<16xf32> to vector<1x16xf32>
      tpu.vector_store %arg12[%swap3A_332, %swap3A_333], %swap3A_336 {strides = array<i32>} : memref<128x128xf32, #tpu.memory_space<vmem>>, vector<1x16xf32>,
      %get3A_337 = arith.index_cast %scan3A_320 : i32 to index
      %get3A_338 = arith.constant 32 : index
      %get3A_339 = tpu.vector_load %arg14[%get3A_337, %get3A_338] {strides = array<i32>} : memref<128x128xf32, #tpu.memory_space<vmem>>, vector<1x16xf32>,
      %get3A_340 = vector.shape_cast %get3A_339 : vector<1x16xf32> to vector<16xf32>
      %swap3A_341 = arith.index_cast %scan3A_320 : i32 to index
      %swap3A_342 = arith.constant 96 : index
      %swap3A_343 = tpu.vector_load %arg12[%swap3A_341, %swap3A_342] {strides = array<i32>} : memref<128x128xf32, #tpu.memory_space<vmem>>, vector<1x16xf32>,
      %swap3A_344 = vector.shape_cast %swap3A_343 : vector<1x16xf32> to vector<16xf32>
      %swap3A_345 = vector.shape_cast %get3A_340 : vector<16xf32> to vector<1x16xf32>
      tpu.vector_store %arg12[%swap3A_341, %swap3A_342], %swap3A_345 {strides = array<i32>} : memref<128x128xf32, #tpu.memory_space<vmem>>, vector<1x16xf32>,
      %get3A_346 = arith.index_cast %scan3A_320 : i32 to index
      %get3A_347 = arith.constant 48 : index
      %get3A_348 = tpu.vector_load %arg14[%get3A_346, %get3A_347] {strides = array<i32>} : memref<128x128xf32, #tpu.memory_space<vmem>>, vector<1x16xf32>,
      %get3A_349 = vector.shape_cast %get3A_348 : vector<1x16xf32> to vector<16xf32>
      %swap3A_350 = arith.index_cast %scan3A_320 : i32 to index
      %swap3A_351 = arith.constant 112 : index
      %swap3A_352 = tpu.vector_load %arg12[%swap3A_350, %swap3A_351] {strides = array<i32>} : memref<128x128xf32, #tpu.memory_space<vmem>>, vector<1x16xf32>,
      %swap3A_353 = vector.shape_cast %swap3A_352 : vector<1x16xf32> to vector<16xf32>
      %swap3A_354 = vector.shape_cast %get3A_349 : vector<16xf32> to vector<1x16xf32>
      tpu.vector_store %arg12[%swap3A_350, %swap3A_351], %swap3A_354 {strides = array<i32>} : memref<128x128xf32, #tpu.memory_space<vmem>>, vector<1x16xf32>,
    }
    %scan3A_143 = arith.constant 128 : i32
    %add3A_144 = arith.constant 0 : i32
    %add3A_145 = arith.addi %mul3A_2, %add3A_144 : i32
    %dma_start3A_146 = arith.constant 128 : i32
    %dma_start3A_147 = tpu.memref_slice %arg10[%add3A_145, %dma_start3A_146] : memref<8192x512xf32, #tpu.memory_space<hbm>> -> memref<128x128xf32, #tpu.memory_space<hbm>>
    %dma_start3A_148 = arith.constant 128 : i32
    %dma_start3A_149 = tpu.memref_slice %arg10[%add3A_145, %dma_start3A_148] : memref<8192x512xf32, #tpu.memory_space<hbm>> -> memref<128x128xf32, #tpu.memory_space<hbm>>
    tpu.enqueue_dma source(%arg12 : memref<128x128xf32, #tpu.memory_space<vmem>>) target(%dma_start3A_149 : memref<128x128xf32, #tpu.memory_space<hbm>>) target_semaphore(%arg20 : memref<!tpu.dma_semaphore, #tpu.memory_space<semaphore_mem>>)
    %dma_wait3A_150 = arith.constant 128 : i32
    %dma_wait3A_151 = tpu.memref_slice %arg10[%add3A_145, %dma_wait3A_150] : memref<8192x512xf32, #tpu.memory_space<hbm>> -> memref<128x128xf32, #tpu.memory_space<hbm>>
    %dma_wait3A_152 = arith.constant 128 : i32
    %dma_wait3A_153 = tpu.memref_slice %arg10[%add3A_145, %dma_wait3A_152] : memref<8192x512xf32, #tpu.memory_space<hbm>> -> memref<128x128xf32, #tpu.memory_space<hbm>>
    tpu.wait_dma2 semaphore(%arg20 : memref<!tpu.dma_semaphore, #tpu.memory_space<semaphore_mem>>) src(%arg12 : memref<128x128xf32, #tpu.memory_space<vmem>>) dst(%dma_wait3A_153 : memref<128x128xf32, #tpu.memory_space<hbm>>)
    %dma_start3A_154 = arith.constant 4 : i32
    %dma_start3A_155 = arith.constant 0 : i32
    %dma_start3A_156 = tpu.memref_slice %arg11[%dma_start3A_154, %dma_start3A_155] : memref<10x256xi32, #tpu.memory_space<vmem>> -> memref<1x128xi32, #tpu.memory_space<vmem>>
    %dma_start3A_157 = tpu.memref_squeeze %dma_start3A_156 : memref<1x128xi32, #tpu.memory_space<vmem>> -> memref<128xi32, #tpu.memory_space<vmem>>
    %dma_start3A_158 = arith.constant 0 : i32
    %dma_start3A_159 = arith.constant 0 : i32
    %dma_start3A_160 = tpu.memref_slice %arg6[%dma_start3A_158, %dma_start3A_159] : memref<1000x128xf32, #tpu.memory_space<hbm>> -> memref<1000x128xf32, #tpu.memory_space<hbm>>
    tpu.enqueue_indirect_dma source(%dma_start3A_160 : memref<1000x128xf32, #tpu.memory_space<hbm>>) target(%arg12 : memref<128x128xf32, #tpu.memory_space<vmem>>) offsets(%dma_start3A_157 : memref<128xi32, #tpu.memory_space<vmem>>) semaphore(%arg16 : memref<!tpu.dma_semaphore, #tpu.memory_space<semaphore_mem>>)
    %dma_start3A_161 = arith.constant 5 : i32
    %dma_start3A_162 = arith.constant 0 : i32
    %dma_start3A_163 = tpu.memref_slice %arg11[%dma_start3A_161, %dma_start3A_162] : memref<10x256xi32, #tpu.memory_space<vmem>> -> memref<1x128xi32, #tpu.memory_space<vmem>>
    %dma_start3A_164 = tpu.memref_squeeze %dma_start3A_163 : memref<1x128xi32, #tpu.memory_space<vmem>> -> memref<128xi32, #tpu.memory_space<vmem>>
    %dma_start3A_165 = arith.constant 0 : i32
    %dma_start3A_166 = arith.constant 0 : i32
    %dma_start3A_167 = tpu.memref_slice %arg7[%dma_start3A_165, %dma_start3A_166] : memref<2000x128xf32, #tpu.memory_space<hbm>> -> memref<2000x128xf32, #tpu.memory_space<hbm>>
    tpu.enqueue_indirect_dma source(%dma_start3A_167 : memref<2000x128xf32, #tpu.memory_space<hbm>>) target(%arg14 : memref<128x128xf32, #tpu.memory_space<vmem>>) offsets(%dma_start3A_164 : memref<128xi32, #tpu.memory_space<vmem>>) semaphore(%arg18 : memref<!tpu.dma_semaphore, #tpu.memory_space<semaphore_mem>>)
    %dma_wait3A_168 = arith.constant 2 : i32
    %dma_wait3A_169 = arith.constant 128 : i32
    %dma_wait3A_170 = tpu.memref_slice %arg11[%dma_wait3A_168, %dma_wait3A_169] : memref<10x256xi32, #tpu.memory_space<vmem>> -> memref<1x128xi32, #tpu.memory_space<vmem>>
    %dma_wait3A_171 = tpu.memref_squeeze %dma_wait3A_170 : memref<1x128xi32, #tpu.memory_space<vmem>> -> memref<128xi32, #tpu.memory_space<vmem>>
    %dma_wait3A_172 = arith.constant 0 : i32
    %dma_wait3A_173 = arith.constant 0 : i32
    %dma_wait3A_174 = tpu.memref_slice %arg4[%dma_wait3A_172, %dma_wait3A_173] : memref<25076x128xf32, #tpu.memory_space<hbm>> -> memref<25076x128xf32, #tpu.memory_space<hbm>>
    tpu.wait_indirect_dma semaphore(%arg17 : memref<!tpu.dma_semaphore, #tpu.memory_space<semaphore_mem>>) src(%dma_wait3A_174 : memref<25076x128xf32, #tpu.memory_space<hbm>>) dst(%arg13 : memref<128x128xf32, #tpu.memory_space<vmem>>)
    %dma_wait3A_175 = arith.constant 3 : i32
    %dma_wait3A_176 = arith.constant 128 : i32
    %dma_wait3A_177 = tpu.memref_slice %arg11[%dma_wait3A_175, %dma_wait3A_176] : memref<10x256xi32, #tpu.memory_space<vmem>> -> memref<1x128xi32, #tpu.memory_space<vmem>>
    %dma_wait3A_178 = tpu.memref_squeeze %dma_wait3A_177 : memref<1x128xi32, #tpu.memory_space<vmem>> -> memref<128xi32, #tpu.memory_space<vmem>>
    %dma_wait3A_179 = arith.constant 0 : i32
    %dma_wait3A_180 = arith.constant 0 : i32
    %dma_wait3A_181 = tpu.memref_slice %arg5[%dma_wait3A_179, %dma_wait3A_180] : memref<4400x128xf32, #tpu.memory_space<hbm>> -> memref<4400x128xf32, #tpu.memory_space<hbm>>
    tpu.wait_indirect_dma semaphore(%arg19 : memref<!tpu.dma_semaphore, #tpu.memory_space<semaphore_mem>>) src(%dma_wait3A_181 : memref<4400x128xf32, #tpu.memory_space<hbm>>) dst(%arg15 : memref<128x128xf32, #tpu.memory_space<vmem>>)
    %scan3A_182 = arith.constant 0 : i32
    %scan3A_183 = arith.constant 0 : i32
    %scan3A_184 = arith.constant 128 : i32
    %scan3A_185 = arith.addi %scan3A_183, %scan3A_184 : i32
    %scan3A_186 = arith.constant 1 : i32
    scf.for %scan3A_320 = %scan3A_183 to %scan3A_185 step %scan3A_186  : i32 {
      %get3A = arith.index_cast %scan3A_320 : i32 to index
      %get3A_321 = arith.constant 0 : index
      %get3A_322 = tpu.vector_load %arg15[%get3A, %get3A_321] {strides = array<i32>} : memref<128x128xf32, #tpu.memory_space<vmem>>, vector<1x16xf32>,
      %get3A_323 = vector.shape_cast %get3A_322 : vector<1x16xf32> to vector<16xf32>
      %swap3A = arith.index_cast %scan3A_320 : i32 to index
      %swap3A_324 = arith.constant 64 : index
      %swap3A_325 = tpu.vector_load %arg13[%swap3A, %swap3A_324] {strides = array<i32>} : memref<128x128xf32, #tpu.memory_space<vmem>>, vector<1x16xf32>,
      %swap3A_326 = vector.shape_cast %swap3A_325 : vector<1x16xf32> to vector<16xf32>
      %swap3A_327 = vector.shape_cast %get3A_323 : vector<16xf32> to vector<1x16xf32>
      tpu.vector_store %arg13[%swap3A, %swap3A_324], %swap3A_327 {strides = array<i32>} : memref<128x128xf32, #tpu.memory_space<vmem>>, vector<1x16xf32>,
      %get3A_328 = arith.index_cast %scan3A_320 : i32 to index
      %get3A_329 = arith.constant 16 : index
      %get3A_330 = tpu.vector_load %arg15[%get3A_328, %get3A_329] {strides = array<i32>} : memref<128x128xf32, #tpu.memory_space<vmem>>, vector<1x16xf32>,
      %get3A_331 = vector.shape_cast %get3A_330 : vector<1x16xf32> to vector<16xf32>
      %swap3A_332 = arith.index_cast %scan3A_320 : i32 to index
      %swap3A_333 = arith.constant 80 : index
      %swap3A_334 = tpu.vector_load %arg13[%swap3A_332, %swap3A_333] {strides = array<i32>} : memref<128x128xf32, #tpu.memory_space<vmem>>, vector<1x16xf32>,
      %swap3A_335 = vector.shape_cast %swap3A_334 : vector<1x16xf32> to vector<16xf32>
      %swap3A_336 = vector.shape_cast %get3A_331 : vector<16xf32> to vector<1x16xf32>
      tpu.vector_store %arg13[%swap3A_332, %swap3A_333], %swap3A_336 {strides = array<i32>} : memref<128x128xf32, #tpu.memory_space<vmem>>, vector<1x16xf32>,
      %get3A_337 = arith.index_cast %scan3A_320 : i32 to index
      %get3A_338 = arith.constant 32 : index
      %get3A_339 = tpu.vector_load %arg15[%get3A_337, %get3A_338] {strides = array<i32>} : memref<128x128xf32, #tpu.memory_space<vmem>>, vector<1x16xf32>,
      %get3A_340 = vector.shape_cast %get3A_339 : vector<1x16xf32> to vector<16xf32>
      %swap3A_341 = arith.index_cast %scan3A_320 : i32 to index
      %swap3A_342 = arith.constant 96 : index
      %swap3A_343 = tpu.vector_load %arg13[%swap3A_341, %swap3A_342] {strides = array<i32>} : memref<128x128xf32, #tpu.memory_space<vmem>>, vector<1x16xf32>,
      %swap3A_344 = vector.shape_cast %swap3A_343 : vector<1x16xf32> to vector<16xf32>
      %swap3A_345 = vector.shape_cast %get3A_340 : vector<16xf32> to vector<1x16xf32>
      tpu.vector_store %arg13[%swap3A_341, %swap3A_342], %swap3A_345 {strides = array<i32>} : memref<128x128xf32, #tpu.memory_space<vmem>>, vector<1x16xf32>,
      %get3A_346 = arith.index_cast %scan3A_320 : i32 to index
      %get3A_347 = arith.constant 48 : index
      %get3A_348 = tpu.vector_load %arg15[%get3A_346, %get3A_347] {strides = array<i32>} : memref<128x128xf32, #tpu.memory_space<vmem>>, vector<1x16xf32>,
      %get3A_349 = vector.shape_cast %get3A_348 : vector<1x16xf32> to vector<16xf32>
      %swap3A_350 = arith.index_cast %scan3A_320 : i32 to index
      %swap3A_351 = arith.constant 112 : index
      %swap3A_352 = tpu.vector_load %arg13[%swap3A_350, %swap3A_351] {strides = array<i32>} : memref<128x128xf32, #tpu.memory_space<vmem>>, vector<1x16xf32>,
      %swap3A_353 = vector.shape_cast %swap3A_352 : vector<1x16xf32> to vector<16xf32>
      %swap3A_354 = vector.shape_cast %get3A_349 : vector<16xf32> to vector<1x16xf32>
      tpu.vector_store %arg13[%swap3A_350, %swap3A_351], %swap3A_354 {strides = array<i32>} : memref<128x128xf32, #tpu.memory_space<vmem>>, vector<1x16xf32>,
    }
    %scan3A_187 = arith.constant 128 : i32
    %add3A_188 = arith.constant 128 : i32
    %add3A_189 = arith.addi %mul3A_2, %add3A_188 : i32
    %dma_start3A_190 = arith.constant 128 : i32
    %dma_start3A_191 = tpu.memref_slice %arg10[%add3A_189, %dma_start3A_190] : memref<8192x512xf32, #tpu.memory_space<hbm>> -> memref<128x128xf32, #tpu.memory_space<hbm>>
    %dma_start3A_192 = arith.constant 128 : i32
    %dma_start3A_193 = tpu.memref_slice %arg10[%add3A_189, %dma_start3A_192] : memref<8192x512xf32, #tpu.memory_space<hbm>> -> memref<128x128xf32, #tpu.memory_space<hbm>>
    tpu.enqueue_dma source(%arg13 : memref<128x128xf32, #tpu.memory_space<vmem>>) target(%dma_start3A_193 : memref<128x128xf32, #tpu.memory_space<hbm>>) target_semaphore(%arg21 : memref<!tpu.dma_semaphore, #tpu.memory_space<semaphore_mem>>)
    %dma_wait3A_194 = arith.constant 128 : i32
    %dma_wait3A_195 = tpu.memref_slice %arg10[%add3A_189, %dma_wait3A_194] : memref<8192x512xf32, #tpu.memory_space<hbm>> -> memref<128x128xf32, #tpu.memory_space<hbm>>
    %dma_wait3A_196 = arith.constant 128 : i32
    %dma_wait3A_197 = tpu.memref_slice %arg10[%add3A_189, %dma_wait3A_196] : memref<8192x512xf32, #tpu.memory_space<hbm>> -> memref<128x128xf32, #tpu.memory_space<hbm>>
    tpu.wait_dma2 semaphore(%arg21 : memref<!tpu.dma_semaphore, #tpu.memory_space<semaphore_mem>>) src(%arg13 : memref<128x128xf32, #tpu.memory_space<vmem>>) dst(%dma_wait3A_197 : memref<128x128xf32, #tpu.memory_space<hbm>>)
    %dma_start3A_198 = arith.constant 4 : i32
    %dma_start3A_199 = arith.constant 128 : i32
    %dma_start3A_200 = tpu.memref_slice %arg11[%dma_start3A_198, %dma_start3A_199] : memref<10x256xi32, #tpu.memory_space<vmem>> -> memref<1x128xi32, #tpu.memory_space<vmem>>
    %dma_start3A_201 = tpu.memref_squeeze %dma_start3A_200 : memref<1x128xi32, #tpu.memory_space<vmem>> -> memref<128xi32, #tpu.memory_space<vmem>>
    %dma_start3A_202 = arith.constant 0 : i32
    %dma_start3A_203 = arith.constant 0 : i32
    %dma_start3A_204 = tpu.memref_slice %arg6[%dma_start3A_202, %dma_start3A_203] : memref<1000x128xf32, #tpu.memory_space<hbm>> -> memref<1000x128xf32, #tpu.memory_space<hbm>>
    tpu.enqueue_indirect_dma source(%dma_start3A_204 : memref<1000x128xf32, #tpu.memory_space<hbm>>) target(%arg13 : memref<128x128xf32, #tpu.memory_space<vmem>>) offsets(%dma_start3A_201 : memref<128xi32, #tpu.memory_space<vmem>>) semaphore(%arg17 : memref<!tpu.dma_semaphore, #tpu.memory_space<semaphore_mem>>)
    %dma_start3A_205 = arith.constant 5 : i32
    %dma_start3A_206 = arith.constant 128 : i32
    %dma_start3A_207 = tpu.memref_slice %arg11[%dma_start3A_205, %dma_start3A_206] : memref<10x256xi32, #tpu.memory_space<vmem>> -> memref<1x128xi32, #tpu.memory_space<vmem>>
    %dma_start3A_208 = tpu.memref_squeeze %dma_start3A_207 : memref<1x128xi32, #tpu.memory_space<vmem>> -> memref<128xi32, #tpu.memory_space<vmem>>
    %dma_start3A_209 = arith.constant 0 : i32
    %dma_start3A_210 = arith.constant 0 : i32
    %dma_start3A_211 = tpu.memref_slice %arg7[%dma_start3A_209, %dma_start3A_210] : memref<2000x128xf32, #tpu.memory_space<hbm>> -> memref<2000x128xf32, #tpu.memory_space<hbm>>
    tpu.enqueue_indirect_dma source(%dma_start3A_211 : memref<2000x128xf32, #tpu.memory_space<hbm>>) target(%arg15 : memref<128x128xf32, #tpu.memory_space<vmem>>) offsets(%dma_start3A_208 : memref<128xi32, #tpu.memory_space<vmem>>) semaphore(%arg19 : memref<!tpu.dma_semaphore, #tpu.memory_space<semaphore_mem>>)
    %dma_wait3A_212 = arith.constant 4 : i32
    %dma_wait3A_213 = arith.constant 0 : i32
    %dma_wait3A_214 = tpu.memref_slice %arg11[%dma_wait3A_212, %dma_wait3A_213] : memref<10x256xi32, #tpu.memory_space<vmem>> -> memref<1x128xi32, #tpu.memory_space<vmem>>
    %dma_wait3A_215 = tpu.memref_squeeze %dma_wait3A_214 : memref<1x128xi32, #tpu.memory_space<vmem>> -> memref<128xi32, #tpu.memory_space<vmem>>
    %dma_wait3A_216 = arith.constant 0 : i32
    %dma_wait3A_217 = arith.constant 0 : i32
    %dma_wait3A_218 = tpu.memref_slice %arg6[%dma_wait3A_216, %dma_wait3A_217] : memref<1000x128xf32, #tpu.memory_space<hbm>> -> memref<1000x128xf32, #tpu.memory_space<hbm>>
    tpu.wait_indirect_dma semaphore(%arg16 : memref<!tpu.dma_semaphore, #tpu.memory_space<semaphore_mem>>) src(%dma_wait3A_218 : memref<1000x128xf32, #tpu.memory_space<hbm>>) dst(%arg12 : memref<128x128xf32, #tpu.memory_space<vmem>>)
    %dma_wait3A_219 = arith.constant 5 : i32
    %dma_wait3A_220 = arith.constant 0 : i32
    %dma_wait3A_221 = tpu.memref_slice %arg11[%dma_wait3A_219, %dma_wait3A_220] : memref<10x256xi32, #tpu.memory_space<vmem>> -> memref<1x128xi32, #tpu.memory_space<vmem>>
    %dma_wait3A_222 = tpu.memref_squeeze %dma_wait3A_221 : memref<1x128xi32, #tpu.memory_space<vmem>> -> memref<128xi32, #tpu.memory_space<vmem>>
    %dma_wait3A_223 = arith.constant 0 : i32
    %dma_wait3A_224 = arith.constant 0 : i32
    %dma_wait3A_225 = tpu.memref_slice %arg7[%dma_wait3A_223, %dma_wait3A_224] : memref<2000x128xf32, #tpu.memory_space<hbm>> -> memref<2000x128xf32, #tpu.memory_space<hbm>>
    tpu.wait_indirect_dma semaphore(%arg18 : memref<!tpu.dma_semaphore, #tpu.memory_space<semaphore_mem>>) src(%dma_wait3A_225 : memref<2000x128xf32, #tpu.memory_space<hbm>>) dst(%arg14 : memref<128x128xf32, #tpu.memory_space<vmem>>)
    %scan3A_226 = arith.constant 0 : i32
    %scan3A_227 = arith.constant 0 : i32
    %scan3A_228 = arith.constant 128 : i32
    %scan3A_229 = arith.addi %scan3A_227, %scan3A_228 : i32
    %scan3A_230 = arith.constant 1 : i32
    scf.for %scan3A_320 = %scan3A_227 to %scan3A_229 step %scan3A_230  : i32 {
      %get3A = arith.index_cast %scan3A_320 : i32 to index
      %get3A_321 = arith.constant 0 : index
      %get3A_322 = tpu.vector_load %arg14[%get3A, %get3A_321] {strides = array<i32>} : memref<128x128xf32, #tpu.memory_space<vmem>>, vector<1x16xf32>,
      %get3A_323 = vector.shape_cast %get3A_322 : vector<1x16xf32> to vector<16xf32>
      %swap3A = arith.index_cast %scan3A_320 : i32 to index
      %swap3A_324 = arith.constant 64 : index
      %swap3A_325 = tpu.vector_load %arg12[%swap3A, %swap3A_324] {strides = array<i32>} : memref<128x128xf32, #tpu.memory_space<vmem>>, vector<1x16xf32>,
      %swap3A_326 = vector.shape_cast %swap3A_325 : vector<1x16xf32> to vector<16xf32>
      %swap3A_327 = vector.shape_cast %get3A_323 : vector<16xf32> to vector<1x16xf32>
      tpu.vector_store %arg12[%swap3A, %swap3A_324], %swap3A_327 {strides = array<i32>} : memref<128x128xf32, #tpu.memory_space<vmem>>, vector<1x16xf32>,
      %get3A_328 = arith.index_cast %scan3A_320 : i32 to index
      %get3A_329 = arith.constant 16 : index
      %get3A_330 = tpu.vector_load %arg14[%get3A_328, %get3A_329] {strides = array<i32>} : memref<128x128xf32, #tpu.memory_space<vmem>>, vector<1x16xf32>,
      %get3A_331 = vector.shape_cast %get3A_330 : vector<1x16xf32> to vector<16xf32>
      %swap3A_332 = arith.index_cast %scan3A_320 : i32 to index
      %swap3A_333 = arith.constant 80 : index
      %swap3A_334 = tpu.vector_load %arg12[%swap3A_332, %swap3A_333] {strides = array<i32>} : memref<128x128xf32, #tpu.memory_space<vmem>>, vector<1x16xf32>,
      %swap3A_335 = vector.shape_cast %swap3A_334 : vector<1x16xf32> to vector<16xf32>
      %swap3A_336 = vector.shape_cast %get3A_331 : vector<16xf32> to vector<1x16xf32>
      tpu.vector_store %arg12[%swap3A_332, %swap3A_333], %swap3A_336 {strides = array<i32>} : memref<128x128xf32, #tpu.memory_space<vmem>>, vector<1x16xf32>,
      %get3A_337 = arith.index_cast %scan3A_320 : i32 to index
      %get3A_338 = arith.constant 32 : index
      %get3A_339 = tpu.vector_load %arg14[%get3A_337, %get3A_338] {strides = array<i32>} : memref<128x128xf32, #tpu.memory_space<vmem>>, vector<1x16xf32>,
      %get3A_340 = vector.shape_cast %get3A_339 : vector<1x16xf32> to vector<16xf32>
      %swap3A_341 = arith.index_cast %scan3A_320 : i32 to index
      %swap3A_342 = arith.constant 96 : index
      %swap3A_343 = tpu.vector_load %arg12[%swap3A_341, %swap3A_342] {strides = array<i32>} : memref<128x128xf32, #tpu.memory_space<vmem>>, vector<1x16xf32>,
      %swap3A_344 = vector.shape_cast %swap3A_343 : vector<1x16xf32> to vector<16xf32>
      %swap3A_345 = vector.shape_cast %get3A_340 : vector<16xf32> to vector<1x16xf32>
      tpu.vector_store %arg12[%swap3A_341, %swap3A_342], %swap3A_345 {strides = array<i32>} : memref<128x128xf32, #tpu.memory_space<vmem>>, vector<1x16xf32>,
      %get3A_346 = arith.index_cast %scan3A_320 : i32 to index
      %get3A_347 = arith.constant 48 : index
      %get3A_348 = tpu.vector_load %arg14[%get3A_346, %get3A_347] {strides = array<i32>} : memref<128x128xf32, #tpu.memory_space<vmem>>, vector<1x16xf32>,
      %get3A_349 = vector.shape_cast %get3A_348 : vector<1x16xf32> to vector<16xf32>
      %swap3A_350 = arith.index_cast %scan3A_320 : i32 to index
      %swap3A_351 = arith.constant 112 : index
      %swap3A_352 = tpu.vector_load %arg12[%swap3A_350, %swap3A_351] {strides = array<i32>} : memref<128x128xf32, #tpu.memory_space<vmem>>, vector<1x16xf32>,
      %swap3A_353 = vector.shape_cast %swap3A_352 : vector<1x16xf32> to vector<16xf32>
      %swap3A_354 = vector.shape_cast %get3A_349 : vector<16xf32> to vector<1x16xf32>
      tpu.vector_store %arg12[%swap3A_350, %swap3A_351], %swap3A_354 {strides = array<i32>} : memref<128x128xf32, #tpu.memory_space<vmem>>, vector<1x16xf32>,
    }
    %scan3A_231 = arith.constant 128 : i32
    %add3A_232 = arith.constant 0 : i32
    %add3A_233 = arith.addi %mul3A_2, %add3A_232 : i32
    %dma_start3A_234 = arith.constant 256 : i32
    %dma_start3A_235 = tpu.memref_slice %arg10[%add3A_233, %dma_start3A_234] : memref<8192x512xf32, #tpu.memory_space<hbm>> -> memref<128x128xf32, #tpu.memory_space<hbm>>
    %dma_start3A_236 = arith.constant 256 : i32
    %dma_start3A_237 = tpu.memref_slice %arg10[%add3A_233, %dma_start3A_236] : memref<8192x512xf32, #tpu.memory_space<hbm>> -> memref<128x128xf32, #tpu.memory_space<hbm>>
    tpu.enqueue_dma source(%arg12 : memref<128x128xf32, #tpu.memory_space<vmem>>) target(%dma_start3A_237 : memref<128x128xf32, #tpu.memory_space<hbm>>) target_semaphore(%arg20 : memref<!tpu.dma_semaphore, #tpu.memory_space<semaphore_mem>>)
    %dma_wait3A_238 = arith.constant 256 : i32
    %dma_wait3A_239 = tpu.memref_slice %arg10[%add3A_233, %dma_wait3A_238] : memref<8192x512xf32, #tpu.memory_space<hbm>> -> memref<128x128xf32, #tpu.memory_space<hbm>>
    %dma_wait3A_240 = arith.constant 256 : i32
    %dma_wait3A_241 = tpu.memref_slice %arg10[%add3A_233, %dma_wait3A_240] : memref<8192x512xf32, #tpu.memory_space<hbm>> -> memref<128x128xf32, #tpu.memory_space<hbm>>
    tpu.wait_dma2 semaphore(%arg20 : memref<!tpu.dma_semaphore, #tpu.memory_space<semaphore_mem>>) src(%arg12 : memref<128x128xf32, #tpu.memory_space<vmem>>) dst(%dma_wait3A_241 : memref<128x128xf32, #tpu.memory_space<hbm>>)
    %dma_start3A_242 = arith.constant 6 : i32
    %dma_start3A_243 = arith.constant 0 : i32
    %dma_start3A_244 = tpu.memref_slice %arg11[%dma_start3A_242, %dma_start3A_243] : memref<10x256xi32, #tpu.memory_space<vmem>> -> memref<1x128xi32, #tpu.memory_space<vmem>>
    %dma_start3A_245 = tpu.memref_squeeze %dma_start3A_244 : memref<1x128xi32, #tpu.memory_space<vmem>> -> memref<128xi32, #tpu.memory_space<vmem>>
    %dma_start3A_246 = arith.constant 0 : i32
    %dma_start3A_247 = arith.constant 0 : i32
    %dma_start3A_248 = tpu.memref_slice %arg8[%dma_start3A_246, %dma_start3A_247] : memref<2000x128xf32, #tpu.memory_space<hbm>> -> memref<2000x128xf32, #tpu.memory_space<hbm>>
    tpu.enqueue_indirect_dma source(%dma_start3A_248 : memref<2000x128xf32, #tpu.memory_space<hbm>>) target(%arg12 : memref<128x128xf32, #tpu.memory_space<vmem>>) offsets(%dma_start3A_245 : memref<128xi32, #tpu.memory_space<vmem>>) semaphore(%arg16 : memref<!tpu.dma_semaphore, #tpu.memory_space<semaphore_mem>>)
    %dma_wait3A_249 = arith.constant 4 : i32
    %dma_wait3A_250 = arith.constant 128 : i32
    %dma_wait3A_251 = tpu.memref_slice %arg11[%dma_wait3A_249, %dma_wait3A_250] : memref<10x256xi32, #tpu.memory_space<vmem>> -> memref<1x128xi32, #tpu.memory_space<vmem>>
    %dma_wait3A_252 = tpu.memref_squeeze %dma_wait3A_251 : memref<1x128xi32, #tpu.memory_space<vmem>> -> memref<128xi32, #tpu.memory_space<vmem>>
    %dma_wait3A_253 = arith.constant 0 : i32
    %dma_wait3A_254 = arith.constant 0 : i32
    %dma_wait3A_255 = tpu.memref_slice %arg6[%dma_wait3A_253, %dma_wait3A_254] : memref<1000x128xf32, #tpu.memory_space<hbm>> -> memref<1000x128xf32, #tpu.memory_space<hbm>>
    tpu.wait_indirect_dma semaphore(%arg17 : memref<!tpu.dma_semaphore, #tpu.memory_space<semaphore_mem>>) src(%dma_wait3A_255 : memref<1000x128xf32, #tpu.memory_space<hbm>>) dst(%arg13 : memref<128x128xf32, #tpu.memory_space<vmem>>)
    %dma_wait3A_256 = arith.constant 5 : i32
    %dma_wait3A_257 = arith.constant 128 : i32
    %dma_wait3A_258 = tpu.memref_slice %arg11[%dma_wait3A_256, %dma_wait3A_257] : memref<10x256xi32, #tpu.memory_space<vmem>> -> memref<1x128xi32, #tpu.memory_space<vmem>>
    %dma_wait3A_259 = tpu.memref_squeeze %dma_wait3A_258 : memref<1x128xi32, #tpu.memory_space<vmem>> -> memref<128xi32, #tpu.memory_space<vmem>>
    %dma_wait3A_260 = arith.constant 0 : i32
    %dma_wait3A_261 = arith.constant 0 : i32
    %dma_wait3A_262 = tpu.memref_slice %arg7[%dma_wait3A_260, %dma_wait3A_261] : memref<2000x128xf32, #tpu.memory_space<hbm>> -> memref<2000x128xf32, #tpu.memory_space<hbm>>
    tpu.wait_indirect_dma semaphore(%arg19 : memref<!tpu.dma_semaphore, #tpu.memory_space<semaphore_mem>>) src(%dma_wait3A_262 : memref<2000x128xf32, #tpu.memory_space<hbm>>) dst(%arg15 : memref<128x128xf32, #tpu.memory_space<vmem>>)
    %scan3A_263 = arith.constant 0 : i32
    %scan3A_264 = arith.constant 0 : i32
    %scan3A_265 = arith.constant 128 : i32
    %scan3A_266 = arith.addi %scan3A_264, %scan3A_265 : i32
    %scan3A_267 = arith.constant 1 : i32
    scf.for %scan3A_320 = %scan3A_264 to %scan3A_266 step %scan3A_267  : i32 {
      %get3A = arith.index_cast %scan3A_320 : i32 to index
      %get3A_321 = arith.constant 0 : index
      %get3A_322 = tpu.vector_load %arg15[%get3A, %get3A_321] {strides = array<i32>} : memref<128x128xf32, #tpu.memory_space<vmem>>, vector<1x16xf32>,
      %get3A_323 = vector.shape_cast %get3A_322 : vector<1x16xf32> to vector<16xf32>
      %swap3A = arith.index_cast %scan3A_320 : i32 to index
      %swap3A_324 = arith.constant 64 : index
      %swap3A_325 = tpu.vector_load %arg13[%swap3A, %swap3A_324] {strides = array<i32>} : memref<128x128xf32, #tpu.memory_space<vmem>>, vector<1x16xf32>,
      %swap3A_326 = vector.shape_cast %swap3A_325 : vector<1x16xf32> to vector<16xf32>
      %swap3A_327 = vector.shape_cast %get3A_323 : vector<16xf32> to vector<1x16xf32>
      tpu.vector_store %arg13[%swap3A, %swap3A_324], %swap3A_327 {strides = array<i32>} : memref<128x128xf32, #tpu.memory_space<vmem>>, vector<1x16xf32>,
      %get3A_328 = arith.index_cast %scan3A_320 : i32 to index
      %get3A_329 = arith.constant 16 : index
      %get3A_330 = tpu.vector_load %arg15[%get3A_328, %get3A_329] {strides = array<i32>} : memref<128x128xf32, #tpu.memory_space<vmem>>, vector<1x16xf32>,
      %get3A_331 = vector.shape_cast %get3A_330 : vector<1x16xf32> to vector<16xf32>
      %swap3A_332 = arith.index_cast %scan3A_320 : i32 to index
      %swap3A_333 = arith.constant 80 : index
      %swap3A_334 = tpu.vector_load %arg13[%swap3A_332, %swap3A_333] {strides = array<i32>} : memref<128x128xf32, #tpu.memory_space<vmem>>, vector<1x16xf32>,
      %swap3A_335 = vector.shape_cast %swap3A_334 : vector<1x16xf32> to vector<16xf32>
      %swap3A_336 = vector.shape_cast %get3A_331 : vector<16xf32> to vector<1x16xf32>
      tpu.vector_store %arg13[%swap3A_332, %swap3A_333], %swap3A_336 {strides = array<i32>} : memref<128x128xf32, #tpu.memory_space<vmem>>, vector<1x16xf32>,
      %get3A_337 = arith.index_cast %scan3A_320 : i32 to index
      %get3A_338 = arith.constant 32 : index
      %get3A_339 = tpu.vector_load %arg15[%get3A_337, %get3A_338] {strides = array<i32>} : memref<128x128xf32, #tpu.memory_space<vmem>>, vector<1x16xf32>,
      %get3A_340 = vector.shape_cast %get3A_339 : vector<1x16xf32> to vector<16xf32>
      %swap3A_341 = arith.index_cast %scan3A_320 : i32 to index
      %swap3A_342 = arith.constant 96 : index
      %swap3A_343 = tpu.vector_load %arg13[%swap3A_341, %swap3A_342] {strides = array<i32>} : memref<128x128xf32, #tpu.memory_space<vmem>>, vector<1x16xf32>,
      %swap3A_344 = vector.shape_cast %swap3A_343 : vector<1x16xf32> to vector<16xf32>
      %swap3A_345 = vector.shape_cast %get3A_340 : vector<16xf32> to vector<1x16xf32>
      tpu.vector_store %arg13[%swap3A_341, %swap3A_342], %swap3A_345 {strides = array<i32>} : memref<128x128xf32, #tpu.memory_space<vmem>>, vector<1x16xf32>,
      %get3A_346 = arith.index_cast %scan3A_320 : i32 to index
      %get3A_347 = arith.constant 48 : index
      %get3A_348 = tpu.vector_load %arg15[%get3A_346, %get3A_347] {strides = array<i32>} : memref<128x128xf32, #tpu.memory_space<vmem>>, vector<1x16xf32>,
      %get3A_349 = vector.shape_cast %get3A_348 : vector<1x16xf32> to vector<16xf32>
      %swap3A_350 = arith.index_cast %scan3A_320 : i32 to index
      %swap3A_351 = arith.constant 112 : index
      %swap3A_352 = tpu.vector_load %arg13[%swap3A_350, %swap3A_351] {strides = array<i32>} : memref<128x128xf32, #tpu.memory_space<vmem>>, vector<1x16xf32>,
      %swap3A_353 = vector.shape_cast %swap3A_352 : vector<1x16xf32> to vector<16xf32>
      %swap3A_354 = vector.shape_cast %get3A_349 : vector<16xf32> to vector<1x16xf32>
      tpu.vector_store %arg13[%swap3A_350, %swap3A_351], %swap3A_354 {strides = array<i32>} : memref<128x128xf32, #tpu.memory_space<vmem>>, vector<1x16xf32>,
    }
    %scan3A_268 = arith.constant 128 : i32
    %add3A_269 = arith.constant 128 : i32
    %add3A_270 = arith.addi %mul3A_2, %add3A_269 : i32
    %dma_start3A_271 = arith.constant 256 : i32
    %dma_start3A_272 = tpu.memref_slice %arg10[%add3A_270, %dma_start3A_271] : memref<8192x512xf32, #tpu.memory_space<hbm>> -> memref<128x128xf32, #tpu.memory_space<hbm>>
    %dma_start3A_273 = arith.constant 256 : i32
    %dma_start3A_274 = tpu.memref_slice %arg10[%add3A_270, %dma_start3A_273] : memref<8192x512xf32, #tpu.memory_space<hbm>> -> memref<128x128xf32, #tpu.memory_space<hbm>>
    tpu.enqueue_dma source(%arg13 : memref<128x128xf32, #tpu.memory_space<vmem>>) target(%dma_start3A_274 : memref<128x128xf32, #tpu.memory_space<hbm>>) target_semaphore(%arg21 : memref<!tpu.dma_semaphore, #tpu.memory_space<semaphore_mem>>)
    %dma_wait3A_275 = arith.constant 256 : i32
    %dma_wait3A_276 = tpu.memref_slice %arg10[%add3A_270, %dma_wait3A_275] : memref<8192x512xf32, #tpu.memory_space<hbm>> -> memref<128x128xf32, #tpu.memory_space<hbm>>
    %dma_wait3A_277 = arith.constant 256 : i32
    %dma_wait3A_278 = tpu.memref_slice %arg10[%add3A_270, %dma_wait3A_277] : memref<8192x512xf32, #tpu.memory_space<hbm>> -> memref<128x128xf32, #tpu.memory_space<hbm>>
    tpu.wait_dma2 semaphore(%arg21 : memref<!tpu.dma_semaphore, #tpu.memory_space<semaphore_mem>>) src(%arg13 : memref<128x128xf32, #tpu.memory_space<vmem>>) dst(%dma_wait3A_278 : memref<128x128xf32, #tpu.memory_space<hbm>>)
    %dma_start3A_279 = arith.constant 6 : i32
    %dma_start3A_280 = arith.constant 128 : i32
    %dma_start3A_281 = tpu.memref_slice %arg11[%dma_start3A_279, %dma_start3A_280] : memref<10x256xi32, #tpu.memory_space<vmem>> -> memref<1x128xi32, #tpu.memory_space<vmem>>
    %dma_start3A_282 = tpu.memref_squeeze %dma_start3A_281 : memref<1x128xi32, #tpu.memory_space<vmem>> -> memref<128xi32, #tpu.memory_space<vmem>>
    %dma_start3A_283 = arith.constant 0 : i32
    %dma_start3A_284 = arith.constant 0 : i32
    %dma_start3A_285 = tpu.memref_slice %arg8[%dma_start3A_283, %dma_start3A_284] : memref<2000x128xf32, #tpu.memory_space<hbm>> -> memref<2000x128xf32, #tpu.memory_space<hbm>>
    tpu.enqueue_indirect_dma source(%dma_start3A_285 : memref<2000x128xf32, #tpu.memory_space<hbm>>) target(%arg13 : memref<128x128xf32, #tpu.memory_space<vmem>>) offsets(%dma_start3A_282 : memref<128xi32, #tpu.memory_space<vmem>>) semaphore(%arg17 : memref<!tpu.dma_semaphore, #tpu.memory_space<semaphore_mem>>)
    %dma_wait3A_286 = arith.constant 6 : i32
    %dma_wait3A_287 = arith.constant 0 : i32
    %dma_wait3A_288 = tpu.memref_slice %arg11[%dma_wait3A_286, %dma_wait3A_287] : memref<10x256xi32, #tpu.memory_space<vmem>> -> memref<1x128xi32, #tpu.memory_space<vmem>>
    %dma_wait3A_289 = tpu.memref_squeeze %dma_wait3A_288 : memref<1x128xi32, #tpu.memory_space<vmem>> -> memref<128xi32, #tpu.memory_space<vmem>>
    %dma_wait3A_290 = arith.constant 0 : i32
    %dma_wait3A_291 = arith.constant 0 : i32
    %dma_wait3A_292 = tpu.memref_slice %arg8[%dma_wait3A_290, %dma_wait3A_291] : memref<2000x128xf32, #tpu.memory_space<hbm>> -> memref<2000x128xf32, #tpu.memory_space<hbm>>
    tpu.wait_indirect_dma semaphore(%arg16 : memref<!tpu.dma_semaphore, #tpu.memory_space<semaphore_mem>>) src(%dma_wait3A_292 : memref<2000x128xf32, #tpu.memory_space<hbm>>) dst(%arg12 : memref<128x128xf32, #tpu.memory_space<vmem>>)
    %add3A_293 = arith.constant 0 : i32
    %add3A_294 = arith.addi %mul3A_2, %add3A_293 : i32
    %dma_start3A_295 = arith.constant 384 : i32
    %dma_start3A_296 = tpu.memref_slice %arg10[%add3A_294, %dma_start3A_295] : memref<8192x512xf32, #tpu.memory_space<hbm>> -> memref<128x128xf32, #tpu.memory_space<hbm>>
    %dma_start3A_297 = arith.constant 384 : i32
    %dma_start3A_298 = tpu.memref_slice %arg10[%add3A_294, %dma_start3A_297] : memref<8192x512xf32, #tpu.memory_space<hbm>> -> memref<128x128xf32, #tpu.memory_space<hbm>>
    tpu.enqueue_dma source(%arg12 : memref<128x128xf32, #tpu.memory_space<vmem>>) target(%dma_start3A_298 : memref<128x128xf32, #tpu.memory_space<hbm>>) target_semaphore(%arg20 : memref<!tpu.dma_semaphore, #tpu.memory_space<semaphore_mem>>)
    %dma_wait3A_299 = arith.constant 6 : i32
    %dma_wait3A_300 = arith.constant 128 : i32
    %dma_wait3A_301 = tpu.memref_slice %arg11[%dma_wait3A_299, %dma_wait3A_300] : memref<10x256xi32, #tpu.memory_space<vmem>> -> memref<1x128xi32, #tpu.memory_space<vmem>>
    %dma_wait3A_302 = tpu.memref_squeeze %dma_wait3A_301 : memref<1x128xi32, #tpu.memory_space<vmem>> -> memref<128xi32, #tpu.memory_space<vmem>>
    %dma_wait3A_303 = arith.constant 0 : i32
    %dma_wait3A_304 = arith.constant 0 : i32
    %dma_wait3A_305 = tpu.memref_slice %arg8[%dma_wait3A_303, %dma_wait3A_304] : memref<2000x128xf32, #tpu.memory_space<hbm>> -> memref<2000x128xf32, #tpu.memory_space<hbm>>
    tpu.wait_indirect_dma semaphore(%arg17 : memref<!tpu.dma_semaphore, #tpu.memory_space<semaphore_mem>>) src(%dma_wait3A_305 : memref<2000x128xf32, #tpu.memory_space<hbm>>) dst(%arg13 : memref<128x128xf32, #tpu.memory_space<vmem>>)
    %add3A_306 = arith.constant 128 : i32
    %add3A_307 = arith.addi %mul3A_2, %add3A_306 : i32
    %dma_start3A_308 = arith.constant 384 : i32
    %dma_start3A_309 = tpu.memref_slice %arg10[%add3A_307, %dma_start3A_308] : memref<8192x512xf32, #tpu.memory_space<hbm>> -> memref<128x128xf32, #tpu.memory_space<hbm>>
    %dma_start3A_310 = arith.constant 384 : i32
    %dma_start3A_311 = tpu.memref_slice %arg10[%add3A_307, %dma_start3A_310] : memref<8192x512xf32, #tpu.memory_space<hbm>> -> memref<128x128xf32, #tpu.memory_space<hbm>>
    tpu.enqueue_dma source(%arg13 : memref<128x128xf32, #tpu.memory_space<vmem>>) target(%dma_start3A_311 : memref<128x128xf32, #tpu.memory_space<hbm>>) target_semaphore(%arg21 : memref<!tpu.dma_semaphore, #tpu.memory_space<semaphore_mem>>)
    %dma_wait3A_312 = arith.constant 384 : i32
    %dma_wait3A_313 = tpu.memref_slice %arg10[%add3A_294, %dma_wait3A_312] : memref<8192x512xf32, #tpu.memory_space<hbm>> -> memref<128x128xf32, #tpu.memory_space<hbm>>
    %dma_wait3A_314 = arith.constant 384 : i32
    %dma_wait3A_315 = tpu.memref_slice %arg10[%add3A_294, %dma_wait3A_314] : memref<8192x512xf32, #tpu.memory_space<hbm>> -> memref<128x128xf32, #tpu.memory_space<hbm>>
    tpu.wait_dma2 semaphore(%arg20 : memref<!tpu.dma_semaphore, #tpu.memory_space<semaphore_mem>>) src(%arg12 : memref<128x128xf32, #tpu.memory_space<vmem>>) dst(%dma_wait3A_315 : memref<128x128xf32, #tpu.memory_space<hbm>>)
    %dma_wait3A_316 = arith.constant 384 : i32
    %dma_wait3A_317 = tpu.memref_slice %arg10[%add3A_307, %dma_wait3A_316] : memref<8192x512xf32, #tpu.memory_space<hbm>> -> memref<128x128xf32, #tpu.memory_space<hbm>>
    %dma_wait3A_318 = arith.constant 384 : i32
    %dma_wait3A_319 = tpu.memref_slice %arg10[%add3A_307, %dma_wait3A_318] : memref<8192x512xf32, #tpu.memory_space<hbm>> -> memref<128x128xf32, #tpu.memory_space<hbm>>
    tpu.wait_dma2 semaphore(%arg21 : memref<!tpu.dma_semaphore, #tpu.memory_space<semaphore_mem>>) src(%arg13 : memref<128x128xf32, #tpu.memory_space<vmem>>) dst(%dma_wait3A_319 : memref<128x128xf32, #tpu.memory_space<hbm>>)
    return
  }
}

module attributes {stable_mosaic.version = 14 : i64} {
  func.func @_mlp_body(%arg0: i32, %arg1: memref<1024x512xf32, #tpu.memory_space<vmem>>, %arg2: memref<1024x32xf32, #tpu.memory_space<vmem>>, %arg3: memref<1024x1xi32, #tpu.memory_space<vmem>>, %arg4: memref<1024x1xi32, #tpu.memory_space<vmem>>, %arg5: memref<1024x1xi32, #tpu.memory_space<vmem>>, %arg6: memref<256x64xf32, #tpu.memory_space<vmem>>, %arg7: memref<128x64xf32, #tpu.memory_space<vmem>>, %arg8: memref<128x64xf32, #tpu.memory_space<vmem>>, %arg9: memref<64x256xf32, #tpu.memory_space<vmem>>, %arg10: memref<64x256xf32, #tpu.memory_space<vmem>>, %arg11: memref<64x256xf32, #tpu.memory_space<vmem>>, %arg12: memref<512x256xf32, #tpu.memory_space<vmem>>, %arg13: memref<32x192xf32, #tpu.memory_space<vmem>>, %arg14: memref<1x192xf32, #tpu.memory_space<vmem>>, %arg15: memref<192x256xf32, #tpu.memory_space<vmem>>, %arg16: memref<32x256xf32, #tpu.memory_space<vmem>>, %arg17: memref<1x256xf32, #tpu.memory_space<vmem>>, %arg18: memref<256x1xf32, #tpu.memory_space<vmem>>, %arg19: memref<1x1xf32, #tpu.memory_space<vmem>>, %arg20: memref<1024x1xf32, #tpu.memory_space<vmem>>) attributes {dimension_semantics = [#tpu.dimension_semantics<arbitrary>], iteration_bounds = array<i64: 8>, scalar_prefetch = 0 : i64, scratch_operands = 0 : i64, tpu.core_type = #tpu.core_type<tc>, window_params = [{transform_indices = @transform_0, window_bounds = array<i64: 1024, 512>}, {transform_indices = @transform_1, window_bounds = array<i64: 1024, 32>}, {transform_indices = @transform_2, window_bounds = array<i64: 1024, 1>}, {transform_indices = @transform_3, window_bounds = array<i64: 1024, 1>}, {transform_indices = @transform_4, window_bounds = array<i64: 1024, 1>}, {pipeline_mode = #tpu.pipeline_mode<synchronous>, transform_indices = @transform_5, window_bounds = array<i64: 256, 64>}, {pipeline_mode = #tpu.pipeline_mode<synchronous>, transform_indices = @transform_6, window_bounds = array<i64: 128, 64>}, {pipeline_mode = #tpu.pipeline_mode<synchronous>, transform_indices = @transform_7, window_bounds = array<i64: 128, 64>}, {pipeline_mode = #tpu.pipeline_mode<synchronous>, transform_indices = @transform_8, window_bounds = array<i64: 64, 256>}, {pipeline_mode = #tpu.pipeline_mode<synchronous>, transform_indices = @transform_9, window_bounds = array<i64: 64, 256>}, {pipeline_mode = #tpu.pipeline_mode<synchronous>, transform_indices = @transform_10, window_bounds = array<i64: 64, 256>}, {pipeline_mode = #tpu.pipeline_mode<synchronous>, transform_indices = @transform_11, window_bounds = array<i64: 512, 256>}, {pipeline_mode = #tpu.pipeline_mode<synchronous>, transform_indices = @transform_12, window_bounds = array<i64: 32, 192>}, {pipeline_mode = #tpu.pipeline_mode<synchronous>, transform_indices = @transform_13, window_bounds = array<i64: 1, 192>}, {pipeline_mode = #tpu.pipeline_mode<synchronous>, transform_indices = @transform_14, window_bounds = array<i64: 192, 256>}, {pipeline_mode = #tpu.pipeline_mode<synchronous>, transform_indices = @transform_15, window_bounds = array<i64: 32, 256>}, {pipeline_mode = #tpu.pipeline_mode<synchronous>, transform_indices = @transform_16, window_bounds = array<i64: 1, 256>}, {pipeline_mode = #tpu.pipeline_mode<synchronous>, transform_indices = @transform_17, window_bounds = array<i64: 256, 1>}, {pipeline_mode = #tpu.pipeline_mode<synchronous>, transform_indices = @transform_18, window_bounds = array<i64: 1, 1>}, {transform_indices = @transform_19, window_bounds = array<i64: 1024, 1>}]} {
    %get3A = arith.constant 0 : index
    %get3A_0 = arith.constant 0 : index
    %get3A_1 = vector.load %arg2[%get3A, %get3A_0] : memref<1024x32xf32, #tpu.memory_space<vmem>>, vector<1024x32xf32>
    %get3A_2 = arith.constant 0 : index
    %get3A_3 = arith.constant 0 : index
    %get3A_4 = vector.load %arg13[%get3A_2, %get3A_3] : memref<32x192xf32, #tpu.memory_space<vmem>>, vector<32x192xf32>
    %dot_general3A = arith.constant dense<0.000000e+00> : vector<1024x192xf32>
    %dot_general3A_5 = tpu.matmul %get3A_1, %get3A_4, %dot_general3A {dimension_numbers = #tpu.dot_dimension_numbers<[1], [0], [0], [1], [0, 0, 1, 1], [], []>, transpose_lhs_hint = false} : vector<1024x32xf32>, vector<32x192xf32>, vector<1024x192xf32> -> vector<1024x192xf32>
    %get3A_6 = arith.constant 0 : index
    %get3A_7 = arith.constant 0 : index
    %get3A_8 = vector.load %arg14[%get3A_6, %get3A_7] : memref<1x192xf32, #tpu.memory_space<vmem>>, vector<1x192xf32>
    %add3A = vector.broadcast %get3A_8 : vector<1x192xf32> to vector<1024x192xf32>
    %add3A_9 = arith.addf %dot_general3A_5, %add3A : vector<1024x192xf32>
    %max3A = arith.constant 0.000000e+00 : f32
    %max3A_10 = vector.broadcast %max3A : f32 to vector<1024x192xf32>
    %max3A_11 = arith.maximumf %add3A_9, %max3A_10 : vector<1024x192xf32>
    %get3A_12 = arith.constant 0 : index
    %get3A_13 = arith.constant 0 : index
    %get3A_14 = vector.load %arg1[%get3A_12, %get3A_13] : memref<1024x512xf32, #tpu.memory_space<vmem>>, vector<1024x512xf32>
    %get3A_15 = arith.constant 0 : index
    %get3A_16 = arith.constant 0 : index
    %get3A_17 = vector.load %arg12[%get3A_15, %get3A_16] : memref<512x256xf32, #tpu.memory_space<vmem>>, vector<512x256xf32>
    %dot_general3A_18 = arith.constant dense<0.000000e+00> : vector<1024x256xf32>
    %dot_general3A_19 = tpu.matmul %get3A_14, %get3A_17, %dot_general3A_18 {dimension_numbers = #tpu.dot_dimension_numbers<[1], [0], [0], [1], [0, 0, 1, 1], [], []>, transpose_lhs_hint = false} : vector<1024x512xf32>, vector<512x256xf32>, vector<1024x256xf32> -> vector<1024x256xf32>
    %get3A_20 = arith.constant 0 : index
    %get3A_21 = arith.constant 0 : index
    %get3A_22 = vector.load %arg3[%get3A_20, %get3A_21] : memref<1024x1xi32, #tpu.memory_space<vmem>>, vector<1024x1xi32>
    %iota3A = tpu.iota {dimensions = array<i32: 1>} : vector<1024x256xi32>
    %eq3A = vector.broadcast %get3A_22 : vector<1024x1xi32> to vector<1024x256xi32>
    %eq3A_23 = arith.cmpi eq, %eq3A, %iota3A : vector<1024x256xi32>
    %convert_element_type3A = arith.extui %eq3A_23 : vector<1024x256xi1> to vector<1024x256xi32>
    %convert_element_type3A_24 = arith.sitofp %convert_element_type3A : vector<1024x256xi32> to vector<1024x256xf32>
    %get3A_25 = arith.constant 0 : index
    %get3A_26 = arith.constant 0 : index
    %get3A_27 = vector.load %arg4[%get3A_25, %get3A_26] : memref<1024x1xi32, #tpu.memory_space<vmem>>, vector<1024x1xi32>
    %iota3A_28 = tpu.iota {dimensions = array<i32: 1>} : vector<1024x128xi32>
    %eq3A_29 = vector.broadcast %get3A_27 : vector<1024x1xi32> to vector<1024x128xi32>
    %eq3A_30 = arith.cmpi eq, %eq3A_29, %iota3A_28 : vector<1024x128xi32>
    %convert_element_type3A_31 = arith.extui %eq3A_30 : vector<1024x128xi1> to vector<1024x128xi32>
    %convert_element_type3A_32 = arith.sitofp %convert_element_type3A_31 : vector<1024x128xi32> to vector<1024x128xf32>
    %get3A_33 = arith.constant 0 : index
    %get3A_34 = arith.constant 0 : index
    %get3A_35 = vector.load %arg5[%get3A_33, %get3A_34] : memref<1024x1xi32, #tpu.memory_space<vmem>>, vector<1024x1xi32>
    %iota3A_36 = tpu.iota {dimensions = array<i32: 1>} : vector<1024x128xi32>
    %eq3A_37 = vector.broadcast %get3A_35 : vector<1024x1xi32> to vector<1024x128xi32>
    %eq3A_38 = arith.cmpi eq, %eq3A_37, %iota3A_36 : vector<1024x128xi32>
    %convert_element_type3A_39 = arith.extui %eq3A_38 : vector<1024x128xi1> to vector<1024x128xi32>
    %convert_element_type3A_40 = arith.sitofp %convert_element_type3A_39 : vector<1024x128xi32> to vector<1024x128xf32>
    %get3A_41 = arith.constant 0 : index
    %get3A_42 = arith.constant 0 : index
    %get3A_43 = vector.load %arg6[%get3A_41, %get3A_42] : memref<256x64xf32, #tpu.memory_space<vmem>>, vector<256x64xf32>
    %dot_general3A_44 = arith.constant dense<0.000000e+00> : vector<1024x64xf32>
    %dot_general3A_45 = tpu.matmul %convert_element_type3A_24, %get3A_43, %dot_general3A_44 {dimension_numbers = #tpu.dot_dimension_numbers<[1], [0], [0], [1], [0, 0, 1, 1], [], []>, transpose_lhs_hint = false} : vector<1024x256xf32>, vector<256x64xf32>, vector<1024x64xf32> -> vector<1024x64xf32>
    %get3A_46 = arith.constant 0 : index
    %get3A_47 = arith.constant 0 : index
    %get3A_48 = vector.load %arg7[%get3A_46, %get3A_47] : memref<128x64xf32, #tpu.memory_space<vmem>>, vector<128x64xf32>
    %dot_general3A_49 = arith.constant dense<0.000000e+00> : vector<1024x64xf32>
    %dot_general3A_50 = tpu.matmul %convert_element_type3A_32, %get3A_48, %dot_general3A_49 {dimension_numbers = #tpu.dot_dimension_numbers<[1], [0], [0], [1], [0, 0, 1, 1], [], []>, transpose_lhs_hint = false} : vector<1024x128xf32>, vector<128x64xf32>, vector<1024x64xf32> -> vector<1024x64xf32>
    %get3A_51 = arith.constant 0 : index
    %get3A_52 = arith.constant 0 : index
    %get3A_53 = vector.load %arg8[%get3A_51, %get3A_52] : memref<128x64xf32, #tpu.memory_space<vmem>>, vector<128x64xf32>
    %dot_general3A_54 = arith.constant dense<0.000000e+00> : vector<1024x64xf32>
    %dot_general3A_55 = tpu.matmul %convert_element_type3A_40, %get3A_53, %dot_general3A_54 {dimension_numbers = #tpu.dot_dimension_numbers<[1], [0], [0], [1], [0, 0, 1, 1], [], []>, transpose_lhs_hint = false} : vector<1024x128xf32>, vector<128x64xf32>, vector<1024x64xf32> -> vector<1024x64xf32>
    %get3A_56 = arith.constant 0 : index
    %get3A_57 = arith.constant 0 : index
    %get3A_58 = vector.load %arg9[%get3A_56, %get3A_57] : memref<64x256xf32, #tpu.memory_space<vmem>>, vector<64x256xf32>
    %dot_general3A_59 = arith.constant dense<0.000000e+00> : vector<1024x256xf32>
    %dot_general3A_60 = tpu.matmul %dot_general3A_45, %get3A_58, %dot_general3A_59 {dimension_numbers = #tpu.dot_dimension_numbers<[1], [0], [0], [1], [0, 0, 1, 1], [], []>, transpose_lhs_hint = false} : vector<1024x64xf32>, vector<64x256xf32>, vector<1024x256xf32> -> vector<1024x256xf32>
    %add3A_61 = arith.addf %dot_general3A_19, %dot_general3A_60 : vector<1024x256xf32>
    %get3A_62 = arith.constant 0 : index
    %get3A_63 = arith.constant 0 : index
    %get3A_64 = vector.load %arg10[%get3A_62, %get3A_63] : memref<64x256xf32, #tpu.memory_space<vmem>>, vector<64x256xf32>
    %dot_general3A_65 = arith.constant dense<0.000000e+00> : vector<1024x256xf32>
    %dot_general3A_66 = tpu.matmul %dot_general3A_50, %get3A_64, %dot_general3A_65 {dimension_numbers = #tpu.dot_dimension_numbers<[1], [0], [0], [1], [0, 0, 1, 1], [], []>, transpose_lhs_hint = false} : vector<1024x64xf32>, vector<64x256xf32>, vector<1024x256xf32> -> vector<1024x256xf32>
    %add3A_67 = arith.addf %add3A_61, %dot_general3A_66 : vector<1024x256xf32>
    %get3A_68 = arith.constant 0 : index
    %get3A_69 = arith.constant 0 : index
    %get3A_70 = vector.load %arg11[%get3A_68, %get3A_69] : memref<64x256xf32, #tpu.memory_space<vmem>>, vector<64x256xf32>
    %dot_general3A_71 = arith.constant dense<0.000000e+00> : vector<1024x256xf32>
    %dot_general3A_72 = tpu.matmul %dot_general3A_55, %get3A_70, %dot_general3A_71 {dimension_numbers = #tpu.dot_dimension_numbers<[1], [0], [0], [1], [0, 0, 1, 1], [], []>, transpose_lhs_hint = false} : vector<1024x64xf32>, vector<64x256xf32>, vector<1024x256xf32> -> vector<1024x256xf32>
    %add3A_73 = arith.addf %add3A_67, %dot_general3A_72 : vector<1024x256xf32>
    %get3A_74 = arith.constant 0 : index
    %get3A_75 = arith.constant 0 : index
    %get3A_76 = vector.load %arg15[%get3A_74, %get3A_75] : memref<192x256xf32, #tpu.memory_space<vmem>>, vector<192x256xf32>
    %dot_general3A_77 = arith.constant dense<0.000000e+00> : vector<1024x256xf32>
    %dot_general3A_78 = tpu.matmul %max3A_11, %get3A_76, %dot_general3A_77 {dimension_numbers = #tpu.dot_dimension_numbers<[1], [0], [0], [1], [0, 0, 1, 1], [], []>, transpose_lhs_hint = false} : vector<1024x192xf32>, vector<192x256xf32>, vector<1024x256xf32> -> vector<1024x256xf32>
    %add3A_79 = arith.addf %add3A_73, %dot_general3A_78 : vector<1024x256xf32>
    %get3A_80 = arith.constant 0 : index
    %get3A_81 = arith.constant 0 : index
    %get3A_82 = vector.load %arg16[%get3A_80, %get3A_81] : memref<32x256xf32, #tpu.memory_space<vmem>>, vector<32x256xf32>
    %dot_general3A_83 = arith.constant dense<0.000000e+00> : vector<1024x256xf32>
    %dot_general3A_84 = tpu.matmul %get3A_1, %get3A_82, %dot_general3A_83 {dimension_numbers = #tpu.dot_dimension_numbers<[1], [0], [0], [1], [0, 0, 1, 1], [], []>, transpose_lhs_hint = false} : vector<1024x32xf32>, vector<32x256xf32>, vector<1024x256xf32> -> vector<1024x256xf32>
    %add3A_85 = arith.addf %add3A_79, %dot_general3A_84 : vector<1024x256xf32>
    %get3A_86 = arith.constant 0 : index
    %get3A_87 = arith.constant 0 : index
    %get3A_88 = vector.load %arg17[%get3A_86, %get3A_87] : memref<1x256xf32, #tpu.memory_space<vmem>>, vector<1x256xf32>
    %add3A_89 = vector.broadcast %get3A_88 : vector<1x256xf32> to vector<1024x256xf32>
    %add3A_90 = arith.addf %add3A_85, %add3A_89 : vector<1024x256xf32>
    %max3A_91 = arith.constant 0.000000e+00 : f32
    %max3A_92 = vector.broadcast %max3A_91 : f32 to vector<1024x256xf32>
    %max3A_93 = arith.maximumf %add3A_90, %max3A_92 : vector<1024x256xf32>
    %get3A_94 = arith.constant 0 : index
    %get3A_95 = arith.constant 0 : index
    %get3A_96 = vector.load %arg18[%get3A_94, %get3A_95] : memref<256x1xf32, #tpu.memory_space<vmem>>, vector<256x1xf32>
    %dot_general3A_97 = arith.constant dense<0.000000e+00> : vector<1024x1xf32>
    %dot_general3A_98 = tpu.matmul %max3A_93, %get3A_96, %dot_general3A_97 {dimension_numbers = #tpu.dot_dimension_numbers<[1], [0], [0], [1], [0, 0, 1, 1], [], []>, transpose_lhs_hint = false} : vector<1024x256xf32>, vector<256x1xf32>, vector<1024x1xf32> -> vector<1024x1xf32>
    %get3A_99 = arith.constant 0 : index
    %get3A_100 = arith.constant 0 : index
    %get3A_101 = vector.load %arg19[%get3A_99, %get3A_100] : memref<1x1xf32, #tpu.memory_space<vmem>>, vector<1x1xf32>
    %add3A_102 = vector.broadcast %get3A_101 : vector<1x1xf32> to vector<1024x1xf32>
    %add3A_103 = arith.addf %dot_general3A_98, %add3A_102 : vector<1024x1xf32>
    %logistic3A = arith.negf %add3A_103 : vector<1024x1xf32>
    %logistic3A_104 = math.exp %logistic3A : vector<1024x1xf32>
    %logistic3A_105 = arith.constant 1.000000e+00 : f32
    %logistic3A_106 = vector.broadcast %logistic3A_105 : f32 to vector<1024x1xf32>
    %logistic3A_107 = arith.addf %logistic3A_106, %logistic3A_104 : vector<1024x1xf32>
    %logistic3A_108 = arith.divf %logistic3A_106, %logistic3A_107 : vector<1024x1xf32>
    %swap3A = arith.constant 0 : index
    %swap3A_109 = arith.constant 0 : index
    %swap3A_110 = vector.load %arg20[%swap3A, %swap3A_109] : memref<1024x1xf32, #tpu.memory_space<vmem>>, vector<1024x1xf32>
    tpu.vector_store %arg20[%swap3A, %swap3A_109], %logistic3A_108 {strides = array<i32>} : memref<1024x1xf32, #tpu.memory_space<vmem>>, vector<1024x1xf32>,
    return
  }
  func.func @transform_0(%arg0: i32) -> (i32, i32) {
    %c0_i32 = arith.constant 0 : i32
    %c0_i32_0 = arith.constant 0 : i32
    return %arg0, %c0_i32 : i32, i32
  }
  func.func @transform_1(%arg0: i32) -> (i32, i32) {
    %c0_i32 = arith.constant 0 : i32
    %c0_i32_0 = arith.constant 0 : i32
    return %arg0, %c0_i32 : i32, i32
  }
  func.func @transform_2(%arg0: i32) -> (i32, i32) {
    %c0_i32 = arith.constant 0 : i32
    %c0_i32_0 = arith.constant 0 : i32
    return %arg0, %c0_i32 : i32, i32
  }
  func.func @transform_3(%arg0: i32) -> (i32, i32) {
    %c0_i32 = arith.constant 0 : i32
    %c0_i32_0 = arith.constant 0 : i32
    return %arg0, %c0_i32 : i32, i32
  }
  func.func @transform_4(%arg0: i32) -> (i32, i32) {
    %c0_i32 = arith.constant 0 : i32
    %c0_i32_0 = arith.constant 0 : i32
    return %arg0, %c0_i32 : i32, i32
  }
  func.func @transform_5(%arg0: i32) -> (i32, i32) {
    %c0_i32 = arith.constant 0 : i32
    %c0_i32_0 = arith.constant 0 : i32
    %c0_i32_1 = arith.constant 0 : i32
    return %c0_i32, %c0_i32_0 : i32, i32
  }
  func.func @transform_6(%arg0: i32) -> (i32, i32) {
    %c0_i32 = arith.constant 0 : i32
    %c0_i32_0 = arith.constant 0 : i32
    %c0_i32_1 = arith.constant 0 : i32
    return %c0_i32, %c0_i32_0 : i32, i32
  }
  func.func @transform_7(%arg0: i32) -> (i32, i32) {
    %c0_i32 = arith.constant 0 : i32
    %c0_i32_0 = arith.constant 0 : i32
    %c0_i32_1 = arith.constant 0 : i32
    return %c0_i32, %c0_i32_0 : i32, i32
  }
  func.func @transform_8(%arg0: i32) -> (i32, i32) {
    %c0_i32 = arith.constant 0 : i32
    %c0_i32_0 = arith.constant 0 : i32
    %c0_i32_1 = arith.constant 0 : i32
    return %c0_i32, %c0_i32_0 : i32, i32
  }
  func.func @transform_9(%arg0: i32) -> (i32, i32) {
    %c0_i32 = arith.constant 0 : i32
    %c0_i32_0 = arith.constant 0 : i32
    %c0_i32_1 = arith.constant 0 : i32
    return %c0_i32, %c0_i32_0 : i32, i32
  }
  func.func @transform_10(%arg0: i32) -> (i32, i32) {
    %c0_i32 = arith.constant 0 : i32
    %c0_i32_0 = arith.constant 0 : i32
    %c0_i32_1 = arith.constant 0 : i32
    return %c0_i32, %c0_i32_0 : i32, i32
  }
  func.func @transform_11(%arg0: i32) -> (i32, i32) {
    %c0_i32 = arith.constant 0 : i32
    %c0_i32_0 = arith.constant 0 : i32
    %c0_i32_1 = arith.constant 0 : i32
    return %c0_i32, %c0_i32_0 : i32, i32
  }
  func.func @transform_12(%arg0: i32) -> (i32, i32) {
    %c0_i32 = arith.constant 0 : i32
    %c0_i32_0 = arith.constant 0 : i32
    %c0_i32_1 = arith.constant 0 : i32
    return %c0_i32, %c0_i32_0 : i32, i32
  }
  func.func @transform_13(%arg0: i32) -> (i32, i32) {
    %c0_i32 = arith.constant 0 : i32
    %c0_i32_0 = arith.constant 0 : i32
    %c0_i32_1 = arith.constant 0 : i32
    return %c0_i32, %c0_i32_0 : i32, i32
  }
  func.func @transform_14(%arg0: i32) -> (i32, i32) {
    %c0_i32 = arith.constant 0 : i32
    %c0_i32_0 = arith.constant 0 : i32
    %c0_i32_1 = arith.constant 0 : i32
    return %c0_i32, %c0_i32_0 : i32, i32
  }
  func.func @transform_15(%arg0: i32) -> (i32, i32) {
    %c0_i32 = arith.constant 0 : i32
    %c0_i32_0 = arith.constant 0 : i32
    %c0_i32_1 = arith.constant 0 : i32
    return %c0_i32, %c0_i32_0 : i32, i32
  }
  func.func @transform_16(%arg0: i32) -> (i32, i32) {
    %c0_i32 = arith.constant 0 : i32
    %c0_i32_0 = arith.constant 0 : i32
    %c0_i32_1 = arith.constant 0 : i32
    return %c0_i32, %c0_i32_0 : i32, i32
  }
  func.func @transform_17(%arg0: i32) -> (i32, i32) {
    %c0_i32 = arith.constant 0 : i32
    %c0_i32_0 = arith.constant 0 : i32
    %c0_i32_1 = arith.constant 0 : i32
    return %c0_i32, %c0_i32_0 : i32, i32
  }
  func.func @transform_18(%arg0: i32) -> (i32, i32) {
    %c0_i32 = arith.constant 0 : i32
    %c0_i32_0 = arith.constant 0 : i32
    %c0_i32_1 = arith.constant 0 : i32
    return %c0_i32, %c0_i32_0 : i32, i32
  }
  func.func @transform_19(%arg0: i32) -> (i32, i32) {
    %c0_i32 = arith.constant 0 : i32
    %c0_i32_0 = arith.constant 0 : i32
    return %arg0, %c0_i32 : i32, i32
  }
}

</mosaic_0001>

<sc_bundles>
// kernel: kernel.6.cloned.1.call-start
scs
__scs_entry_jumppad:
0x0: {  	(pc) =	sbr.rel $0x88, $3  }
0x1: {  	(tag) =	ssettag $0x0;
	lr =	simm.s32 $0x1  }
0x2: {  	[smem:$0x3F7F] =	sst lr;
	_ =	strace $0xD0000000  }
0x3: {  	_ = 	snop  }
0x4: {  	_ = 	snop  }
0x5: {  	_ = 	snop  }
0x6: {  	_ = 	snop  }
0x7: {  	_ = 	snop  }
__scs_overlays_trampoline_lowered:
0x8: {  	[smem:$0x3F8E] =	sst s0  }
0x9: {  	[smem:$0x3F8F] =	sst s1  }
0xa: {  	[smem:$0x3F90] =	sst s2  }
0xb: {  	[smem:$0x3F91] =	sst s3  }
0xc: {  	[smem:$0x3F92] =	sst s4  }
0xd: {  	[smem:$0x3F93] =	sst s5  }
0xe: {  	[smem:$0x3F94] =	sst s6  }
0xf: {  	[smem:$0x3F95] =	sst s7  }
0x10: {  	[smem:$0x3F96] =	sst s8  }
0x11: {  	[smem:$0x3F97] =	sst s9;
	s0 =	simm.s32 @!p0 $0x0  }
0x12: {  	s1 =	sld [smem:$0x3F7D];
	s0 =	simm.s32 @p0 $0x1  }
0x13: {  	[smem:$0x3F98] =	sst s0;
	s0 =	simm.s32 @!p1 $0x0  }
0x14: {  	s2 =	sld [smem:$0x3F7C];
	s0 =	simm.s32 @p1 $0x1  }
0x15: {  	[smem:$0x3F99] =	sst s0;
	s0 =	simm.s32 @!p2 $0x0  }
0x16: {  	s3 =	sld [smem:$0x3FDB];
	s0 =	simm.s32 @p2 $0x1  }
0x17: {  	s4 =	simm.s32 $0x1BF5;
	[smem:$0x3F9B] =	sst s0  }
0x18: {  	s0 =	sld [smem:$0x3F7E];
	_ =	swait.ge [sflag:s4], $0x0  }
0x19: {  	s7 =	sld [smem:$0x3F7F]  }
0x1a: {  	s8 =	sadd.s32 $0xFFFFE003, lr  }
0x1b: {  	s9 =	sadd.s32 $0xFFFFFEF7, lr;
	s5 =	simm.s32 $0xFFFFFFFF;
	p2 =	slt.u32 s8, $0xFFFFF086  }
0x1c: {  	p1 =	slt.u32 s9, $0xF7A;
	s5 =	simm.s32 @!p2 $0x0  }
0x1d: {  	s5 =	simm.s32 @p1 $0x1;
	p0 =	seq.s32 s7, s2  }
0x1e: {  	s7 =	smul.u32 @!p0 $0xF7A, s2;
	p2 =	seq.s32 @!p0 s5, $0x0  }
0x1f: {  	s9 =	smul.u32 $0xF7A, s1;
	s8 =	simm.s32 @!p0 $0x1BF5;
	p2 =	por !p2, p0  }
0x20: {  	[sflag:s8] =	ssyncset.s32 @!p0 $0xFFFFF086;
	s6 =	sadd.s32 @!p0 s3, s7;
	s7 =	simm.s32 @!p0 $0x108  }
0x21: {  	s3 =	sadd.s32 s3, s9;
	s6 =	sadd.s32 @!p0 $0x88, s6;
	s7 =	simm.s32 @p2 $0x1082  }
0x22: {  	[simem:s7], [sflag:s8] =	dma.local @!p0 [hbm:s6], $0xF7A  }
0x23: {  	s9 =	sor.u32 $0xD0000000, s2;
	s6 =	simm.s32 $0x108;
	_ =	swait.ge @!p0 [sflag:s8], $0x0  }
0x24: {  	s3 =	sadd.s32 $0x88, s3;
	s6 =	simm.s32 @!p1 $0x1082;
	[sflag:s4] =	ssyncset.s32 $0xFFFFF086  }
0x25: {  	[simem:s6], [sflag:s4] =	dma.local [hbm:s3], $0xF7A  }
0x26: {  	[smem:$0x3F7F] =	sst s1;
	(tag) =	ssettag s2;
	_ =	strace s9  }
0x27: {  	s1 =	sld [smem:$0x3F8F]  }
0x28: {  	s2 =	sld [smem:$0x3F90]  }
0x29: {  	s4 =	sld [smem:$0x3F92]  }
0x2a: {  	p0 =	seq.s32 s5, $0x0;
	s5 =	sld [smem:$0x3F93]  }
0x2b: {  	s6 =	sld [smem:$0x3F94]  }
0x2c: {  	s7 =	sld [smem:$0x3F95]  }
0x2d: {  	s3 =	simm.s32 $0x108;
	s8 =	sld [smem:$0x3F96]  }
0x2e: {  	s3 =	simm.s32 @!p0 $0x1082;
	s9 =	sld [smem:$0x3F97]  }
0x2f: {  	lr =	sadd.s32 s0, s3;
	s0 =	sld [smem:$0x3F8E]  }
0x30: {  	s3 =	sld [smem:$0x3F91]  }
0x31: {  	[smem:$0x3F9A] =	sst s10  }
0x32: {  	s10 =	sld [smem:$0x3F98];
	_ =	sdelay $0x3  }
0x33: {  	p0 =	seq.s32 s10, $0x1;
	s10 =	sld [smem:$0x3F9A];
	_ =	sdelay $0x3  }
0x34: {  	[smem:$0x3F9A] =	sst s10  }
0x35: {  	s10 =	sld [smem:$0x3F99];
	_ =	sdelay $0x3  }
0x36: {  	p1 =	seq.s32 s10, $0x1;
	s10 =	sld [smem:$0x3F9A];
	_ =	sdelay $0x3  }
0x37: {  	[smem:$0x3F9A] =	sst s10  }
0x38: {  	s10 =	sld [smem:$0x3F9B]  }
0x39: {  	_ = 	snop;
	(pc) =	sbr.ind lr, $3  }
0x3a: {  	_ = 	snop  }
0x3b: {  	_ = 	snop  }
0x3c: {  	p2 =	seq.s32 s10, $0x1;
	s10 =	sld [smem:$0x3F9A]  }
0x3d: {  	_ =	shalt  }
0x3e: {  	_ =	shalt  }
0x3f: {  	_ =	shalt  }
0x40: {  	_ =	shalt  }
0x41: {  	_ =	shalt  }
0x42: {  	_ =	shalt  }
0x43: {  	_ =	shalt  }
0x44: {  	_ =	shalt  }
0x45: {  	_ =	shalt  }
0x46: {  	_ =	shalt  }
0x47: {  	_ =	shalt  }
0x48: {  	_ =	shalt  }
0x49: {  	_ =	shalt  }
0x4a: {  	_ =	shalt  }
0x4b: {  	_ =	shalt  }
0x4c: {  	_ =	shalt  }
0x4d: {  	_ =	shalt  }
0x4e: {  	_ =	shalt  }
0x4f: {  	_ =	shalt  }
0x50: {  	_ =	shalt  }
0x51: {  	_ =	shalt  }
0x52: {  	_ =	shalt  }
0x53: {  	_ =	shalt  }
0x54: {  	_ =	shalt  }
0x55: {  	_ =	shalt  }
0x56: {  	_ =	shalt  }
0x57: {  	_ =	shalt  }
0x58: {  	_ =	shalt  }
0x59: {  	_ =	shalt  }
0x5a: {  	_ =	shalt  }
0x5b: {  	_ =	shalt  }
0x5c: {  	_ =	shalt  }
0x5d: {  	_ =	shalt  }
0x5e: {  	_ =	shalt  }
0x5f: {  	_ =	shalt  }
0x60: {  	_ =	shalt  }
0x61: {  	_ =	shalt  }
0x62: {  	_ =	shalt  }
0x63: {  	_ =	shalt  }
0x64: {  	_ =	shalt  }
0x65: {  	_ =	shalt  }
0x66: {  	_ =	shalt  }
0x67: {  	_ =	shalt  }
0x68: {  	_ =	shalt  }
0x69: {  	_ =	shalt  }
0x6a: {  	_ =	shalt  }
0x6b: {  	_ =	shalt  }
0x6c: {  	_ =	shalt  }
0x6d: {  	_ =	shalt  }
0x6e: {  	_ =	shalt  }
0x6f: {  	_ =	shalt  }
0x70: {  	_ =	shalt  }
0x71: {  	_ =	shalt  }
0x72: {  	_ =	shalt  }
0x73: {  	_ =	shalt  }
0x74: {  	_ =	shalt  }
0x75: {  	_ =	shalt  }
0x76: {  	_ =	shalt  }
0x77: {  	_ =	shalt  }
0x78: {  	_ =	shalt  }
0x79: {  	_ =	shalt  }
0x7a: {  	_ =	shalt  }
0x7b: {  	_ =	shalt  }
0x7c: {  	_ =	shalt  }
0x7d: {  	_ =	shalt  }
0x7e: {  	_ =	shalt  }
0x7f: {  	_ =	shalt  }
0x80: {  	_ =	shalt  }
0x81: {  	_ =	shalt  }
0x82: {  	_ =	shalt  }
0x83: {  	_ =	shalt  }
0x84: {  	_ =	shalt  }
0x85: {  	_ =	shalt  }
0x86: {  	_ =	shalt  }
0x87: {  	_ =	shalt  }
.Lfunc_end0:
.L_simem_size_0:
called_computation_lowered:
.L_overlay_start_0:
0x88: {  	s2 =	sld [smem:$0x3FD9]  }
0x89: {  	s3 =	sld [smem:$0x3FFE];
	_ =	sdelay $0x1  }
0x8a: {  	s1 =	srdreg.scid  }
0x8b: {  	s0 =	sand.u32 $0x1, s1  }
0x8c: {  	s16 =	sshll.u32 s0, $0xA;
	s2 =	sadd.s32 s3, s2  }
0x8d: {  	s2 =	sadd.s32 s2, s16  }
0x8e: {  	[smem:$0x3FA6] =	sst s2  }
0x8f: {  	_ = 	snop  }
0x90: {  	(tm) =	ssettm $0x1  }
0x91: {  	s17 =	sld [smem:$0x3FFB];
	_ =	sdelay $0x3  }
0x92: {  	_ =	strace s17  }
0x93: {  	s2 =	sld [smem:$0x3FFC];
	_ =	sdelay $0x3  }
0x94: {  	_ =	strace s2  }
0x95: {  	s2 =	sld [smem:$0x3FFD];
	_ =	sdelay $0x3  }
0x96: {  	_ =	strace s2  }
0x97: {  	_ =	strace $0x8FFFFFFF  }
0x98: {  	s18 =	sld [smem:$0x3FDB];
	_ =	sdelay $0x1  }
0x99: {  	s19 =	simm.s32 $_scs_section_size  }
0x9a: {  	s4 =	simm.s32 $_size__tile_overlayer_lowered;
	s5 =	simm.s32 $_tile_overlayer_lowered  }
0x9b: {  	s22 =	simm.s32 $0x1BFF;
	s21 =	sshll.u32 s5, $0x1;
	s2 =	sadd.s32 s19, s18  }
0x9c: {  	s6 =	simm.s32 $0x0;
	s20 =	sshll.u32 s4, $0x1;
	s4 =	sadd.s32 s21, s2  }
0x9d: {  	[timem:s6], [sflag:s22] =	dma.local [hbm:s4], s20  }
0x9e: {  	_ =	swait.ge [sflag:s22], s20  }
0x9f: {  	s3 =	ssub.s32 $0x0, s20;
	[sflag:s22] =	ssyncset.done $0x0  }
0xa0: {  	[sflag:s22] =	ssyncadd.s32 s3;
	_ =	sdelay $0x1  }
0xa1: {  	s23 =	simm.s32 $0x1B8B  }
0xa2: {  	_ =	swait.ge [sflag:s23], $0x1  }
0xa3: {  	[sflag:s23] =	ssyncset.done $0x0  }
0xa4: {  	s25 =	simm.s32 $0x1B8E;
	s24 =	sld [smem:$0x3FFE];
	[sflag:s23] =	ssyncadd.s32 $0xFFFFFFFF  }
0xa5: {  	s26 =	simm.s32 $execute0_lowered;
	[smem:$0x3FD2] =	sst s25  }
0xa6: {  	s4 =	sshll.u32 s26, $0x1;
	_ =	strace $0x80000046;
	[dreg:$0x1] =	wrdreg $0xFFFFFFFF  }
0xa7: {  	s28 =	simm.s32 $_size_execute0_lowered;
	s2 =	sadd.s32 s2, s4;
	[dreg:$0x0] =	wrdreg $0x0  }
0xa8: {  	s4 =	sshll.u32 s28, $0x1;
	[dreg:$0x2] =	wrdreg s2  }
0xa9: {  	[dreg:$0x3] =	wrdreg s4  }
0xaa: {  	[dreg:$0x4] =	wrdreg $0xC0  }
0xab: {  	_ =	task [dreg:s6], $0x5FFFF  }
0xac: {  	[dreg:$0x1] =	wrdreg $0xFFFFFFFF  }
0xad: {  	[dreg:$0x0] =	wrdreg $0x60  }
0xae: {  	[dreg:$0x2] =	wrdreg s24  }
0xaf: {  	[dreg:$0x3] =	wrdreg $0x9  }
0xb0: {  	_ =	task.clear_ibuf [dreg:s6], $0x4FFFF;
	_ =	strace $0x90000046  }
0xb1: {  	s29 =	simm.s32 $0x9;
	_ =	strace $0x80000048  }
0xb2: {  	_ =	swait.ge [sflag:s29], $0x1  }
0xb3: {  	[sflag:s29] =	ssyncadd.s32 $0xFFFFFFFF  }
0xb4: {  	_ =	strace $0x90000048  }
0xb5: {  	_ =	sfence  }
0xb6: {  	s30 =	sld [smem:$0x0];
	_ =	sdelay $0x2  }
0xb7: {  	s31 =	sshll.u32 s1, $0xD;
	s1 =	sshrl.u32 s1, $0x2  }
0xb8: {  	s3 =	sand.u32 $0x4000, s31;
	s1 =	sadd.s32 s1, s30  }
0xb9: {  	s0 =	sor.u32 s3, s0;
	s1 =	sshll.u32 s1, $0x11  }
0xba: {  	s0 =	sor.u32 s1, s0  }
0xbb: {  	s0 =	sadd.s32 $0x8F2B, s0  }
0xbc: {  	[sflag:s0] =	ssyncadd.remote.s32 $0x1  }
0xbd: {  	_ =	sfence.sel $0xFFFF  }
0xbe: {  	[dreg:$0x0] =	wrdreg $0xFFFFFFFF;
	(pc) =	sbr.abs _section_cstart, $3  }
0xbf: {  	[dreg:$0x1] =	wrdreg $0xFFFFFFFF  }
0xc0: {  	_ =	task.clear_ibuf [dreg:s6], $0x2FFFF;
	_ =	strace $0x9FFFFFFF  }
0xc1: {  	(tm) =	ssettm $0x7FFFFFFF  }
tec
execute0_lowered:
.L_overlay_start_1:
0x0: {  	(tag) =	ssettag $0x1  }
0x1: {  	s0 =	rddreg [dreg:$0x0]  }
0x2: {  	s1 =	simm.s32 $0x0;
	s22 =	srdreg.scid;
	s4 =	stileid.u32  }
0x3: {  	s28 =	simm.s32 $0x5000;
	s30 =	simm.s32 $0xD000;
	s31 =	simm.s32 $0x1  }
0x4: {  	s29 =	simm.s32 $0x2;
	s20 =	simm.s32 $0x4;
	s21 =	simm.s32 $0x6  }
0x5: {  	s13 =	simm.s32 $0x10000;
	[smem:$0x7FF] =	sst s1;
	s2 =	sadd.s32 $0xCF400, s0  }
0x6: {  	s3 =	sadd.s32 $0x67E00, s0;
	s5 =	sadd.s32 $0x5E00, s0;
	s6 =	sadd.s32 $0xB6000, s0  }
0x7: {  	s7 =	sadd.s32 $0xE6E00, s0;
	s1 =	sand.u32 $0x1, s22;
	s8 =	sadd.s32 $0xD7200, s0  }
0x8: {  	s4 =	sshll.u32 s4, $0x9;
	s9 =	sadd.s32 $0xDF000, s0;
	s10 =	sshll.u32 s1, $0x8  }
0x9: {  	s22 =	simm.s32 $0x7;
	s1 =	ssub.s32 $0x2, s1;
	s4 =	sor.u32 s10, s4  }
0xa: {  	s11 =	sshrl.u32 s1, $0x1;
	s10 =	sadd.s32 s4, s0;
	s4 =	sshll.u32 s4, $0x6  }
0xb: {  	_ =	strace $0x80000047;
	s1 =	ssub.s32 s1, s11;
	s0 =	sadd.s32 s4, s0  }
0xc: {  	s23 =	sadd.s32 $0xC7400, s10;
	s19 =	smax.u32 s1, $0x1;
	s4 =	simm.s32 $0x5  }
0xd: {  	s1 =	simm.s32 $0x0;
	[dreg:$0x2] =	wrdreg s23;
	s24 =	sadd.s32 $0xEAE00, s0  }
0xe: {  	s25 =	sadd.s32 $0xECE00, s0;
	s26 =	sadd.s32 $0xEAE80, s0;
	s14 =	sadd.s32 $0xECE80, s0  }
0xf: {  	s15 =	sadd.s32 $0xEAF00, s0;
	s16 =	sadd.s32 $0xECF00, s0;
	[dreg:$0x3] =	wrdreg s24  }
0x10: {  	s17 =	sadd.s32 $0xEAF80, s0;
	s18 =	sadd.s32 $0xECF80, s0;
	[dreg:$0x4] =	wrdreg s25  }
0x11: {  	s23 =	simm.s32 $0x80;
	s0 =	simm.s32 $0x3;
	[dreg:$0x5] =	wrdreg s26  }
0x12: {  	s24 =	simm.s32 $0x1000;
	s25 =	simm.s32 $0x9000;
	s26 =	simm.s32 $0x400  }
.LBB2_1:
0x13: {  	s10 =	simm.s32 $0x0;
	s11 =	rddreg [dreg:$0x2];
	s12 =	simm.s32 $0x800  }
0x14: {  	[tilespmem:s10], [sflag:$0x7] =	stream.strided.gather [hbm4b:s11+s12], $0x1000, s13, s12, $0x38;
	[tilespmem:$0x11000] =	vst v63  }
0x15: {  	_ =	swait.ge [sflag:s22], $0x1000  }
0x16: {  	[sflag:s22] =	ssyncset.done $0x0  }
0x17: {  	[sflag:s22] =	ssyncadd.s32 $0xFFFFF000  }
0x18: {  	[tilespmem:s24], [sflag:$0x1] =	stream.indirect.gather [hbm4b:s2+s23], $0x80, s10, s23, $0xb8;
	[tilespmem:$0x11000] =	vst v63  }
0x19: {  	_ = 	snop  }
0x1a: {  	[tilespmem:s25], [sflag:$0x3] =	stream.indirect.gather [hbm4b:s3+s23], $0x80, s23, s23, $0xb8;
	[tilespmem:$0x11000] =	vst v63  }
0x1b: {  	_ = 	snop  }
0x1c: {  	[tilespmem:s28], [sflag:$0x2] =	stream.indirect.gather [hbm4b:s2+s23], $0x80, s26, s23, $0xb8;
	[tilespmem:$0x11000] =	vst v63  }
0x1d: {  	s12 =	simm.s32 $0x480  }
0x1e: {  	[tilespmem:s30], [sflag:$0x4] =	stream.indirect.gather [hbm4b:s3+s23], $0x80, s12, s23, $0xb8;
	[tilespmem:$0x11000] =	vst v63  }
0x1f: {  	_ =	swait.ge [sflag:s31], $0x4000  }
0x20: {  	[sflag:s31] =	ssyncset.done $0x0  }
0x21: {  	[sflag:s31] =	ssyncadd.s32 $0xFFFFC000  }
0x22: {  	_ =	swait.ge [sflag:s0], $0x4000  }
0x23: {  	[sflag:s0] =	ssyncset.done $0x0  }
0x24: {  	s10 =	simm.s32 $0x0;
	[sflag:s0] =	ssyncadd.s32 $0xFFFFC000  }
0x25: {  	v0 =	vld [tilespmem:s10+$0x9030]  }
0x26: {  	v1 =	vld [tilespmem:s10+$0x9000]  }
0x27: {  	v2 =	vld [tilespmem:s10+$0x9010]  }
0x28: {  	s11 =	simm.s32 $0x200;
	v3 =	vld [tilespmem:s10+$0x9020]  }
.LBB2_2:
0x29: {  	p0 =	sne.s32 s11, $0xFE00  }
.Ltmp0:
0x2a: {  	s12 =	sshra.s32 s11, $0x2;
	s11 =	sadd.s32 $0x200, s11;
	[tilespmem:s10+$0x1070] =	vst v0;
	(pc) =	sbr.rel @p0 .LBB2_2-.Ltmp0, $4  }
0x2b: {  	v0 =	vld [tilespmem:s12+$0x9030];
	[tilespmem:s10+$0x1040] =	vst v1  }
0x2c: {  	v1 =	vld [tilespmem:s12+$0x9000];
	[tilespmem:s10+$0x1050] =	vst v2  }
0x2d: {  	v2 =	vld [tilespmem:s12+$0x9010];
	[tilespmem:s10+$0x1060] =	vst v3;
	s10 =	smov.u32 s12  }
0x2e: {  	v3 =	vld [tilespmem:s10+$0x9020]  }
0x2f: {  	_ = 	snop  }
0x30: {  	[tilespmem:s10+$0x1070] =	vst v0  }
0x31: {  	[tilespmem:s10+$0x1040] =	vst v1  }
0x32: {  	[tilespmem:s10+$0x1050] =	vst v2  }
0x33: {  	s12 =	rddreg [dreg:$0x3];
	[tilespmem:s10+$0x1060] =	vst v3  }
0x34: {  	[hbm4b:s12+s26] =	stream.strided.scatter [tilespmem:s24], [sflag:$0x5], $0x4000, s24, s26, $0x38;
	[tilespmem:$0x11000] =	vst v63  }
0x35: {  	_ =	swait.ge [sflag:s4], $0x4000  }
0x36: {  	[sflag:s4] =	ssyncset.done $0x0  }
0x37: {  	s11 =	simm.s32 $0x100;
	[sflag:s4] =	ssyncadd.s32 $0xFFFFC000  }
0x38: {  	[tilespmem:s24], [sflag:$0x1] =	stream.indirect.gather [hbm4b:s5+s23], $0x80, s11, s23, $0xb8;
	[tilespmem:$0x11000] =	vst v63  }
0x39: {  	s12 =	simm.s32 $0x180  }
0x3a: {  	[tilespmem:s25], [sflag:$0x3] =	stream.indirect.gather [hbm4b:s6+s23], $0x80, s12, s23, $0xb8;
	[tilespmem:$0x11000] =	vst v63  }
0x3b: {  	_ =	swait.ge [sflag:s29], $0x4000  }
0x3c: {  	[sflag:s29] =	ssyncset.done $0x0  }
0x3d: {  	[sflag:s29] =	ssyncadd.s32 $0xFFFFC000  }
0x3e: {  	_ =	swait.ge [sflag:s20], $0x4000  }
0x3f: {  	[sflag:s20] =	ssyncset.done $0x0  }
0x40: {  	s10 =	simm.s32 $0x0;
	[sflag:s20] =	ssyncadd.s32 $0xFFFFC000  }
0x41: {  	v0 =	vld [tilespmem:s10+$0xD030]  }
0x42: {  	v1 =	vld [tilespmem:s10+$0xD000]  }
0x43: {  	v2 =	vld [tilespmem:s10+$0xD010]  }
0x44: {  	s11 =	simm.s32 $0x200;
	v3 =	vld [tilespmem:s10+$0xD020]  }
.LBB2_4:
0x45: {  	p0 =	sne.s32 s11, $0xFE00  }
.Ltmp1:
0x46: {  	s12 =	sshra.s32 s11, $0x2;
	s11 =	sadd.s32 $0x200, s11;
	[tilespmem:s10+$0x5070] =	vst v0;
	(pc) =	sbr.rel @p0 .LBB2_4-.Ltmp1, $4  }
0x47: {  	v0 =	vld [tilespmem:s12+$0xD030];
	[tilespmem:s10+$0x5040] =	vst v1  }
0x48: {  	v1 =	vld [tilespmem:s12+$0xD000];
	[tilespmem:s10+$0x5050] =	vst v2  }
0x49: {  	v2 =	vld [tilespmem:s12+$0xD010];
	[tilespmem:s10+$0x5060] =	vst v3;
	s10 =	smov.u32 s12  }
0x4a: {  	v3 =	vld [tilespmem:s10+$0xD020]  }
0x4b: {  	_ = 	snop  }
0x4c: {  	[tilespmem:s10+$0x5070] =	vst v0  }
0x4d: {  	[tilespmem:s10+$0x5040] =	vst v1  }
0x4e: {  	[tilespmem:s10+$0x5050] =	vst v2  }
0x4f: {  	s12 =	rddreg [dreg:$0x4];
	[tilespmem:s10+$0x5060] =	vst v3  }
0x50: {  	[hbm4b:s12+s26] =	stream.strided.scatter [tilespmem:s28], [sflag:$0x6], $0x4000, s24, s26, $0x38;
	[tilespmem:$0x11000] =	vst v63  }
0x51: {  	_ =	swait.ge [sflag:s21], $0x4000  }
0x52: {  	[sflag:s21] =	ssyncset.done $0x0  }
0x53: {  	s11 =	simm.s32 $0x500;
	[sflag:s21] =	ssyncadd.s32 $0xFFFFC000  }
0x54: {  	[tilespmem:s28], [sflag:$0x2] =	stream.indirect.gather [hbm4b:s5+s23], $0x80, s11, s23, $0xb8;
	[tilespmem:$0x11000] =	vst v63  }
0x55: {  	s12 =	simm.s32 $0x580  }
0x56: {  	[tilespmem:s30], [sflag:$0x4] =	stream.indirect.gather [hbm4b:s6+s23], $0x80, s12, s23, $0xb8;
	[tilespmem:$0x11000] =	vst v63  }
0x57: {  	_ =	swait.ge [sflag:s31], $0x4000  }
0x58: {  	[sflag:s31] =	ssyncset.done $0x0  }
0x59: {  	[sflag:s31] =	ssyncadd.s32 $0xFFFFC000  }
0x5a: {  	_ =	swait.ge [sflag:s0], $0x4000  }
0x5b: {  	[sflag:s0] =	ssyncset.done $0x0  }
0x5c: {  	s10 =	simm.s32 $0x0;
	[sflag:s0] =	ssyncadd.s32 $0xFFFFC000  }
0x5d: {  	v0 =	vld [tilespmem:s10+$0x9030]  }
0x5e: {  	v1 =	vld [tilespmem:s10+$0x9000]  }
0x5f: {  	v2 =	vld [tilespmem:s10+$0x9010]  }
0x60: {  	s11 =	simm.s32 $0x200;
	v3 =	vld [tilespmem:s10+$0x9020]  }
.LBB2_6:
0x61: {  	p0 =	sne.s32 s11, $0xFE00  }
.Ltmp2:
0x62: {  	s12 =	sshra.s32 s11, $0x2;
	s11 =	sadd.s32 $0x200, s11;
	[tilespmem:s10+$0x1070] =	vst v0;
	(pc) =	sbr.rel @p0 .LBB2_6-.Ltmp2, $4  }
0x63: {  	v0 =	vld [tilespmem:s12+$0x9030];
	[tilespmem:s10+$0x1040] =	vst v1  }
0x64: {  	v1 =	vld [tilespmem:s12+$0x9000];
	[tilespmem:s10+$0x1050] =	vst v2  }
0x65: {  	v2 =	vld [tilespmem:s12+$0x9010];
	[tilespmem:s10+$0x1060] =	vst v3;
	s10 =	smov.u32 s12  }
0x66: {  	v3 =	vld [tilespmem:s10+$0x9020]  }
0x67: {  	_ = 	snop  }
0x68: {  	[tilespmem:s10+$0x1070] =	vst v0  }
0x69: {  	[tilespmem:s10+$0x1040] =	vst v1  }
0x6a: {  	[tilespmem:s10+$0x1050] =	vst v2  }
0x6b: {  	s12 =	rddreg [dreg:$0x5];
	[tilespmem:s10+$0x1060] =	vst v3  }
0x6c: {  	[hbm4b:s12+s26] =	stream.strided.scatter [tilespmem:s24], [sflag:$0x5], $0x4000, s24, s26, $0x38;
	[tilespmem:$0x11000] =	vst v63  }
0x6d: {  	_ =	swait.ge [sflag:s4], $0x4000  }
0x6e: {  	[sflag:s4] =	ssyncset.done $0x0  }
0x6f: {  	s11 =	simm.s32 $0x200;
	[sflag:s4] =	ssyncadd.s32 $0xFFFFC000  }
0x70: {  	[tilespmem:s24], [sflag:$0x1] =	stream.indirect.gather [hbm4b:s7+s23], $0x80, s11, s23, $0xb8;
	[tilespmem:$0x11000] =	vst v63  }
0x71: {  	s12 =	simm.s32 $0x280  }
0x72: {  	[tilespmem:s25], [sflag:$0x3] =	stream.indirect.gather [hbm4b:s8+s23], $0x80, s12, s23, $0xb8;
	[tilespmem:$0x11000] =	vst v63  }
0x73: {  	_ =	swait.ge [sflag:s29], $0x4000  }
0x74: {  	[sflag:s29] =	ssyncset.done $0x0  }
0x75: {  	[sflag:s29] =	ssyncadd.s32 $0xFFFFC000  }
0x76: {  	_ =	swait.ge [sflag:s20], $0x4000  }
0x77: {  	[sflag:s20] =	ssyncset.done $0x0  }
0x78: {  	s10 =	simm.s32 $0x0;
	[sflag:s20] =	ssyncadd.s32 $0xFFFFC000  }
0x79: {  	v0 =	vld [tilespmem:s10+$0xD030]  }
0x7a: {  	v1 =	vld [tilespmem:s10+$0xD000]  }
0x7b: {  	v2 =	vld [tilespmem:s10+$0xD010]  }
0x7c: {  	s11 =	simm.s32 $0x200;
	v3 =	vld [tilespmem:s10+$0xD020]  }
.LBB2_8:
0x7d: {  	p0 =	sne.s32 s11, $0xFE00  }
.Ltmp3:
0x7e: {  	s12 =	sshra.s32 s11, $0x2;
	s11 =	sadd.s32 $0x200, s11;
	[tilespmem:s10+$0x5070] =	vst v0;
	(pc) =	sbr.rel @p0 .LBB2_8-.Ltmp3, $4  }
0x7f: {  	v0 =	vld [tilespmem:s12+$0xD030];
	[tilespmem:s10+$0x5040] =	vst v1  }
0x80: {  	v1 =	vld [tilespmem:s12+$0xD000];
	[tilespmem:s10+$0x5050] =	vst v2  }
0x81: {  	v2 =	vld [tilespmem:s12+$0xD010];
	[tilespmem:s10+$0x5060] =	vst v3;
	s10 =	smov.u32 s12  }
0x82: {  	v3 =	vld [tilespmem:s10+$0xD020]  }
0x83: {  	_ = 	snop  }
0x84: {  	[tilespmem:s10+$0x5070] =	vst v0  }
0x85: {  	[tilespmem:s10+$0x5040] =	vst v1  }
0x86: {  	[tilespmem:s10+$0x5050] =	vst v2  }
0x87: {  	[tilespmem:s10+$0x5060] =	vst v3  }
0x88: {  	[hbm4b:s14+s26] =	stream.strided.scatter [tilespmem:s28], [sflag:$0x6], $0x4000, s24, s26, $0x38;
	[tilespmem:$0x11000] =	vst v63  }
0x89: {  	_ =	swait.ge [sflag:s21], $0x4000  }
0x8a: {  	[sflag:s21] =	ssyncset.done $0x0  }
0x8b: {  	s11 =	simm.s32 $0x600;
	[sflag:s21] =	ssyncadd.s32 $0xFFFFC000  }
0x8c: {  	[tilespmem:s28], [sflag:$0x2] =	stream.indirect.gather [hbm4b:s7+s23], $0x80, s11, s23, $0xb8;
	[tilespmem:$0x11000] =	vst v63  }
0x8d: {  	s12 =	simm.s32 $0x680  }
0x8e: {  	[tilespmem:s30], [sflag:$0x4] =	stream.indirect.gather [hbm4b:s8+s23], $0x80, s12, s23, $0xb8;
	[tilespmem:$0x11000] =	vst v63  }
0x8f: {  	_ =	swait.ge [sflag:s31], $0x4000  }
0x90: {  	[sflag:s31] =	ssyncset.done $0x0  }
0x91: {  	[sflag:s31] =	ssyncadd.s32 $0xFFFFC000  }
0x92: {  	_ =	swait.ge [sflag:s0], $0x4000  }
0x93: {  	[sflag:s0] =	ssyncset.done $0x0  }
0x94: {  	s10 =	simm.s32 $0x0;
	[sflag:s0] =	ssyncadd.s32 $0xFFFFC000  }
0x95: {  	v0 =	vld [tilespmem:s10+$0x9030]  }
0x96: {  	v1 =	vld [tilespmem:s10+$0x9000]  }
0x97: {  	v2 =	vld [tilespmem:s10+$0x9010]  }
0x98: {  	s11 =	simm.s32 $0x200;
	v3 =	vld [tilespmem:s10+$0x9020]  }
.LBB2_10:
0x99: {  	p0 =	sne.s32 s11, $0xFE00  }
.Ltmp4:
0x9a: {  	s12 =	sshra.s32 s11, $0x2;
	s11 =	sadd.s32 $0x200, s11;
	[tilespmem:s10+$0x1070] =	vst v0;
	(pc) =	sbr.rel @p0 .LBB2_10-.Ltmp4, $4  }
0x9b: {  	v0 =	vld [tilespmem:s12+$0x9030];
	[tilespmem:s10+$0x1040] =	vst v1  }
0x9c: {  	v1 =	vld [tilespmem:s12+$0x9000];
	[tilespmem:s10+$0x1050] =	vst v2  }
0x9d: {  	v2 =	vld [tilespmem:s12+$0x9010];
	[tilespmem:s10+$0x1060] =	vst v3;
	s10 =	smov.u32 s12  }
0x9e: {  	v3 =	vld [tilespmem:s10+$0x9020]  }
0x9f: {  	_ = 	snop  }
0xa0: {  	[tilespmem:s10+$0x1070] =	vst v0  }
0xa1: {  	[tilespmem:s10+$0x1040] =	vst v1  }
0xa2: {  	[tilespmem:s10+$0x1050] =	vst v2  }
0xa3: {  	[tilespmem:s10+$0x1060] =	vst v3  }
0xa4: {  	[hbm4b:s15+s26] =	stream.strided.scatter [tilespmem:s24], [sflag:$0x5], $0x4000, s24, s26, $0x38;
	[tilespmem:$0x11000] =	vst v63  }
0xa5: {  	_ =	swait.ge [sflag:s4], $0x4000  }
0xa6: {  	[sflag:s4] =	ssyncset.done $0x0  }
0xa7: {  	s12 =	simm.s32 $0x300;
	[sflag:s4] =	ssyncadd.s32 $0xFFFFC000  }
0xa8: {  	[tilespmem:s24], [sflag:$0x1] =	stream.indirect.gather [hbm4b:s9+s23], $0x80, s12, s23, $0xb8;
	[tilespmem:$0x11000] =	vst v63  }
0xa9: {  	_ =	swait.ge [sflag:s29], $0x4000  }
0xaa: {  	[sflag:s29] =	ssyncset.done $0x0  }
0xab: {  	[sflag:s29] =	ssyncadd.s32 $0xFFFFC000  }
0xac: {  	_ =	swait.ge [sflag:s20], $0x4000  }
0xad: {  	[sflag:s20] =	ssyncset.done $0x0  }
0xae: {  	s10 =	simm.s32 $0x0;
	[sflag:s20] =	ssyncadd.s32 $0xFFFFC000  }
0xaf: {  	v0 =	vld [tilespmem:s10+$0xD030]  }
0xb0: {  	v1 =	vld [tilespmem:s10+$0xD000]  }
0xb1: {  	v2 =	vld [tilespmem:s10+$0xD010]  }
0xb2: {  	s11 =	simm.s32 $0x200;
	v3 =	vld [tilespmem:s10+$0xD020]  }
.LBB2_12:
0xb3: {  	p0 =	sne.s32 s11, $0xFE00  }
.Ltmp5:
0xb4: {  	s12 =	sshra.s32 s11, $0x2;
	s11 =	sadd.s32 $0x200, s11;
	[tilespmem:s10+$0x5070] =	vst v0;
	(pc) =	sbr.rel @p0 .LBB2_12-.Ltmp5, $4  }
0xb5: {  	v0 =	vld [tilespmem:s12+$0xD030];
	[tilespmem:s10+$0x5040] =	vst v1  }
0xb6: {  	v1 =	vld [tilespmem:s12+$0xD000];
	[tilespmem:s10+$0x5050] =	vst v2  }
0xb7: {  	v2 =	vld [tilespmem:s12+$0xD010];
	[tilespmem:s10+$0x5060] =	vst v3;
	s10 =	smov.u32 s12  }
0xb8: {  	v3 =	vld [tilespmem:s10+$0xD020]  }
0xb9: {  	_ = 	snop  }
0xba: {  	[tilespmem:s10+$0x5070] =	vst v0  }
0xbb: {  	[tilespmem:s10+$0x5040] =	vst v1  }
0xbc: {  	[tilespmem:s10+$0x5050] =	vst v2  }
0xbd: {  	[tilespmem:s10+$0x5060] =	vst v3  }
0xbe: {  	[hbm4b:s16+s26] =	stream.strided.scatter [tilespmem:s28], [sflag:$0x6], $0x4000, s24, s26, $0x38;
	[tilespmem:$0x11000] =	vst v63  }
0xbf: {  	_ =	swait.ge [sflag:s21], $0x4000  }
0xc0: {  	[sflag:s21] =	ssyncset.done $0x0  }
0xc1: {  	s12 =	simm.s32 $0x700;
	[sflag:s21] =	ssyncadd.s32 $0xFFFFC000  }
0xc2: {  	[tilespmem:s28], [sflag:$0x2] =	stream.indirect.gather [hbm4b:s9+s23], $0x80, s12, s23, $0xb8;
	[tilespmem:$0x11000] =	vst v63  }
0xc3: {  	_ =	swait.ge [sflag:s31], $0x4000  }
0xc4: {  	[sflag:s31] =	ssyncset.done $0x0  }
0xc5: {  	[sflag:s31] =	ssyncadd.s32 $0xFFFFC000  }
0xc6: {  	[hbm4b:s17+s26] =	stream.strided.scatter [tilespmem:s24], [sflag:$0x5], $0x4000, s24, s26, $0x38;
	[tilespmem:$0x11000] =	vst v63  }
0xc7: {  	_ =	swait.ge [sflag:s29], $0x4000  }
0xc8: {  	[sflag:s29] =	ssyncset.done $0x0  }
0xc9: {  	s1 =	sadd.s32 $0x1, s1;
	[sflag:s29] =	ssyncadd.s32 $0xFFFFC000  }
0xca: {  	[hbm4b:s18+s26] =	stream.strided.scatter [tilespmem:s28], [sflag:$0x6], $0x4000, s24, s26, $0x38;
	[tilespmem:$0x11000] =	vst v63  }
0xcb: {  	p0 =	sne.s32 s1, s19;
	_ =	swait.ge [sflag:s4], $0x4000  }
.Ltmp6:
0xcc: {  	[sflag:s4] =	ssyncset.done $0x0;
	(pc) =	sbr.rel @p0 .LBB2_1-.Ltmp6, $4  }
0xcd: {  	[sflag:s4] =	ssyncadd.s32 $0xFFFFC000  }
0xce: {  	_ =	swait.ge [sflag:s21], $0x4000  }
0xcf: {  	[sflag:s21] =	ssyncset.done $0x0  }
0xd0: {  	[sflag:s21] =	ssyncadd.s32 $0xFFFFC000  }
0xd1: {  	_ =	sfence.sel $0x180000  }
0xd2: {  	[bflag:$0x0] =	sbarrier.arrive $0xFFFF  }
0xd3: {  	_ =	strace $0x90000047  }
0xd4: {  	s0 =	stileid.u32;
	[bflag:$0x2] =	sbarrier.arrive $0xFFFF  }
0xd5: {  	p0 =	sne.s32 s0, $0x0;
	s0 =	rddreg [dreg:$0x1]  }
0xd6: {  	s0 =	sadd.s32 @!p0 $0x100000, s0  }
0xd7: {  	[sflag:s0] =	ssyncadd.tile.s32 @!p0 $0x1;
	_ =	shalt  }
.Lfunc_end2:
_tile_overlayer_lowered:
.L_overlay_start_2:
0xd8: {  	(tag) =	ssettag $0x2  }
0xd9: {  	s0 =	rddreg [dreg:$0x0];
	s2 =	stileid.u32  }
0xda: {  	s1 =	rddreg [dreg:$0x1];
	p0 =	sne.s32 s2, $0x0  }
0xdb: {  	s3 =	rddreg [dreg:$0x2];
	[bflag:$0x3] =	sbarrier.arrive $0xFFFF;
	s2 =	simm.s32 @!p0 $0x1C08  }
0xdc: {  	[timem:s3], [sflag:s2] =	dma.local @!p0 [hbm:s0], s1  }
0xdd: {  	s0 =	simm.s32 @!p0 $0x8  }
0xde: {  	_ =	swait.ge @!p0 [sflag:s0], s1  }
0xdf: {  	s1 =	ssub.s32 @!p0 $0x0, s1;
	[sflag:s0] =	ssyncset.done @!p0 $0x0  }
0xe0: {  	[sflag:s0] =	ssyncadd.s32 @!p0 s1  }
0xe1: {  	[bflag:$0x3] =	sbarrier.arrive $0xFFFF  }
0xe2: {  	_ =	shalt  }

// kernel: kernel.9.cloned.1.call-start
scs
__scs_entry_jumppad:
0x0: {  	(pc) =	sbr.rel $0x88, $3  }
0x1: {  	(tag) =	ssettag $0x0;
	lr =	simm.s32 $0x1  }
0x2: {  	[smem:$0x3F7F] =	sst lr;
	_ =	strace $0xD0000000  }
0x3: {  	_ = 	snop  }
0x4: {  	_ = 	snop  }
0x5: {  	_ = 	snop  }
0x6: {  	_ = 	snop  }
0x7: {  	_ = 	snop  }
__scs_overlays_trampoline_lowered:
0x8: {  	[smem:$0x3F8E] =	sst s0  }
0x9: {  	[smem:$0x3F8F] =	sst s1  }
0xa: {  	[smem:$0x3F90] =	sst s2  }
0xb: {  	[smem:$0x3F91] =	sst s3  }
0xc: {  	[smem:$0x3F92] =	sst s4  }
0xd: {  	[smem:$0x3F93] =	sst s5  }
0xe: {  	[smem:$0x3F94] =	sst s6  }
0xf: {  	[smem:$0x3F95] =	sst s7  }
0x10: {  	[smem:$0x3F96] =	sst s8  }
0x11: {  	[smem:$0x3F97] =	sst s9;
	s0 =	simm.s32 @!p0 $0x0  }
0x12: {  	s1 =	sld [smem:$0x3F7D];
	s0 =	simm.s32 @p0 $0x1  }
0x13: {  	[smem:$0x3F98] =	sst s0;
	s0 =	simm.s32 @!p1 $0x0  }
0x14: {  	s2 =	sld [smem:$0x3F7C];
	s0 =	simm.s32 @p1 $0x1  }
0x15: {  	[smem:$0x3F99] =	sst s0;
	s0 =	simm.s32 @!p2 $0x0  }
0x16: {  	s3 =	sld [smem:$0x3FDB];
	s0 =	simm.s32 @p2 $0x1  }
0x17: {  	s4 =	simm.s32 $0x1BF5;
	[smem:$0x3F9B] =	sst s0  }
0x18: {  	s0 =	sld [smem:$0x3F7E];
	_ =	swait.ge [sflag:s4], $0x0  }
0x19: {  	s7 =	sld [smem:$0x3F7F]  }
0x1a: {  	s8 =	sadd.s32 $0xFFFFE003, lr  }
0x1b: {  	s9 =	sadd.s32 $0xFFFFFEF7, lr;
	s5 =	simm.s32 $0xFFFFFFFF;
	p2 =	slt.u32 s8, $0xFFFFF086  }
0x1c: {  	p1 =	slt.u32 s9, $0xF7A;
	s5 =	simm.s32 @!p2 $0x0  }
0x1d: {  	s5 =	simm.s32 @p1 $0x1;
	p0 =	seq.s32 s7, s2  }
0x1e: {  	s7 =	smul.u32 @!p0 $0xF7A, s2;
	p2 =	seq.s32 @!p0 s5, $0x0  }
0x1f: {  	s9 =	smul.u32 $0xF7A, s1;
	s8 =	simm.s32 @!p0 $0x1BF5;
	p2 =	por !p2, p0  }
0x20: {  	[sflag:s8] =	ssyncset.s32 @!p0 $0xFFFFF086;
	s6 =	sadd.s32 @!p0 s3, s7;
	s7 =	simm.s32 @!p0 $0x108  }
0x21: {  	s3 =	sadd.s32 s3, s9;
	s6 =	sadd.s32 @!p0 $0x88, s6;
	s7 =	simm.s32 @p2 $0x1082  }
0x22: {  	[simem:s7], [sflag:s8] =	dma.local @!p0 [hbm:s6], $0xF7A  }
0x23: {  	s9 =	sor.u32 $0xD0000000, s2;
	s6 =	simm.s32 $0x108;
	_ =	swait.ge @!p0 [sflag:s8], $0x0  }
0x24: {  	s3 =	sadd.s32 $0x88, s3;
	s6 =	simm.s32 @!p1 $0x1082;
	[sflag:s4] =	ssyncset.s32 $0xFFFFF086  }
0x25: {  	[simem:s6], [sflag:s4] =	dma.local [hbm:s3], $0xF7A  }
0x26: {  	[smem:$0x3F7F] =	sst s1;
	(tag) =	ssettag s2;
	_ =	strace s9  }
0x27: {  	s1 =	sld [smem:$0x3F8F]  }
0x28: {  	s2 =	sld [smem:$0x3F90]  }
0x29: {  	s4 =	sld [smem:$0x3F92]  }
0x2a: {  	p0 =	seq.s32 s5, $0x0;
	s5 =	sld [smem:$0x3F93]  }
0x2b: {  	s6 =	sld [smem:$0x3F94]  }
0x2c: {  	s7 =	sld [smem:$0x3F95]  }
0x2d: {  	s3 =	simm.s32 $0x108;
	s8 =	sld [smem:$0x3F96]  }
0x2e: {  	s3 =	simm.s32 @!p0 $0x1082;
	s9 =	sld [smem:$0x3F97]  }
0x2f: {  	lr =	sadd.s32 s0, s3;
	s0 =	sld [smem:$0x3F8E]  }
0x30: {  	s3 =	sld [smem:$0x3F91]  }
0x31: {  	[smem:$0x3F9A] =	sst s10  }
0x32: {  	s10 =	sld [smem:$0x3F98];
	_ =	sdelay $0x3  }
0x33: {  	p0 =	seq.s32 s10, $0x1;
	s10 =	sld [smem:$0x3F9A];
	_ =	sdelay $0x3  }
0x34: {  	[smem:$0x3F9A] =	sst s10  }
0x35: {  	s10 =	sld [smem:$0x3F99];
	_ =	sdelay $0x3  }
0x36: {  	p1 =	seq.s32 s10, $0x1;
	s10 =	sld [smem:$0x3F9A];
	_ =	sdelay $0x3  }
0x37: {  	[smem:$0x3F9A] =	sst s10  }
0x38: {  	s10 =	sld [smem:$0x3F9B]  }
0x39: {  	_ = 	snop;
	(pc) =	sbr.ind lr, $3  }
0x3a: {  	_ = 	snop  }
0x3b: {  	_ = 	snop  }
0x3c: {  	p2 =	seq.s32 s10, $0x1;
	s10 =	sld [smem:$0x3F9A]  }
0x3d: {  	_ =	shalt  }
0x3e: {  	_ =	shalt  }
0x3f: {  	_ =	shalt  }
0x40: {  	_ =	shalt  }
0x41: {  	_ =	shalt  }
0x42: {  	_ =	shalt  }
0x43: {  	_ =	shalt  }
0x44: {  	_ =	shalt  }
0x45: {  	_ =	shalt  }
0x46: {  	_ =	shalt  }
0x47: {  	_ =	shalt  }
0x48: {  	_ =	shalt  }
0x49: {  	_ =	shalt  }
0x4a: {  	_ =	shalt  }
0x4b: {  	_ =	shalt  }
0x4c: {  	_ =	shalt  }
0x4d: {  	_ =	shalt  }
0x4e: {  	_ =	shalt  }
0x4f: {  	_ =	shalt  }
0x50: {  	_ =	shalt  }
0x51: {  	_ =	shalt  }
0x52: {  	_ =	shalt  }
0x53: {  	_ =	shalt  }
0x54: {  	_ =	shalt  }
0x55: {  	_ =	shalt  }
0x56: {  	_ =	shalt  }
0x57: {  	_ =	shalt  }
0x58: {  	_ =	shalt  }
0x59: {  	_ =	shalt  }
0x5a: {  	_ =	shalt  }
0x5b: {  	_ =	shalt  }
0x5c: {  	_ =	shalt  }
0x5d: {  	_ =	shalt  }
0x5e: {  	_ =	shalt  }
0x5f: {  	_ =	shalt  }
0x60: {  	_ =	shalt  }
0x61: {  	_ =	shalt  }
0x62: {  	_ =	shalt  }
0x63: {  	_ =	shalt  }
0x64: {  	_ =	shalt  }
0x65: {  	_ =	shalt  }
0x66: {  	_ =	shalt  }
0x67: {  	_ =	shalt  }
0x68: {  	_ =	shalt  }
0x69: {  	_ =	shalt  }
0x6a: {  	_ =	shalt  }
0x6b: {  	_ =	shalt  }
0x6c: {  	_ =	shalt  }
0x6d: {  	_ =	shalt  }
0x6e: {  	_ =	shalt  }
0x6f: {  	_ =	shalt  }
0x70: {  	_ =	shalt  }
0x71: {  	_ =	shalt  }
0x72: {  	_ =	shalt  }
0x73: {  	_ =	shalt  }
0x74: {  	_ =	shalt  }
0x75: {  	_ =	shalt  }
0x76: {  	_ =	shalt  }
0x77: {  	_ =	shalt  }
0x78: {  	_ =	shalt  }
0x79: {  	_ =	shalt  }
0x7a: {  	_ =	shalt  }
0x7b: {  	_ =	shalt  }
0x7c: {  	_ =	shalt  }
0x7d: {  	_ =	shalt  }
0x7e: {  	_ =	shalt  }
0x7f: {  	_ =	shalt  }
0x80: {  	_ =	shalt  }
0x81: {  	_ =	shalt  }
0x82: {  	_ =	shalt  }
0x83: {  	_ =	shalt  }
0x84: {  	_ =	shalt  }
0x85: {  	_ =	shalt  }
0x86: {  	_ =	shalt  }
0x87: {  	_ =	shalt  }
.Lfunc_end0:
.L_simem_size_0:
called_computation.1_lowered:
.L_overlay_start_0:
0x88: {  	s2 =	sld [smem:$0x3FD9]  }
0x89: {  	s3 =	sld [smem:$0x3FFE];
	_ =	sdelay $0x1  }
0x8a: {  	s1 =	srdreg.scid  }
0x8b: {  	s0 =	sand.u32 $0x1, s1  }
0x8c: {  	s17 =	sshll.u32 s0, $0xA;
	s2 =	sadd.s32 s3, s2  }
0x8d: {  	s2 =	sadd.s32 s2, s17  }
0x8e: {  	[smem:$0x3FA6] =	sst s2  }
0x8f: {  	_ = 	snop  }
0x90: {  	(tm) =	ssettm $0x1  }
0x91: {  	s18 =	sld [smem:$0x3FFB];
	_ =	sdelay $0x3  }
0x92: {  	_ =	strace s18  }
0x93: {  	s2 =	sld [smem:$0x3FFC];
	_ =	sdelay $0x3  }
0x94: {  	_ =	strace s2  }
0x95: {  	s2 =	sld [smem:$0x3FFD];
	_ =	sdelay $0x3  }
0x96: {  	_ =	strace s2  }
0x97: {  	_ =	strace $0x8FFFFFFF  }
0x98: {  	s19 =	sld [smem:$0x3FDB];
	_ =	sdelay $0x1  }
0x99: {  	s20 =	simm.s32 $_scs_section_size  }
0x9a: {  	s4 =	simm.s32 $_size__tile_overlayer_lowered;
	s5 =	simm.s32 $_tile_overlayer_lowered  }
0x9b: {  	s6 =	simm.s32 $0x1BFF;
	s21 =	sshll.u32 s5, $0x1;
	s3 =	sadd.s32 s20, s19  }
0x9c: {  	s22 =	simm.s32 $0x0;
	s4 =	sshll.u32 s4, $0x1;
	s5 =	sadd.s32 s21, s3  }
0x9d: {  	[timem:s22], [sflag:s6] =	dma.local [hbm:s5], s4  }
0x9e: {  	_ =	swait.ge [sflag:s6], s4  }
0x9f: {  	s4 =	ssub.s32 $0x0, s4;
	[sflag:s6] =	ssyncset.done $0x0  }
0xa0: {  	[sflag:s6] =	ssyncadd.s32 s4;
	_ =	sdelay $0x1  }
0xa1: {  	s23 =	simm.s32 $0x1B8B  }
0xa2: {  	_ =	swait.ge [sflag:s23], $0x1  }
0xa3: {  	[sflag:s23] =	ssyncset.done $0x0  }
0xa4: {  	[sflag:s23] =	ssyncadd.s32 $0xFFFFFFFF  }
0xa5: {  	s4 =	sld [smem:$0x0]  }
0xa6: {  	s5 =	sand.u32 $0xFFFFFFFE, s1  }
0xa7: {  	p0 =	sne.s32 s1, s5  }
0xa8: {  	s5 =	sshll.u32 @p0 s5, $0xE  }
0xa9: {  	s5 =	sadd.s32 @p0 $0x11B8D, s5;
	s6 =	sshll.u32 @p0 s4, $0x11  }
0xaa: {  	s5 =	sor.u32 @p0 s6, s5  }
0xab: {  	[sflag:s5] =	ssyncadd.remote.s32 @p0 $0x1;
	_ =	sdelay $0x1  }
0xac: {  	s5 =	simm.s32 @p0 $0x1B8D  }
0xad: {  	_ =	swait.eq @p0 [sflag:s5], $0x1  }
0xae: {  	[sflag:s5] =	ssyncadd.s32 @p0 $0xFFFFFFFF  }
0xaf: {  	s6 =	sshll.u32 @!p0 s1, $0xE  }
0xb0: {  	s6 =	sor.u32 @!p0 $0x4000, s6;
	s5 =	simm.s32 @!p0 $0x1B8D  }
0xb1: {  	s4 =	sshll.u32 @!p0 s4, $0x11;
	s6 =	sadd.s32 @!p0 $0x11B8D, s6;
	_ =	swait.eq @!p0 [sflag:s5], $0x1  }
0xb2: {  	s4 =	sor.u32 @!p0 s4, s6;
	[sflag:s5] =	ssyncadd.s32 @!p0 $0xFFFFFFFF  }
0xb3: {  	s25 =	simm.s32 $0x1B8E;
	s24 =	sld [smem:$0x3FFE];
	[sflag:s4] =	ssyncadd.remote.s32 @!p0 $0x1  }
0xb4: {  	s26 =	simm.s32 $execute0_lowered;
	[smem:$0x3FD2] =	sst s25  }
0xb5: {  	s5 =	sshll.u32 s26, $0x1;
	_ =	strace $0x80000049;
	[dreg:$0x1] =	wrdreg $0xFFFFFFFF  }
0xb6: {  	s28 =	simm.s32 $_size_execute0_lowered;
	s3 =	sadd.s32 s3, s5;
	[dreg:$0x0] =	wrdreg $0x0  }
0xb7: {  	s5 =	sshll.u32 s28, $0x1;
	[dreg:$0x2] =	wrdreg s3  }
0xb8: {  	[dreg:$0x3] =	wrdreg s5  }
0xb9: {  	[dreg:$0x4] =	wrdreg $0xC0  }
0xba: {  	_ =	task [dreg:s22], $0x5FFFF  }
0xbb: {  	[dreg:$0x1] =	wrdreg $0xFFFFFFFF  }
0xbc: {  	[dreg:$0x0] =	wrdreg $0x60  }
0xbd: {  	[dreg:$0x2] =	wrdreg s24  }
0xbe: {  	[dreg:$0x3] =	wrdreg $0xA  }
0xbf: {  	_ =	task.clear_ibuf [dreg:s22], $0x4FFFF;
	_ =	strace $0x90000049  }
0xc0: {  	s29 =	simm.s32 $0xA;
	_ =	strace $0x8000004B  }
0xc1: {  	_ =	swait.ge [sflag:s29], $0x1  }
0xc2: {  	[sflag:s29] =	ssyncadd.s32 $0xFFFFFFFF  }
0xc3: {  	_ =	strace $0x9000004B  }
0xc4: {  	_ =	sfence  }
0xc5: {  	s30 =	sld [smem:$0x0];
	_ =	sdelay $0x2  }
0xc6: {  	s31 =	sshll.u32 s1, $0xD;
	s1 =	sshrl.u32 s1, $0x2  }
0xc7: {  	s4 =	sand.u32 $0x4000, s31;
	s1 =	sadd.s32 s1, s30  }
0xc8: {  	s0 =	sor.u32 s4, s0;
	s1 =	sshll.u32 s1, $0x11  }
0xc9: {  	s0 =	sor.u32 s1, s0  }
0xca: {  	s0 =	sadd.s32 $0x8F2B, s0  }
0xcb: {  	[sflag:s0] =	ssyncadd.remote.s32 $0x1  }
0xcc: {  	_ =	sfence.sel $0xFFFF  }
0xcd: {  	[dreg:$0x0] =	wrdreg $0xFFFFFFFF;
	(pc) =	sbr.abs _section_cstart, $3  }
0xce: {  	[dreg:$0x1] =	wrdreg $0xFFFFFFFF  }
0xcf: {  	_ =	task.clear_ibuf [dreg:s22], $0x2FFFF;
	_ =	strace $0x9FFFFFFF  }
0xd0: {  	(tm) =	ssettm $0x7FFFFFFF  }
0xd1: {  	_ =	shalt  }
tec
execute0_lowered:
.L_overlay_start_1:
0x0: {  	(tag) =	ssettag $0x1  }
0x1: {  	s0 =	rddreg [dreg:$0x0]  }
0x2: {  	s1 =	simm.s32 $0x0;
	s21 =	srdreg.scid;
	s2 =	stileid.u32  }
0x3: {  	s28 =	simm.s32 $0x5000;
	s30 =	simm.s32 $0xD000;
	s31 =	simm.s32 $0x1  }
0x4: {  	s29 =	simm.s32 $0x2;
	s20 =	simm.s32 $0x4;
	s13 =	simm.s32 $0x10000  }
0x5: {  	[smem:$0x7FF] =	sst s1;
	s3 =	sadd.s32 $0xCF400, s0;
	s4 =	sadd.s32 $0x67E00, s0  }
0x6: {  	s1 =	sand.u32 $0x1, s21;
	s5 =	sadd.s32 $0x5E00, s0;
	s2 =	sshll.u32 s2, $0x9  }
0x7: {  	s6 =	sadd.s32 $0xB6000, s0;
	s7 =	sadd.s32 $0xE6E00, s0;
	s9 =	sadd.s32 $0xDF000, s0  }
0x8: {  	s21 =	simm.s32 $0x6;
	_ =	strace $0x8000004A;
	s8 =	sshll.u32 s1, $0x8  }
0x9: {  	s1 =	ssub.s32 $0x2, s1;
	s2 =	sor.u32 s8, s2;
	s8 =	sadd.s32 $0xD7200, s0  }
0xa: {  	s25 =	sshrl.u32 s1, $0x1;
	s10 =	sadd.s32 s2, s0;
	s2 =	sshll.u32 s2, $0x6  }
0xb: {  	s1 =	ssub.s32 s1, s25;
	s25 =	simm.s32 $0x9000;
	s0 =	sadd.s32 s2, s0  }
0xc: {  	s22 =	sadd.s32 $0xCB400, s10;
	s19 =	smax.u32 s1, $0x1;
	s2 =	simm.s32 $0x5  }
0xd: {  	s1 =	simm.s32 $0x0;
	s23 =	sadd.s32 $0x16AE00, s0;
	s24 =	sadd.s32 $0x16CE00, s0  }
0xe: {  	[dreg:$0x2] =	wrdreg s22;
	s26 =	sadd.s32 $0x16AE80, s0;
	s14 =	sadd.s32 $0x16CE80, s0  }
0xf: {  	s15 =	sadd.s32 $0x16AF00, s0;
	s16 =	sadd.s32 $0x16CF00, s0;
	[dreg:$0x3] =	wrdreg s23  }
0x10: {  	s17 =	sadd.s32 $0x16AF80, s0;
	s18 =	sadd.s32 $0x16CF80, s0;
	[dreg:$0x4] =	wrdreg s24  }
0x11: {  	s22 =	simm.s32 $0x7;
	s0 =	simm.s32 $0x3;
	[dreg:$0x5] =	wrdreg s26  }
0x12: {  	s23 =	simm.s32 $0x80;
	s24 =	simm.s32 $0x1000;
	s26 =	simm.s32 $0x400  }
.LBB2_1:
0x13: {  	s10 =	simm.s32 $0x0;
	s11 =	rddreg [dreg:$0x2];
	s12 =	simm.s32 $0x800  }
0x14: {  	[tilespmem:s10], [sflag:$0x7] =	stream.strided.gather [hbm4b:s11+s12], $0x1000, s13, s12, $0x38;
	[tilespmem:$0x11000] =	vst v63  }
0x15: {  	_ =	swait.ge [sflag:s22], $0x1000  }
0x16: {  	[sflag:s22] =	ssyncset.done $0x0  }
0x17: {  	[sflag:s22] =	ssyncadd.s32 $0xFFFFF000  }
0x18: {  	[tilespmem:s24], [sflag:$0x1] =	stream.indirect.gather [hbm4b:s3+s23], $0x80, s10, s23, $0xb8;
	[tilespmem:$0x11000] =	vst v63  }
0x19: {  	_ = 	snop  }
0x1a: {  	[tilespmem:s25], [sflag:$0x3] =	stream.indirect.gather [hbm4b:s4+s23], $0x80, s23, s23, $0xb8;
	[tilespmem:$0x11000] =	vst v63  }
0x1b: {  	_ = 	snop  }
0x1c: {  	[tilespmem:s28], [sflag:$0x2] =	stream.indirect.gather [hbm4b:s3+s23], $0x80, s26, s23, $0xb8;
	[tilespmem:$0x11000] =	vst v63  }
0x1d: {  	s12 =	simm.s32 $0x480  }
0x1e: {  	[tilespmem:s30], [sflag:$0x4] =	stream.indirect.gather [hbm4b:s4+s23], $0x80, s12, s23, $0xb8;
	[tilespmem:$0x11000] =	vst v63  }
0x1f: {  	_ =	swait.ge [sflag:s31], $0x4000  }
0x20: {  	[sflag:s31] =	ssyncset.done $0x0  }
0x21: {  	[sflag:s31] =	ssyncadd.s32 $0xFFFFC000  }
0x22: {  	_ =	swait.ge [sflag:s0], $0x4000  }
0x23: {  	[sflag:s0] =	ssyncset.done $0x0  }
0x24: {  	s10 =	simm.s32 $0x0;
	[sflag:s0] =	ssyncadd.s32 $0xFFFFC000  }
0x25: {  	v0 =	vld [tilespmem:s10+$0x9030]  }
0x26: {  	v1 =	vld [tilespmem:s10+$0x9000]  }
0x27: {  	v2 =	vld [tilespmem:s10+$0x9010]  }
0x28: {  	s11 =	simm.s32 $0x200;
	v3 =	vld [tilespmem:s10+$0x9020]  }
.LBB2_2:
0x29: {  	p0 =	sne.s32 s11, $0xFE00  }
.Ltmp0:
0x2a: {  	s12 =	sshra.s32 s11, $0x2;
	s11 =	sadd.s32 $0x200, s11;
	[tilespmem:s10+$0x1070] =	vst v0;
	(pc) =	sbr.rel @p0 .LBB2_2-.Ltmp0, $4  }
0x2b: {  	v0 =	vld [tilespmem:s12+$0x9030];
	[tilespmem:s10+$0x1040] =	vst v1  }
0x2c: {  	v1 =	vld [tilespmem:s12+$0x9000];
	[tilespmem:s10+$0x1050] =	vst v2  }
0x2d: {  	v2 =	vld [tilespmem:s12+$0x9010];
	[tilespmem:s10+$0x1060] =	vst v3;
	s10 =	smov.u32 s12  }
0x2e: {  	v3 =	vld [tilespmem:s10+$0x9020]  }
0x2f: {  	_ = 	snop  }
0x30: {  	[tilespmem:s10+$0x1070] =	vst v0  }
0x31: {  	[tilespmem:s10+$0x1040] =	vst v1  }
0x32: {  	[tilespmem:s10+$0x1050] =	vst v2  }
0x33: {  	s12 =	rddreg [dreg:$0x3];
	[tilespmem:s10+$0x1060] =	vst v3  }
0x34: {  	[hbm4b:s12+s26] =	stream.strided.scatter [tilespmem:s24], [sflag:$0x5], $0x4000, s24, s26, $0x38;
	[tilespmem:$0x11000] =	vst v63  }
0x35: {  	_ =	swait.ge [sflag:s2], $0x4000  }
0x36: {  	[sflag:s2] =	ssyncset.done $0x0  }
0x37: {  	s11 =	simm.s32 $0x100;
	[sflag:s2] =	ssyncadd.s32 $0xFFFFC000  }
0x38: {  	[tilespmem:s24], [sflag:$0x1] =	stream.indirect.gather [hbm4b:s5+s23], $0x80, s11, s23, $0xb8;
	[tilespmem:$0x11000] =	vst v63  }
0x39: {  	s12 =	simm.s32 $0x180  }
0x3a: {  	[tilespmem:s25], [sflag:$0x3] =	stream.indirect.gather [hbm4b:s6+s23], $0x80, s12, s23, $0xb8;
	[tilespmem:$0x11000] =	vst v63  }
0x3b: {  	_ =	swait.ge [sflag:s29], $0x4000  }
0x3c: {  	[sflag:s29] =	ssyncset.done $0x0  }
0x3d: {  	[sflag:s29] =	ssyncadd.s32 $0xFFFFC000  }
0x3e: {  	_ =	swait.ge [sflag:s20], $0x4000  }
0x3f: {  	[sflag:s20] =	ssyncset.done $0x0  }
0x40: {  	s10 =	simm.s32 $0x0;
	[sflag:s20] =	ssyncadd.s32 $0xFFFFC000  }
0x41: {  	v0 =	vld [tilespmem:s10+$0xD030]  }
0x42: {  	v1 =	vld [tilespmem:s10+$0xD000]  }
0x43: {  	v2 =	vld [tilespmem:s10+$0xD010]  }
0x44: {  	s11 =	simm.s32 $0x200;
	v3 =	vld [tilespmem:s10+$0xD020]  }
.LBB2_4:
0x45: {  	p0 =	sne.s32 s11, $0xFE00  }
.Ltmp1:
0x46: {  	s12 =	sshra.s32 s11, $0x2;
	s11 =	sadd.s32 $0x200, s11;
	[tilespmem:s10+$0x5070] =	vst v0;
	(pc) =	sbr.rel @p0 .LBB2_4-.Ltmp1, $4  }
0x47: {  	v0 =	vld [tilespmem:s12+$0xD030];
	[tilespmem:s10+$0x5040] =	vst v1  }
0x48: {  	v1 =	vld [tilespmem:s12+$0xD000];
	[tilespmem:s10+$0x5050] =	vst v2  }
0x49: {  	v2 =	vld [tilespmem:s12+$0xD010];
	[tilespmem:s10+$0x5060] =	vst v3;
	s10 =	smov.u32 s12  }
0x4a: {  	v3 =	vld [tilespmem:s10+$0xD020]  }
0x4b: {  	_ = 	snop  }
0x4c: {  	[tilespmem:s10+$0x5070] =	vst v0  }
0x4d: {  	[tilespmem:s10+$0x5040] =	vst v1  }
0x4e: {  	[tilespmem:s10+$0x5050] =	vst v2  }
0x4f: {  	s12 =	rddreg [dreg:$0x4];
	[tilespmem:s10+$0x5060] =	vst v3  }
0x50: {  	[hbm4b:s12+s26] =	stream.strided.scatter [tilespmem:s28], [sflag:$0x6], $0x4000, s24, s26, $0x38;
	[tilespmem:$0x11000] =	vst v63  }
0x51: {  	_ =	swait.ge [sflag:s21], $0x4000  }
0x52: {  	[sflag:s21] =	ssyncset.done $0x0  }
0x53: {  	s11 =	simm.s32 $0x500;
	[sflag:s21] =	ssyncadd.s32 $0xFFFFC000  }
0x54: {  	[tilespmem:s28], [sflag:$0x2] =	stream.indirect.gather [hbm4b:s5+s23], $0x80, s11, s23, $0xb8;
	[tilespmem:$0x11000] =	vst v63  }
0x55: {  	s12 =	simm.s32 $0x580  }
0x56: {  	[tilespmem:s30], [sflag:$0x4] =	stream.indirect.gather [hbm4b:s6+s23], $0x80, s12, s23, $0xb8;
	[tilespmem:$0x11000] =	vst v63  }
0x57: {  	_ =	swait.ge [sflag:s31], $0x4000  }
0x58: {  	[sflag:s31] =	ssyncset.done $0x0  }
0x59: {  	[sflag:s31] =	ssyncadd.s32 $0xFFFFC000  }
0x5a: {  	_ =	swait.ge [sflag:s0], $0x4000  }
0x5b: {  	[sflag:s0] =	ssyncset.done $0x0  }
0x5c: {  	s10 =	simm.s32 $0x0;
	[sflag:s0] =	ssyncadd.s32 $0xFFFFC000  }
0x5d: {  	v0 =	vld [tilespmem:s10+$0x9030]  }
0x5e: {  	v1 =	vld [tilespmem:s10+$0x9000]  }
0x5f: {  	v2 =	vld [tilespmem:s10+$0x9010]  }
0x60: {  	s11 =	simm.s32 $0x200;
	v3 =	vld [tilespmem:s10+$0x9020]  }
.LBB2_6:
0x61: {  	p0 =	sne.s32 s11, $0xFE00  }
.Ltmp2:
0x62: {  	s12 =	sshra.s32 s11, $0x2;
	s11 =	sadd.s32 $0x200, s11;
	[tilespmem:s10+$0x1070] =	vst v0;
	(pc) =	sbr.rel @p0 .LBB2_6-.Ltmp2, $4  }
0x63: {  	v0 =	vld [tilespmem:s12+$0x9030];
	[tilespmem:s10+$0x1040] =	vst v1  }
0x64: {  	v1 =	vld [tilespmem:s12+$0x9000];
	[tilespmem:s10+$0x1050] =	vst v2  }
0x65: {  	v2 =	vld [tilespmem:s12+$0x9010];
	[tilespmem:s10+$0x1060] =	vst v3;
	s10 =	smov.u32 s12  }
0x66: {  	v3 =	vld [tilespmem:s10+$0x9020]  }
0x67: {  	_ = 	snop  }
0x68: {  	[tilespmem:s10+$0x1070] =	vst v0  }
0x69: {  	[tilespmem:s10+$0x1040] =	vst v1  }
0x6a: {  	[tilespmem:s10+$0x1050] =	vst v2  }
0x6b: {  	s12 =	rddreg [dreg:$0x5];
	[tilespmem:s10+$0x1060] =	vst v3  }
0x6c: {  	[hbm4b:s12+s26] =	stream.strided.scatter [tilespmem:s24], [sflag:$0x5], $0x4000, s24, s26, $0x38;
	[tilespmem:$0x11000] =	vst v63  }
0x6d: {  	_ =	swait.ge [sflag:s2], $0x4000  }
0x6e: {  	[sflag:s2] =	ssyncset.done $0x0  }
0x6f: {  	s11 =	simm.s32 $0x200;
	[sflag:s2] =	ssyncadd.s32 $0xFFFFC000  }
0x70: {  	[tilespmem:s24], [sflag:$0x1] =	stream.indirect.gather [hbm4b:s7+s23], $0x80, s11, s23, $0xb8;
	[tilespmem:$0x11000] =	vst v63  }
0x71: {  	s12 =	simm.s32 $0x280  }
0x72: {  	[tilespmem:s25], [sflag:$0x3] =	stream.indirect.gather [hbm4b:s8+s23], $0x80, s12, s23, $0xb8;
	[tilespmem:$0x11000] =	vst v63  }
0x73: {  	_ =	swait.ge [sflag:s29], $0x4000  }
0x74: {  	[sflag:s29] =	ssyncset.done $0x0  }
0x75: {  	[sflag:s29] =	ssyncadd.s32 $0xFFFFC000  }
0x76: {  	_ =	swait.ge [sflag:s20], $0x4000  }
0x77: {  	[sflag:s20] =	ssyncset.done $0x0  }
0x78: {  	s10 =	simm.s32 $0x0;
	[sflag:s20] =	ssyncadd.s32 $0xFFFFC000  }
0x79: {  	v0 =	vld [tilespmem:s10+$0xD030]  }
0x7a: {  	v1 =	vld [tilespmem:s10+$0xD000]  }
0x7b: {  	v2 =	vld [tilespmem:s10+$0xD010]  }
0x7c: {  	s11 =	simm.s32 $0x200;
	v3 =	vld [tilespmem:s10+$0xD020]  }
.LBB2_8:
0x7d: {  	p0 =	sne.s32 s11, $0xFE00  }
.Ltmp3:
0x7e: {  	s12 =	sshra.s32 s11, $0x2;
	s11 =	sadd.s32 $0x200, s11;
	[tilespmem:s10+$0x5070] =	vst v0;
	(pc) =	sbr.rel @p0 .LBB2_8-.Ltmp3, $4  }
0x7f: {  	v0 =	vld [tilespmem:s12+$0xD030];
	[tilespmem:s10+$0x5040] =	vst v1  }
0x80: {  	v1 =	vld [tilespmem:s12+$0xD000];
	[tilespmem:s10+$0x5050] =	vst v2  }
0x81: {  	v2 =	vld [tilespmem:s12+$0xD010];
	[tilespmem:s10+$0x5060] =	vst v3;
	s10 =	smov.u32 s12  }
0x82: {  	v3 =	vld [tilespmem:s10+$0xD020]  }
0x83: {  	_ = 	snop  }
0x84: {  	[tilespmem:s10+$0x5070] =	vst v0  }
0x85: {  	[tilespmem:s10+$0x5040] =	vst v1  }
0x86: {  	[tilespmem:s10+$0x5050] =	vst v2  }
0x87: {  	[tilespmem:s10+$0x5060] =	vst v3  }
0x88: {  	[hbm4b:s14+s26] =	stream.strided.scatter [tilespmem:s28], [sflag:$0x6], $0x4000, s24, s26, $0x38;
	[tilespmem:$0x11000] =	vst v63  }
0x89: {  	_ =	swait.ge [sflag:s21], $0x4000  }
0x8a: {  	[sflag:s21] =	ssyncset.done $0x0  }
0x8b: {  	s11 =	simm.s32 $0x600;
	[sflag:s21] =	ssyncadd.s32 $0xFFFFC000  }
0x8c: {  	[tilespmem:s28], [sflag:$0x2] =	stream.indirect.gather [hbm4b:s7+s23], $0x80, s11, s23, $0xb8;
	[tilespmem:$0x11000] =	vst v63  }
0x8d: {  	s12 =	simm.s32 $0x680  }
0x8e: {  	[tilespmem:s30], [sflag:$0x4] =	stream.indirect.gather [hbm4b:s8+s23], $0x80, s12, s23, $0xb8;
	[tilespmem:$0x11000] =	vst v63  }
0x8f: {  	_ =	swait.ge [sflag:s31], $0x4000  }
0x90: {  	[sflag:s31] =	ssyncset.done $0x0  }
0x91: {  	[sflag:s31] =	ssyncadd.s32 $0xFFFFC000  }
0x92: {  	_ =	swait.ge [sflag:s0], $0x4000  }
0x93: {  	[sflag:s0] =	ssyncset.done $0x0  }
0x94: {  	s10 =	simm.s32 $0x0;
	[sflag:s0] =	ssyncadd.s32 $0xFFFFC000  }
0x95: {  	v0 =	vld [tilespmem:s10+$0x9030]  }
0x96: {  	v1 =	vld [tilespmem:s10+$0x9000]  }
0x97: {  	v2 =	vld [tilespmem:s10+$0x9010]  }
0x98: {  	s11 =	simm.s32 $0x200;
	v3 =	vld [tilespmem:s10+$0x9020]  }
.LBB2_10:
0x99: {  	p0 =	sne.s32 s11, $0xFE00  }
.Ltmp4:
0x9a: {  	s12 =	sshra.s32 s11, $0x2;
	s11 =	sadd.s32 $0x200, s11;
	[tilespmem:s10+$0x1070] =	vst v0;
	(pc) =	sbr.rel @p0 .LBB2_10-.Ltmp4, $4  }
0x9b: {  	v0 =	vld [tilespmem:s12+$0x9030];
	[tilespmem:s10+$0x1040] =	vst v1  }
0x9c: {  	v1 =	vld [tilespmem:s12+$0x9000];
	[tilespmem:s10+$0x1050] =	vst v2  }
0x9d: {  	v2 =	vld [tilespmem:s12+$0x9010];
	[tilespmem:s10+$0x1060] =	vst v3;
	s10 =	smov.u32 s12  }
0x9e: {  	v3 =	vld [tilespmem:s10+$0x9020]  }
0x9f: {  	_ = 	snop  }
0xa0: {  	[tilespmem:s10+$0x1070] =	vst v0  }
0xa1: {  	[tilespmem:s10+$0x1040] =	vst v1  }
0xa2: {  	[tilespmem:s10+$0x1050] =	vst v2  }
0xa3: {  	[tilespmem:s10+$0x1060] =	vst v3  }
0xa4: {  	[hbm4b:s15+s26] =	stream.strided.scatter [tilespmem:s24], [sflag:$0x5], $0x4000, s24, s26, $0x38;
	[tilespmem:$0x11000] =	vst v63  }
0xa5: {  	_ =	swait.ge [sflag:s2], $0x4000  }
0xa6: {  	[sflag:s2] =	ssyncset.done $0x0  }
0xa7: {  	s12 =	simm.s32 $0x300;
	[sflag:s2] =	ssyncadd.s32 $0xFFFFC000  }
0xa8: {  	[tilespmem:s24], [sflag:$0x1] =	stream.indirect.gather [hbm4b:s9+s23], $0x80, s12, s23, $0xb8;
	[tilespmem:$0x11000] =	vst v63  }
0xa9: {  	_ =	swait.ge [sflag:s29], $0x4000  }
0xaa: {  	[sflag:s29] =	ssyncset.done $0x0  }
0xab: {  	[sflag:s29] =	ssyncadd.s32 $0xFFFFC000  }
0xac: {  	_ =	swait.ge [sflag:s20], $0x4000  }
0xad: {  	[sflag:s20] =	ssyncset.done $0x0  }
0xae: {  	s10 =	simm.s32 $0x0;
	[sflag:s20] =	ssyncadd.s32 $0xFFFFC000  }
0xaf: {  	v0 =	vld [tilespmem:s10+$0xD030]  }
0xb0: {  	v1 =	vld [tilespmem:s10+$0xD000]  }
0xb1: {  	v2 =	vld [tilespmem:s10+$0xD010]  }
0xb2: {  	s11 =	simm.s32 $0x200;
	v3 =	vld [tilespmem:s10+$0xD020]  }
.LBB2_12:
0xb3: {  	p0 =	sne.s32 s11, $0xFE00  }
.Ltmp5:
0xb4: {  	s12 =	sshra.s32 s11, $0x2;
	s11 =	sadd.s32 $0x200, s11;
	[tilespmem:s10+$0x5070] =	vst v0;
	(pc) =	sbr.rel @p0 .LBB2_12-.Ltmp5, $4  }
0xb5: {  	v0 =	vld [tilespmem:s12+$0xD030];
	[tilespmem:s10+$0x5040] =	vst v1  }
0xb6: {  	v1 =	vld [tilespmem:s12+$0xD000];
	[tilespmem:s10+$0x5050] =	vst v2  }
0xb7: {  	v2 =	vld [tilespmem:s12+$0xD010];
	[tilespmem:s10+$0x5060] =	vst v3;
	s10 =	smov.u32 s12  }
0xb8: {  	v3 =	vld [tilespmem:s10+$0xD020]  }
0xb9: {  	_ = 	snop  }
0xba: {  	[tilespmem:s10+$0x5070] =	vst v0  }
0xbb: {  	[tilespmem:s10+$0x5040] =	vst v1  }
0xbc: {  	[tilespmem:s10+$0x5050] =	vst v2  }
0xbd: {  	[tilespmem:s10+$0x5060] =	vst v3  }
0xbe: {  	[hbm4b:s16+s26] =	stream.strided.scatter [tilespmem:s28], [sflag:$0x6], $0x4000, s24, s26, $0x38;
	[tilespmem:$0x11000] =	vst v63  }
0xbf: {  	_ =	swait.ge [sflag:s21], $0x4000  }
0xc0: {  	[sflag:s21] =	ssyncset.done $0x0  }
0xc1: {  	s12 =	simm.s32 $0x700;
	[sflag:s21] =	ssyncadd.s32 $0xFFFFC000  }
0xc2: {  	[tilespmem:s28], [sflag:$0x2] =	stream.indirect.gather [hbm4b:s9+s23], $0x80, s12, s23, $0xb8;
	[tilespmem:$0x11000] =	vst v63  }
0xc3: {  	_ =	swait.ge [sflag:s31], $0x4000  }
0xc4: {  	[sflag:s31] =	ssyncset.done $0x0  }
0xc5: {  	[sflag:s31] =	ssyncadd.s32 $0xFFFFC000  }
0xc6: {  	[hbm4b:s17+s26] =	stream.strided.scatter [tilespmem:s24], [sflag:$0x5], $0x4000, s24, s26, $0x38;
	[tilespmem:$0x11000] =	vst v63  }
0xc7: {  	_ =	swait.ge [sflag:s29], $0x4000  }
0xc8: {  	[sflag:s29] =	ssyncset.done $0x0  }
0xc9: {  	s1 =	sadd.s32 $0x1, s1;
	[sflag:s29] =	ssyncadd.s32 $0xFFFFC000  }
0xca: {  	[hbm4b:s18+s26] =	stream.strided.scatter [tilespmem:s28], [sflag:$0x6], $0x4000, s24, s26, $0x38;
	[tilespmem:$0x11000] =	vst v63  }
0xcb: {  	p0 =	sne.s32 s1, s19;
	_ =	swait.ge [sflag:s2], $0x4000  }
.Ltmp6:
0xcc: {  	[sflag:s2] =	ssyncset.done $0x0;
	(pc) =	sbr.rel @p0 .LBB2_1-.Ltmp6, $4  }
0xcd: {  	[sflag:s2] =	ssyncadd.s32 $0xFFFFC000  }
0xce: {  	_ =	swait.ge [sflag:s21], $0x4000  }
0xcf: {  	[sflag:s21] =	ssyncset.done $0x0  }
0xd0: {  	[sflag:s21] =	ssyncadd.s32 $0xFFFFC000  }
0xd1: {  	_ =	sfence.sel $0x180000  }
0xd2: {  	[bflag:$0x0] =	sbarrier.arrive $0xFFFF  }
0xd3: {  	_ =	strace $0x9000004A  }
0xd4: {  	s0 =	stileid.u32;
	[bflag:$0x2] =	sbarrier.arrive $0xFFFF  }
0xd5: {  	p0 =	sne.s32 s0, $0x0;
	s0 =	rddreg [dreg:$0x1]  }
0xd6: {  	s0 =	sadd.s32 @!p0 $0x100000, s0  }
0xd7: {  	[sflag:s0] =	ssyncadd.tile.s32 @!p0 $0x1;
	_ =	shalt  }
.Lfunc_end2:
_tile_overlayer_lowered:
.L_overlay_start_2:
0xd8: {  	(tag) =	ssettag $0x2  }
0xd9: {  	s0 =	rddreg [dreg:$0x0];
	s2 =	stileid.u32  }
0xda: {  	s1 =	rddreg [dreg:$0x1];
	p0 =	sne.s32 s2, $0x0  }
0xdb: {  	s3 =	rddreg [dreg:$0x2];
	[bflag:$0x3] =	sbarrier.arrive $0xFFFF;
	s2 =	simm.s32 @!p0 $0x1C08  }
0xdc: {  	[timem:s3], [sflag:s2] =	dma.local @!p0 [hbm:s0], s1  }
0xdd: {  	s0 =	simm.s32 @!p0 $0x8  }
0xde: {  	_ =	swait.ge @!p0 [sflag:s0], s1  }
0xdf: {  	s1 =	ssub.s32 @!p0 $0x0, s1;
	[sflag:s0] =	ssyncset.done @!p0 $0x0  }
0xe0: {  	[sflag:s0] =	ssyncadd.s32 @!p0 s1  }
0xe1: {  	[bflag:$0x3] =	sbarrier.arrive $0xFFFF  }
0xe2: {  	_ =	shalt  }

</sc_bundles>
